<compile_context>
chip_gen: v7x
topology: tpu7x:2x2x1
jax: 0.10.2.dev20260603
libtpu: 0.0.44.dev20260713+nightly
codegen_flags: <defaults>
</compile_context>

<pallas_src>
import jax
import jax.numpy as jnp
from jax import lax
from jax.experimental import pallas as pl
from jax.experimental.pallas import tpu as pltpu
from jax.experimental.pallas import tpu_sc as plsc

_N0, _E0 = 10000, 320000
_N1, _E1 = 2500, 40000
_D = 128
_NC, _NS = 2, 16
_NW = _NC * _NS
_CH0 = 80
_DG = 8
_CH1 = 128
_CC = 80
_N0P = 10240
_N1P = 2560
_E1P = 40960
_DW = 16
_BM0 = 400
_BM1 = 256

_mesh = plsc.VectorSubcoreMesh(core_axis_name="c", subcore_axis_name="s",
                               num_cores=_NC, num_subcores=_NS)
_sc_params = pltpu.CompilerParams(use_tc_tiling_on_sc=False)



def _seg_body(nch_w, rpt, nclch_w):
    npair = nch_w // 2
    tail = nch_w % 2

    def body(tab_hbm, src_hbm, dst_hbm, cl_hbm, ones_hbm, z128_hbm, z16_hbm,
             agg_out, deg_out, degc_out,
             sidx, didx, clidx, bufa, bufb, ones_v,
             acc_sh, deg_sh, degc_sh, sem):
        cid = lax.axis_index("c")
        sid = lax.axis_index("s")
        wid = cid * _NS + sid
        pltpu.sync_copy(z128_hbm.at[pl.ds(0, rpt)],
                        acc_sh.at[pl.ds(sid * rpt, rpt)])
        pltpu.sync_copy(z16_hbm.at[pl.ds(0, rpt)],
                        deg_sh.at[pl.ds(sid * rpt, rpt)])
        pltpu.sync_copy(z16_hbm.at[pl.ds(0, rpt)],
                        degc_sh.at[pl.ds(sid * rpt, rpt)])
        pltpu.sync_copy(cl_hbm.at[pl.ds(wid * nclch_w, nclch_w)], clidx)
        pltpu.sync_copy(ones_hbm, ones_v)
        pltpu.sync_copy(src_hbm.at[pl.ds(wid * nch_w, nch_w)], sidx)
        pltpu.sync_copy(dst_hbm.at[pl.ds(wid * nch_w, nch_w)], didx)
        plsc.subcore_barrier()

        def scat(buf, c):
            pltpu.sync_copy(buf, acc_sh.at[didx.at[c]], add=True)
            pltpu.sync_copy(ones_v, deg_sh.at[didx.at[c]], add=True)

        pltpu.async_copy(tab_hbm.at[sidx.at[0]], bufa, sem).wait()

        def pair(p, carry):
            c0 = 2 * p
            d1 = pltpu.async_copy(tab_hbm.at[sidx.at[c0 + 1]], bufb, sem)
            scat(bufa, c0)
            d1.wait()
            cnxt = jnp.minimum(c0 + 2, nch_w - 1)
            d2 = pltpu.async_copy(tab_hbm.at[sidx.at[cnxt]], bufa, sem)
            scat(bufb, c0 + 1)
            d2.wait()
            return carry

        lax.fori_loop(0, npair, pair, 0)
        if tail:
            scat(bufa, nch_w - 1)

        def cstep(q, carry):
            pltpu.sync_copy(ones_v.at[pl.ds(0, _CC)],
                            degc_sh.at[clidx.at[q]], add=True)
            return carry
        lax.fori_loop(0, nclch_w, cstep, 0)

        plsc.subcore_barrier()
        pltpu.sync_copy(acc_sh.at[pl.ds(sid * rpt, rpt)],
                        agg_out.at[cid].at[pl.ds(sid * rpt, rpt)])
        pltpu.sync_copy(deg_sh.at[pl.ds(sid * rpt, rpt)],
                        deg_out.at[cid].at[pl.ds(sid * rpt, rpt)])
        pltpu.sync_copy(degc_sh.at[pl.ds(sid * rpt, rpt)],
                        degc_out.at[cid].at[pl.ds(sid * rpt, rpt)])
    return body


def _g0_body(nch_w, rpt):
    npair = nch_w // 2
    tail = nch_w % 2

    def body(tab_hbm, src_hbm, dst_hbm, z128_hbm, z8_hbm, ones_hbm,
             agg_out, deg_out, sidx, didx, bufa, bufb, ones_v,
             acc_sh, deg_sh, sem):
        cid = lax.axis_index("c")
        sid = lax.axis_index("s")
        wid = cid * _NS + sid
        pltpu.sync_copy(z128_hbm.at[pl.ds(0, rpt)],
                        acc_sh.at[pl.ds(sid * rpt, rpt)])
        pltpu.sync_copy(z8_hbm.at[pl.ds(0, rpt)],
                        deg_sh.at[pl.ds(sid * rpt, rpt)])
        pltpu.sync_copy(ones_hbm, ones_v)
        pltpu.sync_copy(src_hbm.at[pl.ds(wid * nch_w, nch_w)], sidx)
        pltpu.sync_copy(dst_hbm.at[pl.ds(wid * nch_w, nch_w)], didx)
        plsc.subcore_barrier()

        def scat(buf, c):
            pltpu.sync_copy(buf, acc_sh.at[didx.at[c]], add=True)
            pltpu.sync_copy(ones_v, deg_sh.at[didx.at[c]], add=True)

        pltpu.async_copy(tab_hbm.at[sidx.at[0]], bufa, sem).wait()

        def pair(p, carry):
            c0 = 2 * p
            d1 = pltpu.async_copy(tab_hbm.at[sidx.at[c0 + 1]], bufb, sem)
            scat(bufa, c0)
            d1.wait()
            cnxt = jnp.minimum(c0 + 2, nch_w - 1)
            d2 = pltpu.async_copy(tab_hbm.at[sidx.at[cnxt]], bufa, sem)
            scat(bufb, c0 + 1)
            d2.wait()
            return carry

        lax.fori_loop(0, npair, pair, 0)
        if tail:
            scat(bufa, nch_w - 1)
        plsc.subcore_barrier()
        pltpu.sync_copy(acc_sh.at[pl.ds(sid * rpt, rpt)],
                        agg_out.at[cid].at[pl.ds(sid * rpt, rpt)])
        pltpu.sync_copy(deg_sh.at[pl.ds(sid * rpt, rpt)],
                        deg_out.at[cid].at[pl.ds(sid * rpt, rpt)])
    return body


def _inter_body(nch_w, rpt):
    npair = nch_w // 2

    def body(h1_hbm, h0_hbm, cl_hbm, z128_hbm, g1_out, csum_out,
             cidx, ba1, ba0, bb1, bb0, csum_sh, sem1, sem0):
        cid = lax.axis_index("c")
        sid = lax.axis_index("s")
        wid = cid * _NS + sid
        pltpu.sync_copy(z128_hbm.at[pl.ds(0, rpt)],
                        csum_sh.at[pl.ds(sid * rpt, rpt)])
        pltpu.sync_copy(cl_hbm.at[pl.ds(wid * nch_w, nch_w)], cidx)
        plsc.subcore_barrier()

        def issue(c, b1, b0):
            d1 = pltpu.async_copy(h1_hbm.at[cidx.at[c]], b1, sem1)
            d0 = pltpu.async_copy(h0_hbm.at[pl.ds((wid * nch_w + c) * _CC,
                                                  _CC)], b0, sem0)
            return d1, d0

        def drain(c, b1, b0):
            pltpu.sync_copy(b1, g1_out.at[pl.ds((wid * nch_w + c) * _CC,
                                                _CC)])
            pltpu.sync_copy(b0, csum_sh.at[cidx.at[c]], add=True)

        da, db = issue(0, ba1, ba0)
        da.wait()
        db.wait()

        def pair(p, carry):
            c0 = 2 * p
            d1, d0 = issue(c0 + 1, bb1, bb0)
            drain(c0, ba1, ba0)
            d1.wait()
            d0.wait()
            cnxt = jnp.minimum(c0 + 2, nch_w - 1)
            d1, d0 = issue(cnxt, ba1, ba0)
            drain(c0 + 1, bb1, bb0)
            d1.wait()
            d0.wait()
            return carry

        lax.fori_loop(0, npair, pair, 0)
        plsc.subcore_barrier()
        pltpu.sync_copy(csum_sh.at[pl.ds(sid * rpt, rpt)],
                        csum_out.at[cid].at[pl.ds(sid * rpt, rpt)])
    return body



def _h0_body(x_ref, p_ref, d_ref, ws_ref, wn_ref, o_ref):
    deg = d_ref[0] + d_ref[1]
    psum = p_ref[0].astype(jnp.float32) + p_ref[1].astype(jnp.float32)
    agg = psum * (1.0 / jnp.maximum(deg[:, :1], 1.0))
    o_ref[...] = jnp.maximum(
        jnp.dot(x_ref[...], ws_ref[...], preferred_element_type=jnp.float32)
        + jnp.dot(agg, wn_ref[...], preferred_element_type=jnp.float32), 0.0)


def _comb0_body(x_ref, h_ref, g_ref, wsi_ref, wni_ref, o_ref):
    h = h_ref[...]
    nz = jnp.maximum(
        jnp.dot(h, wsi_ref[...], preferred_element_type=jnp.float32)
        + jnp.dot(g_ref[...], wni_ref[...], preferred_element_type=jnp.float32),
        0.0)
    o_ref[...] = x_ref[...] + 0.5 * h + 0.5 * nz


def _comb1_body(x_ref, h_ref, c_ref, dc_ref, wsi_ref, wni_ref, o_ref):
    dc = dc_ref[0] + dc_ref[1]
    aggc = (c_ref[0] + c_ref[1]) * (1.0 / jnp.maximum(dc[:, :1], 1.0))
    h = h_ref[...]
    nz = jnp.maximum(
        jnp.dot(h, wsi_ref[...], preferred_element_type=jnp.float32)
        + jnp.dot(aggc, wni_ref[...], preferred_element_type=jnp.float32),
        0.0)
    o_ref[...] = x_ref[...] + 0.5 * h + 0.5 * nz


def _row_spec(bm, d):
    return pl.BlockSpec((bm, d), lambda i: (i, 0))


def _part_spec(bm, d):
    return pl.BlockSpec((2, bm, d), lambda i: (0, i, 0))


def _w_spec():
    return pl.BlockSpec((_D, _D), lambda i: (0, 0))



def kernel(x0, x1, edge_index0, edge_index1, inter_edge_index,
           W_self0, W_neigh0, W_self1, W_neigh1, W_self_i, W_neigh_i):
    f32 = jnp.float32
    x1p = jnp.pad(x1, ((0, _N1P - _N1), (0, 0)))
    pad1 = _N1 + jnp.arange(_E1P - _E1, dtype=jnp.int32) % (_N1P - _N1)
    padc = _N1 + jnp.arange(_N0P - _N0, dtype=jnp.int32) % (_N1P - _N1)
    src0 = edge_index0[0].reshape(_E0 // _CH0, _CH0)
    dst0 = edge_index0[1].reshape(_E0 // _CH0, _CH0)
    src1 = jnp.pad(edge_index1[0], (0, _E1P - _E1)).reshape(_E1P // _CH1, _CH1)
    dst1 = jnp.concatenate([edge_index1[1], pad1]).reshape(_E1P // _CH1, _CH1)
    cluster = inter_edge_index[1, :_N0] - _N0
    clp = jnp.concatenate([cluster, padc]).reshape(_N0P // _CC, _CC)
    ones16 = jnp.ones((_CH1, _DW), f32)
    ones8 = jnp.ones((_CH0, _DG), f32)
    rpt1 = _N1P // _NS
    rpt0 = _N0 // _NS
    z16 = jnp.zeros((rpt1, _DW), f32)
    z8 = jnp.zeros((rpt0, _DG), f32)
    z128 = jnp.zeros((rpt0, _D), f32)

    nch1 = _E1P // _CH1 // _NW
    nchc = _N0P // _CC // _NW
    nch0 = _E0 // _CH0 // _NW

    bf16 = jnp.bfloat16
    x0h = x0.astype(bf16)
    zb = jnp.zeros((rpt0, _D), bf16)
    agg0, deg0 = pl.kernel(
        _g0_body(nch0, rpt0),
        out_type=(jax.ShapeDtypeStruct((_NC, _N0, _D), bf16),
                  jax.ShapeDtypeStruct((_NC, _N0, _DG), f32)),
        mesh=_mesh,
        scratch_types=[
            pltpu.VMEM((nch0, _CH0), jnp.int32),
            pltpu.VMEM((nch0, _CH0), jnp.int32),
            pltpu.VMEM((_CH0, _D), bf16),
            pltpu.VMEM((_CH0, _D), bf16),
            pltpu.VMEM((_CH0, _DG), f32),
            pltpu.VMEM_SHARED((_N0, _D), bf16),
            pltpu.VMEM_SHARED((_N0, _DG), f32),
            pltpu.SemaphoreType.DMA,
        ],
        name="sc_seg_g0",
        compiler_params=_sc_params,
    )(x0h, src0, dst0, zb, z8, ones8)

    x1h = x1.astype(bf16)
    agg1, deg1, degc = pl.kernel(
        _seg_body(nch1, rpt1, nchc),
        out_type=(jax.ShapeDtypeStruct((_NC, _N1P, _D), bf16),
                  jax.ShapeDtypeStruct((_NC, _N1P, _DW), f32),
                  jax.ShapeDtypeStruct((_NC, _N1P, _DW), f32)),
        mesh=_mesh,
        scratch_types=[
            pltpu.VMEM((nch1, _CH1), jnp.int32),
            pltpu.VMEM((nch1, _CH1), jnp.int32),
            pltpu.VMEM((nchc, _CC), jnp.int32),
            pltpu.VMEM((_CH1, _D), bf16),
            pltpu.VMEM((_CH1, _D), bf16),
            pltpu.VMEM((_CH1, _DW), f32),
            pltpu.VMEM_SHARED((_N1P, _D), bf16),
            pltpu.VMEM_SHARED((_N1P, _DW), f32),
            pltpu.VMEM_SHARED((_N1P, _DW), f32),
            pltpu.SemaphoreType.DMA,
        ],
        name="sc_seg_g1",
        compiler_params=_sc_params,
    )(x1h, src1, dst1, clp, ones16, zb, z16)

    h1p = pl.pallas_call(
        _h0_body,
        grid=(_N1P // _BM1,),
        in_specs=[_row_spec(_BM1, _D), _part_spec(_BM1, _D),
                  _part_spec(_BM1, _DW), _w_spec(), _w_spec()],
        out_specs=_row_spec(_BM1, _D),
        out_shape=jax.ShapeDtypeStruct((_N1P, _D), f32),
    )(x1p, agg1, deg1, W_self1, W_neigh1)
    h0p = pl.pallas_call(
        _h0_body,
        grid=(_N0 // _BM0,),
        in_specs=[_row_spec(_BM0, _D), _part_spec(_BM0, _D),
                  _part_spec(_BM0, _DG), _w_spec(), _w_spec()],
        out_specs=_row_spec(_BM0, _D),
        out_shape=jax.ShapeDtypeStruct((_N0P, _D), f32),
    )(x0, agg0, deg0, W_self0, W_neigh0)

    g1, csum = pl.kernel(
        _inter_body(nchc, rpt1),
        out_type=(jax.ShapeDtypeStruct((_N0P, _D), f32),
                  jax.ShapeDtypeStruct((_NC, _N1P, _D), f32)),
        mesh=_mesh,
        scratch_types=[
            pltpu.VMEM((nchc, _CC), jnp.int32),
            pltpu.VMEM((_CC, _D), f32),
            pltpu.VMEM((_CC, _D), f32),
            pltpu.VMEM((_CC, _D), f32),
            pltpu.VMEM((_CC, _D), f32),
            pltpu.VMEM_SHARED((_N1P, _D), f32),
            pltpu.SemaphoreType.DMA,
            pltpu.SemaphoreType.DMA,
        ],
        name="sc_inter",
        compiler_params=_sc_params,
    )(h1p, h0p, clp, z128)

    out0 = pl.pallas_call(
        _comb0_body,
        grid=(_N0 // _BM0,),
        in_specs=[_row_spec(_BM0, _D), _row_spec(_BM0, _D),
                  _row_spec(_BM0, _D), _w_spec(), _w_spec()],
        out_specs=_row_spec(_BM0, _D),
        out_shape=jax.ShapeDtypeStruct((_N0, _D), f32),
    )(x0, h0p, g1, W_self_i, W_neigh_i)

    out1p = pl.pallas_call(
        _comb1_body,
        grid=(_N1P // _BM1,),
        in_specs=[_row_spec(_BM1, _D), _row_spec(_BM1, _D),
                  _part_spec(_BM1, _D), _part_spec(_BM1, _DW),
                  _w_spec(), _w_spec()],
        out_specs=_row_spec(_BM1, _D),
        out_shape=jax.ShapeDtypeStruct((_N1P, _D), f32),
    )(x1p, h1p, csum, degc, W_self_i, W_neigh_i)

    return (out0, out1p[:_N1])

# --- scband reference (transcript-rebuilt; emitter-appended) ---
"""Pipeline reference for scband-mee-layer-7902739824900 (READ-ONLY COPY).

The authoritative reference and input builder live on the scoring server;
editing this copy changes nothing except your own understanding.
"""

import jax, jax.numpy as jnp
import numpy as np

N0, E0 = 10000, 320000
N1, E1 = 2500, 40000
D = 128
STEM_BETA, BRANCH_BETA = 1.0, 0.5
KEEP_BETA, CROSS_BETA = 1.0, 1.0


def _gconv(edge_index, x, W_self, W_neigh, n_nodes):
    # GraphConv with mean aggregation: h' = relu(x @ W_self + mean_agg(x) @ W_neigh)
    src = edge_index[0]
    dst = edge_index[1]
    msg = jnp.take(x, src, axis=0)                      # gather (SparseCore)
    agg = jax.ops.segment_sum(msg, dst, num_segments=n_nodes)  # scatter-add
    deg = jax.ops.segment_sum(jnp.ones((edge_index.shape[1],), x.dtype), dst, num_segments=n_nodes)
    agg = agg / jnp.maximum(deg, 1.0)[:, None]
    return jax.nn.relu(x @ W_self + agg @ W_neigh)


def setup_inputs(seed: int = 0) -> dict:
    key = jax.random.key(seed)
    ks = jax.random.split(key, 12)
    x0 = jax.random.normal(ks[0], (N0, D), dtype=jnp.float32)
    x1 = jax.random.normal(ks[1], (N1, D), dtype=jnp.float32)
    edge_index0 = jax.random.randint(ks[2], (2, E0), 0, N0, dtype=jnp.int32)
    edge_index1 = jax.random.randint(ks[3], (2, E1), 0, N1, dtype=jnp.int32)
    cluster = jax.random.randint(ks[4], (N0,), 0, N1, dtype=jnp.int32)
    # inter-graph: bipartite fused graph over N0+N1 nodes, edges fine<->coarse per cluster
    fine = jnp.arange(N0, dtype=jnp.int32)
    coarse = cluster + N0
    src = jnp.concatenate([fine, coarse])
    dst = jnp.concatenate([coarse, fine])
    inter_edge_index = jnp.stack([src, dst], axis=0)
    scale = 1.0 / np.sqrt(D)
    W_self0 = jax.random.normal(ks[5], (D, D), dtype=jnp.float32) * scale
    W_neigh0 = jax.random.normal(ks[6], (D, D), dtype=jnp.float32) * scale
    W_self1 = jax.random.normal(ks[7], (D, D), dtype=jnp.float32) * scale
    W_neigh1 = jax.random.normal(ks[8], (D, D), dtype=jnp.float32) * scale
    W_self_i = jax.random.normal(ks[9], (D, D), dtype=jnp.float32) * scale
    W_neigh_i = jax.random.normal(ks[10], (D, D), dtype=jnp.float32) * scale
    return {"x0": x0, "x1": x1, "edge_index0": edge_index0, "edge_index1": edge_index1,
            "inter_edge_index": inter_edge_index,
            "W_self0": W_self0, "W_neigh0": W_neigh0,
            "W_self1": W_self1, "W_neigh1": W_neigh1,
            "W_self_i": W_self_i, "W_neigh_i": W_neigh_i}


def reference(x0, x1, edge_index0, edge_index1, inter_edge_index,
              W_self0, W_neigh0, W_self1, W_neigh1, W_self_i, W_neigh_i):
    # MeeLayer.forward with height=2, start_height=0, end_height=1,
    # vertical_first=False, cross_update_method='conv', no fusion_fc, no dropout.
    # 1) rightward (intra) update on each height
    h0 = _gconv(edge_index0, x0, W_self0, W_neigh0, N0)
    h1 = _gconv(edge_index1, x1, W_self1, W_neigh1, N1)
    # 2) vertical (cross) update via inter-conv on fused graph
    #    get_index_of_fused_groups with batch=1 -> x_idx=[0..N0), y_idx=[N0..N0+N1)
    cat_xy = jnp.concatenate([h0, h1], axis=0)
    nz = _gconv(inter_edge_index, cat_xy, W_self_i, W_neigh_i, N0 + N1)
    new_h0 = h0 * KEEP_BETA + nz[:N0] * CROSS_BETA
    new_h1 = h1 * KEEP_BETA + nz[N0:] * CROSS_BETA
    # 3) residual_when_same_shape with stem/branch betas
    out0 = x0 * STEM_BETA + new_h0 * BRANCH_BETA
    out1 = x1 * STEM_BETA + new_h1 * BRANCH_BETA
    return (out0, out1)

if __name__ == "__main__":
    import jax
    _d = setup_inputs()
    print(jax.jit(kernel)(*tuple(_d.values())))

</pallas_src>

<mosaic_0001>
#map = affine_map<(d0, d1) -> (0, 0)>
#map1 = affine_map<(d0, d1) -> (0, 0, 0)>
module attributes {stable_mosaic.version = 14 : i64} {
  func.func @sc_seg_g0(%arg0: i32, %arg1: i32, %arg2: memref<10000x128xbf16, #tpu.memory_space<hbm>>, %arg3: memref<4000x80xi32, #tpu.memory_space<hbm>>, %arg4: memref<4000x80xi32, #tpu.memory_space<hbm>>, %arg5: memref<625x128xbf16, #tpu.memory_space<hbm>>, %arg6: memref<625x8xf32, #tpu.memory_space<hbm>>, %arg7: memref<80x8xf32, #tpu.memory_space<hbm>>, %arg8: memref<2x10000x128xbf16, #tpu.memory_space<hbm>>, %arg9: memref<2x10000x8xf32, #tpu.memory_space<hbm>>, %arg10: memref<125x80xi32, #tpu.memory_space<vmem>>, %arg11: memref<125x80xi32, #tpu.memory_space<vmem>>, %arg12: memref<80x128xbf16, #tpu.memory_space<vmem>>, %arg13: memref<80x128xbf16, #tpu.memory_space<vmem>>, %arg14: memref<80x8xf32, #tpu.memory_space<vmem>>, %arg15: memref<10000x128xbf16, #tpu.memory_space<vmem_shared>>, %arg16: memref<10000x8xf32, #tpu.memory_space<vmem_shared>>, %arg17: memref<!tpu.dma_semaphore, #tpu.memory_space<semaphore_mem>>) attributes {dimension_semantics = [#tpu.dimension_semantics<core_parallel>, #tpu.dimension_semantics<subcore_parallel>], iteration_bounds = array<i64: 2, 16>, scalar_prefetch = 0 : i64, scratch_operands = 8 : i64, tpu.core_type = #tpu.core_type<sc_vector_subcore>, window_params = [{transform_indices = #map}, {transform_indices = #map}, {transform_indices = #map}, {transform_indices = #map}, {transform_indices = #map}, {transform_indices = #map}, {transform_indices = #map1}, {transform_indices = #map1}]} {
    %mul3A = arith.constant 16 : i32
    %mul3A_0 = arith.muli %arg0, %mul3A : i32
    %add3A = arith.addi %mul3A_0, %arg1 : i32
    %mul3A_1 = arith.constant 625 : i32
    %mul3A_2 = arith.muli %arg1, %mul3A_1 : i32
    "tpu.region"() ({
      %run_scoped3A_36 = tpu.sem_alloc : memref<!tpu.dma_semaphore, #tpu.memory_space<semaphore_mem>>
      %dma_start3A_37 = arith.constant 0 : i32
      %dma_start3A_38 = tpu.memref_slice %arg15[%mul3A_2, %dma_start3A_37] : memref<10000x128xbf16, #tpu.memory_space<vmem_shared>> -> memref<625x128xbf16, #tpu.memory_space<vmem_shared>>
      %dma_start3A_39 = arith.constant 0 : i32
      %dma_start3A_40 = arith.constant 0 : i32
      %dma_start3A_41 = tpu.memref_slice %arg5[%dma_start3A_39, %dma_start3A_40] : memref<625x128xbf16, #tpu.memory_space<hbm>> -> memref<625x128xbf16, #tpu.memory_space<hbm>>
      tpu.enqueue_dma source(%dma_start3A_41 : memref<625x128xbf16, #tpu.memory_space<hbm>>) target(%dma_start3A_38 : memref<625x128xbf16, #tpu.memory_space<vmem_shared>>) target_semaphore(%run_scoped3A_36 : memref<!tpu.dma_semaphore, #tpu.memory_space<semaphore_mem>>)
      %dma_wait3A_42 = arith.constant 0 : i32
      %dma_wait3A_43 = tpu.memref_slice %arg15[%mul3A_2, %dma_wait3A_42] : memref<10000x128xbf16, #tpu.memory_space<vmem_shared>> -> memref<625x128xbf16, #tpu.memory_space<vmem_shared>>
      %dma_wait3A_44 = arith.constant 0 : i32
      %dma_wait3A_45 = arith.constant 0 : i32
      %dma_wait3A_46 = tpu.memref_slice %arg5[%dma_wait3A_44, %dma_wait3A_45] : memref<625x128xbf16, #tpu.memory_space<hbm>> -> memref<625x128xbf16, #tpu.memory_space<hbm>>
      tpu.wait_dma2 semaphore(%run_scoped3A_36 : memref<!tpu.dma_semaphore, #tpu.memory_space<semaphore_mem>>) src(%dma_wait3A_46 : memref<625x128xbf16, #tpu.memory_space<hbm>>) dst(%dma_wait3A_43 : memref<625x128xbf16, #tpu.memory_space<vmem_shared>>)
      tpu.yield
    }) : () -> ()
    %mul3A_3 = arith.constant 625 : i32
    %mul3A_4 = arith.muli %arg1, %mul3A_3 : i32
    "tpu.region"() ({
      %run_scoped3A_36 = tpu.sem_alloc : memref<!tpu.dma_semaphore, #tpu.memory_space<semaphore_mem>>
      %dma_start3A_37 = arith.constant 0 : i32
      %dma_start3A_38 = tpu.memref_slice %arg16[%mul3A_4, %dma_start3A_37] : memref<10000x8xf32, #tpu.memory_space<vmem_shared>> -> memref<625x8xf32, #tpu.memory_space<vmem_shared>>
      %dma_start3A_39 = arith.constant 0 : i32
      %dma_start3A_40 = arith.constant 0 : i32
      %dma_start3A_41 = tpu.memref_slice %arg6[%dma_start3A_39, %dma_start3A_40] : memref<625x8xf32, #tpu.memory_space<hbm>> -> memref<625x8xf32, #tpu.memory_space<hbm>>
      tpu.enqueue_dma source(%dma_start3A_41 : memref<625x8xf32, #tpu.memory_space<hbm>>) target(%dma_start3A_38 : memref<625x8xf32, #tpu.memory_space<vmem_shared>>) target_semaphore(%run_scoped3A_36 : memref<!tpu.dma_semaphore, #tpu.memory_space<semaphore_mem>>)
      %dma_wait3A_42 = arith.constant 0 : i32
      %dma_wait3A_43 = tpu.memref_slice %arg16[%mul3A_4, %dma_wait3A_42] : memref<10000x8xf32, #tpu.memory_space<vmem_shared>> -> memref<625x8xf32, #tpu.memory_space<vmem_shared>>
      %dma_wait3A_44 = arith.constant 0 : i32
      %dma_wait3A_45 = arith.constant 0 : i32
      %dma_wait3A_46 = tpu.memref_slice %arg6[%dma_wait3A_44, %dma_wait3A_45] : memref<625x8xf32, #tpu.memory_space<hbm>> -> memref<625x8xf32, #tpu.memory_space<hbm>>
      tpu.wait_dma2 semaphore(%run_scoped3A_36 : memref<!tpu.dma_semaphore, #tpu.memory_space<semaphore_mem>>) src(%dma_wait3A_46 : memref<625x8xf32, #tpu.memory_space<hbm>>) dst(%dma_wait3A_43 : memref<625x8xf32, #tpu.memory_space<vmem_shared>>)
      tpu.yield
    }) : () -> ()
    "tpu.region"() ({
      %run_scoped3A_36 = tpu.sem_alloc : memref<!tpu.dma_semaphore, #tpu.memory_space<semaphore_mem>>
      tpu.enqueue_dma source(%arg7 : memref<80x8xf32, #tpu.memory_space<hbm>>) target(%arg14 : memref<80x8xf32, #tpu.memory_space<vmem>>) target_semaphore(%run_scoped3A_36 : memref<!tpu.dma_semaphore, #tpu.memory_space<semaphore_mem>>)
      tpu.wait_dma2 semaphore(%run_scoped3A_36 : memref<!tpu.dma_semaphore, #tpu.memory_space<semaphore_mem>>) src(%arg7 : memref<80x8xf32, #tpu.memory_space<hbm>>) dst(%arg14 : memref<80x8xf32, #tpu.memory_space<vmem>>)
      tpu.yield
    }) : () -> ()
    %mul3A_5 = arith.constant 125 : i32
    %mul3A_6 = arith.muli %add3A, %mul3A_5 : i32
    "tpu.region"() ({
      %run_scoped3A_36 = tpu.sem_alloc : memref<!tpu.dma_semaphore, #tpu.memory_space<semaphore_mem>>
      %dma_start3A_37 = arith.constant 0 : i32
      %dma_start3A_38 = tpu.memref_slice %arg3[%mul3A_6, %dma_start3A_37] : memref<4000x80xi32, #tpu.memory_space<hbm>> -> memref<125x80xi32, #tpu.memory_space<hbm>>
      %dma_start3A_39 = arith.constant 0 : i32
      %dma_start3A_40 = tpu.memref_slice %arg3[%mul3A_6, %dma_start3A_39] : memref<4000x80xi32, #tpu.memory_space<hbm>> -> memref<125x80xi32, #tpu.memory_space<hbm>>
      tpu.enqueue_dma source(%dma_start3A_40 : memref<125x80xi32, #tpu.memory_space<hbm>>) target(%arg10 : memref<125x80xi32, #tpu.memory_space<vmem>>) target_semaphore(%run_scoped3A_36 : memref<!tpu.dma_semaphore, #tpu.memory_space<semaphore_mem>>)
      %dma_wait3A_41 = arith.constant 0 : i32
      %dma_wait3A_42 = tpu.memref_slice %arg3[%mul3A_6, %dma_wait3A_41] : memref<4000x80xi32, #tpu.memory_space<hbm>> -> memref<125x80xi32, #tpu.memory_space<hbm>>
      %dma_wait3A_43 = arith.constant 0 : i32
      %dma_wait3A_44 = tpu.memref_slice %arg3[%mul3A_6, %dma_wait3A_43] : memref<4000x80xi32, #tpu.memory_space<hbm>> -> memref<125x80xi32, #tpu.memory_space<hbm>>
      tpu.wait_dma2 semaphore(%run_scoped3A_36 : memref<!tpu.dma_semaphore, #tpu.memory_space<semaphore_mem>>) src(%dma_wait3A_44 : memref<125x80xi32, #tpu.memory_space<hbm>>) dst(%arg10 : memref<125x80xi32, #tpu.memory_space<vmem>>)
      tpu.yield
    }) : () -> ()
    %mul3A_7 = arith.constant 125 : i32
    %mul3A_8 = arith.muli %add3A, %mul3A_7 : i32
    "tpu.region"() ({
      %run_scoped3A_36 = tpu.sem_alloc : memref<!tpu.dma_semaphore, #tpu.memory_space<semaphore_mem>>
      %dma_start3A_37 = arith.constant 0 : i32
      %dma_start3A_38 = tpu.memref_slice %arg4[%mul3A_8, %dma_start3A_37] : memref<4000x80xi32, #tpu.memory_space<hbm>> -> memref<125x80xi32, #tpu.memory_space<hbm>>
      %dma_start3A_39 = arith.constant 0 : i32
      %dma_start3A_40 = tpu.memref_slice %arg4[%mul3A_8, %dma_start3A_39] : memref<4000x80xi32, #tpu.memory_space<hbm>> -> memref<125x80xi32, #tpu.memory_space<hbm>>
      tpu.enqueue_dma source(%dma_start3A_40 : memref<125x80xi32, #tpu.memory_space<hbm>>) target(%arg11 : memref<125x80xi32, #tpu.memory_space<vmem>>) target_semaphore(%run_scoped3A_36 : memref<!tpu.dma_semaphore, #tpu.memory_space<semaphore_mem>>)
      %dma_wait3A_41 = arith.constant 0 : i32
      %dma_wait3A_42 = tpu.memref_slice %arg4[%mul3A_8, %dma_wait3A_41] : memref<4000x80xi32, #tpu.memory_space<hbm>> -> memref<125x80xi32, #tpu.memory_space<hbm>>
      %dma_wait3A_43 = arith.constant 0 : i32
      %dma_wait3A_44 = tpu.memref_slice %arg4[%mul3A_8, %dma_wait3A_43] : memref<4000x80xi32, #tpu.memory_space<hbm>> -> memref<125x80xi32, #tpu.memory_space<hbm>>
      tpu.wait_dma2 semaphore(%run_scoped3A_36 : memref<!tpu.dma_semaphore, #tpu.memory_space<semaphore_mem>>) src(%dma_wait3A_44 : memref<125x80xi32, #tpu.memory_space<hbm>>) dst(%arg11 : memref<125x80xi32, #tpu.memory_space<vmem>>)
      tpu.yield
    }) : () -> ()
    %barrier3A = arith.constant 0 : index
    tpu.barrier barrier_id(%barrier3A)
    %dma_start3A = arith.constant 0 : i32
    %dma_start3A_9 = arith.constant 0 : i32
    %dma_start3A_10 = tpu.memref_slice %arg10[%dma_start3A, %dma_start3A_9] : memref<125x80xi32, #tpu.memory_space<vmem>> -> memref<1x80xi32, #tpu.memory_space<vmem>>
    %dma_start3A_11 = tpu.memref_squeeze %dma_start3A_10 : memref<1x80xi32, #tpu.memory_space<vmem>> -> memref<80xi32, #tpu.memory_space<vmem>>
    %dma_start3A_12 = arith.constant 0 : i32
    %dma_start3A_13 = arith.constant 0 : i32
    %dma_start3A_14 = tpu.memref_slice %arg2[%dma_start3A_12, %dma_start3A_13] : memref<10000x128xbf16, #tpu.memory_space<hbm>> -> memref<10000x128xbf16, #tpu.memory_space<hbm>>
    tpu.enqueue_indirect_dma source(%dma_start3A_14 : memref<10000x128xbf16, #tpu.memory_space<hbm>>) target(%arg12 : memref<80x128xbf16, #tpu.memory_space<vmem>>) offsets(%dma_start3A_11 : memref<80xi32, #tpu.memory_space<vmem>>) semaphore(%arg17 : memref<!tpu.dma_semaphore, #tpu.memory_space<semaphore_mem>>)
    %dma_wait3A = arith.constant 0 : i32
    %dma_wait3A_15 = arith.constant 0 : i32
    %dma_wait3A_16 = tpu.memref_slice %arg10[%dma_wait3A, %dma_wait3A_15] : memref<125x80xi32, #tpu.memory_space<vmem>> -> memref<1x80xi32, #tpu.memory_space<vmem>>
    %dma_wait3A_17 = tpu.memref_squeeze %dma_wait3A_16 : memref<1x80xi32, #tpu.memory_space<vmem>> -> memref<80xi32, #tpu.memory_space<vmem>>
    %dma_wait3A_18 = arith.constant 0 : i32
    %dma_wait3A_19 = arith.constant 0 : i32
    %dma_wait3A_20 = tpu.memref_slice %arg2[%dma_wait3A_18, %dma_wait3A_19] : memref<10000x128xbf16, #tpu.memory_space<hbm>> -> memref<10000x128xbf16, #tpu.memory_space<hbm>>
    tpu.wait_indirect_dma semaphore(%arg17 : memref<!tpu.dma_semaphore, #tpu.memory_space<semaphore_mem>>) src(%dma_wait3A_20 : memref<10000x128xbf16, #tpu.memory_space<hbm>>) dst(%arg12 : memref<80x128xbf16, #tpu.memory_space<vmem>>)
    %scan3A = arith.constant 0 : i32
    %scan3A_21 = arith.constant 0 : i32
    %scan3A_22 = arith.constant 62 : i32
    %scan3A_23 = arith.addi %scan3A_21, %scan3A_22 : i32
    %scan3A_24 = arith.constant 1 : i32
    scf.for %scan3A_36 = %scan3A_21 to %scan3A_23 step %scan3A_24  : i32 {
      %mul3A_37 = arith.constant 2 : i32
      %mul3A_38 = arith.muli %mul3A_37, %scan3A_36 : i32
      %add3A_39 = arith.constant 1 : i32
      %add3A_40 = arith.addi %mul3A_38, %add3A_39 : i32
      %dma_start3A_41 = arith.constant 0 : i32
      %dma_start3A_42 = tpu.memref_slice %arg10[%add3A_40, %dma_start3A_41] : memref<125x80xi32, #tpu.memory_space<vmem>> -> memref<1x80xi32, #tpu.memory_space<vmem>>
      %dma_start3A_43 = tpu.memref_squeeze %dma_start3A_42 : memref<1x80xi32, #tpu.memory_space<vmem>> -> memref<80xi32, #tpu.memory_space<vmem>>
      %dma_start3A_44 = arith.constant 0 : i32
      %dma_start3A_45 = arith.constant 0 : i32
      %dma_start3A_46 = tpu.memref_slice %arg2[%dma_start3A_44, %dma_start3A_45] : memref<10000x128xbf16, #tpu.memory_space<hbm>> -> memref<10000x128xbf16, #tpu.memory_space<hbm>>
      tpu.enqueue_indirect_dma source(%dma_start3A_46 : memref<10000x128xbf16, #tpu.memory_space<hbm>>) target(%arg13 : memref<80x128xbf16, #tpu.memory_space<vmem>>) offsets(%dma_start3A_43 : memref<80xi32, #tpu.memory_space<vmem>>) semaphore(%arg17 : memref<!tpu.dma_semaphore, #tpu.memory_space<semaphore_mem>>)
      "tpu.region"() ({
        %run_scoped3A_70 = tpu.sem_alloc : memref<!tpu.dma_semaphore, #tpu.memory_space<semaphore_mem>>
        %dma_start3A_71 = arith.constant 0 : i32
        %dma_start3A_72 = tpu.memref_slice %arg11[%mul3A_38, %dma_start3A_71] : memref<125x80xi32, #tpu.memory_space<vmem>> -> memref<1x80xi32, #tpu.memory_space<vmem>>
        %dma_start3A_73 = tpu.memref_squeeze %dma_start3A_72 : memref<1x80xi32, #tpu.memory_space<vmem>> -> memref<80xi32, #tpu.memory_space<vmem>>
        %dma_start3A_74 = arith.constant 0 : i32
        %dma_start3A_75 = arith.constant 0 : i32
        %dma_start3A_76 = tpu.memref_slice %arg15[%dma_start3A_74, %dma_start3A_75] : memref<10000x128xbf16, #tpu.memory_space<vmem_shared>> -> memref<10000x128xbf16, #tpu.memory_space<vmem_shared>>
        tpu.enqueue_indirect_dma source(%arg12 : memref<80x128xbf16, #tpu.memory_space<vmem>>) target(%dma_start3A_76 : memref<10000x128xbf16, #tpu.memory_space<vmem_shared>>) offsets(%dma_start3A_73 : memref<80xi32, #tpu.memory_space<vmem>>) semaphore(%run_scoped3A_70 : memref<!tpu.dma_semaphore, #tpu.memory_space<semaphore_mem>>) {add = true}
        %dma_wait3A_77 = arith.constant 0 : i32
        %dma_wait3A_78 = tpu.memref_slice %arg11[%mul3A_38, %dma_wait3A_77] : memref<125x80xi32, #tpu.memory_space<vmem>> -> memref<1x80xi32, #tpu.memory_space<vmem>>
        %dma_wait3A_79 = tpu.memref_squeeze %dma_wait3A_78 : memref<1x80xi32, #tpu.memory_space<vmem>> -> memref<80xi32, #tpu.memory_space<vmem>>
        %dma_wait3A_80 = arith.constant 0 : i32
        %dma_wait3A_81 = arith.constant 0 : i32
        %dma_wait3A_82 = tpu.memref_slice %arg15[%dma_wait3A_80, %dma_wait3A_81] : memref<10000x128xbf16, #tpu.memory_space<vmem_shared>> -> memref<10000x128xbf16, #tpu.memory_space<vmem_shared>>
        tpu.wait_indirect_dma semaphore(%run_scoped3A_70 : memref<!tpu.dma_semaphore, #tpu.memory_space<semaphore_mem>>) src(%arg12 : memref<80x128xbf16, #tpu.memory_space<vmem>>) dst(%dma_wait3A_82 : memref<10000x128xbf16, #tpu.memory_space<vmem_shared>>)
        tpu.yield
      }) : () -> ()
      "tpu.region"() ({
        %run_scoped3A_70 = tpu.sem_alloc : memref<!tpu.dma_semaphore, #tpu.memory_space<semaphore_mem>>
        %dma_start3A_71 = arith.constant 0 : i32
        %dma_start3A_72 = tpu.memref_slice %arg11[%mul3A_38, %dma_start3A_71] : memref<125x80xi32, #tpu.memory_space<vmem>> -> memref<1x80xi32, #tpu.memory_space<vmem>>
        %dma_start3A_73 = tpu.memref_squeeze %dma_start3A_72 : memref<1x80xi32, #tpu.memory_space<vmem>> -> memref<80xi32, #tpu.memory_space<vmem>>
        %dma_start3A_74 = arith.constant 0 : i32
        %dma_start3A_75 = arith.constant 0 : i32
        %dma_start3A_76 = tpu.memref_slice %arg16[%dma_start3A_74, %dma_start3A_75] : memref<10000x8xf32, #tpu.memory_space<vmem_shared>> -> memref<10000x8xf32, #tpu.memory_space<vmem_shared>>
        tpu.enqueue_indirect_dma source(%arg14 : memref<80x8xf32, #tpu.memory_space<vmem>>) target(%dma_start3A_76 : memref<10000x8xf32, #tpu.memory_space<vmem_shared>>) offsets(%dma_start3A_73 : memref<80xi32, #tpu.memory_space<vmem>>) semaphore(%run_scoped3A_70 : memref<!tpu.dma_semaphore, #tpu.memory_space<semaphore_mem>>) {add = true}
        %dma_wait3A_77 = arith.constant 0 : i32
        %dma_wait3A_78 = tpu.memref_slice %arg11[%mul3A_38, %dma_wait3A_77] : memref<125x80xi32, #tpu.memory_space<vmem>> -> memref<1x80xi32, #tpu.memory_space<vmem>>
        %dma_wait3A_79 = tpu.memref_squeeze %dma_wait3A_78 : memref<1x80xi32, #tpu.memory_space<vmem>> -> memref<80xi32, #tpu.memory_space<vmem>>
        %dma_wait3A_80 = arith.constant 0 : i32
        %dma_wait3A_81 = arith.constant 0 : i32
        %dma_wait3A_82 = tpu.memref_slice %arg16[%dma_wait3A_80, %dma_wait3A_81] : memref<10000x8xf32, #tpu.memory_space<vmem_shared>> -> memref<10000x8xf32, #tpu.memory_space<vmem_shared>>
        tpu.wait_indirect_dma semaphore(%run_scoped3A_70 : memref<!tpu.dma_semaphore, #tpu.memory_space<semaphore_mem>>) src(%arg14 : memref<80x8xf32, #tpu.memory_space<vmem>>) dst(%dma_wait3A_82 : memref<10000x8xf32, #tpu.memory_space<vmem_shared>>)
        tpu.yield
      }) : () -> ()
      %dma_wait3A_47 = arith.constant 0 : i32
      %dma_wait3A_48 = tpu.memref_slice %arg10[%add3A_40, %dma_wait3A_47] : memref<125x80xi32, #tpu.memory_space<vmem>> -> memref<1x80xi32, #tpu.memory_space<vmem>>
      %dma_wait3A_49 = tpu.memref_squeeze %dma_wait3A_48 : memref<1x80xi32, #tpu.memory_space<vmem>> -> memref<80xi32, #tpu.memory_space<vmem>>
      %dma_wait3A_50 = arith.constant 0 : i32
      %dma_wait3A_51 = arith.constant 0 : i32
      %dma_wait3A_52 = tpu.memref_slice %arg2[%dma_wait3A_50, %dma_wait3A_51] : memref<10000x128xbf16, #tpu.memory_space<hbm>> -> memref<10000x128xbf16, #tpu.memory_space<hbm>>
      tpu.wait_indirect_dma semaphore(%arg17 : memref<!tpu.dma_semaphore, #tpu.memory_space<semaphore_mem>>) src(%dma_wait3A_52 : memref<10000x128xbf16, #tpu.memory_space<hbm>>) dst(%arg13 : memref<80x128xbf16, #tpu.memory_space<vmem>>)
      %add3A_53 = arith.constant 2 : i32
      %add3A_54 = arith.addi %mul3A_38, %add3A_53 : i32
      %min3A = arith.constant 124 : i32
      %min3A_55 = arith.minsi %add3A_54, %min3A : i32
      %dma_start3A_56 = arith.constant 0 : i32
      %dma_start3A_57 = tpu.memref_slice %arg10[%min3A_55, %dma_start3A_56] : memref<125x80xi32, #tpu.memory_space<vmem>> -> memref<1x80xi32, #tpu.memory_space<vmem>>
      %dma_start3A_58 = tpu.memref_squeeze %dma_start3A_57 : memref<1x80xi32, #tpu.memory_space<vmem>> -> memref<80xi32, #tpu.memory_space<vmem>>
      %dma_start3A_59 = arith.constant 0 : i32
      %dma_start3A_60 = arith.constant 0 : i32
      %dma_start3A_61 = tpu.memref_slice %arg2[%dma_start3A_59, %dma_start3A_60] : memref<10000x128xbf16, #tpu.memory_space<hbm>> -> memref<10000x128xbf16, #tpu.memory_space<hbm>>
      tpu.enqueue_indirect_dma source(%dma_start3A_61 : memref<10000x128xbf16, #tpu.memory_space<hbm>>) target(%arg12 : memref<80x128xbf16, #tpu.memory_space<vmem>>) offsets(%dma_start3A_58 : memref<80xi32, #tpu.memory_space<vmem>>) semaphore(%arg17 : memref<!tpu.dma_semaphore, #tpu.memory_space<semaphore_mem>>)
      %add3A_62 = arith.constant 1 : i32
      %add3A_63 = arith.addi %mul3A_38, %add3A_62 : i32
      "tpu.region"() ({
        %run_scoped3A_70 = tpu.sem_alloc : memref<!tpu.dma_semaphore, #tpu.memory_space<semaphore_mem>>
        %dma_start3A_71 = arith.constant 0 : i32
        %dma_start3A_72 = tpu.memref_slice %arg11[%add3A_63, %dma_start3A_71] : memref<125x80xi32, #tpu.memory_space<vmem>> -> memref<1x80xi32, #tpu.memory_space<vmem>>
        %dma_start3A_73 = tpu.memref_squeeze %dma_start3A_72 : memref<1x80xi32, #tpu.memory_space<vmem>> -> memref<80xi32, #tpu.memory_space<vmem>>
        %dma_start3A_74 = arith.constant 0 : i32
        %dma_start3A_75 = arith.constant 0 : i32
        %dma_start3A_76 = tpu.memref_slice %arg15[%dma_start3A_74, %dma_start3A_75] : memref<10000x128xbf16, #tpu.memory_space<vmem_shared>> -> memref<10000x128xbf16, #tpu.memory_space<vmem_shared>>
        tpu.enqueue_indirect_dma source(%arg13 : memref<80x128xbf16, #tpu.memory_space<vmem>>) target(%dma_start3A_76 : memref<10000x128xbf16, #tpu.memory_space<vmem_shared>>) offsets(%dma_start3A_73 : memref<80xi32, #tpu.memory_space<vmem>>) semaphore(%run_scoped3A_70 : memref<!tpu.dma_semaphore, #tpu.memory_space<semaphore_mem>>) {add = true}
        %dma_wait3A_77 = arith.constant 0 : i32
        %dma_wait3A_78 = tpu.memref_slice %arg11[%add3A_63, %dma_wait3A_77] : memref<125x80xi32, #tpu.memory_space<vmem>> -> memref<1x80xi32, #tpu.memory_space<vmem>>
        %dma_wait3A_79 = tpu.memref_squeeze %dma_wait3A_78 : memref<1x80xi32, #tpu.memory_space<vmem>> -> memref<80xi32, #tpu.memory_space<vmem>>
        %dma_wait3A_80 = arith.constant 0 : i32
        %dma_wait3A_81 = arith.constant 0 : i32
        %dma_wait3A_82 = tpu.memref_slice %arg15[%dma_wait3A_80, %dma_wait3A_81] : memref<10000x128xbf16, #tpu.memory_space<vmem_shared>> -> memref<10000x128xbf16, #tpu.memory_space<vmem_shared>>
        tpu.wait_indirect_dma semaphore(%run_scoped3A_70 : memref<!tpu.dma_semaphore, #tpu.memory_space<semaphore_mem>>) src(%arg13 : memref<80x128xbf16, #tpu.memory_space<vmem>>) dst(%dma_wait3A_82 : memref<10000x128xbf16, #tpu.memory_space<vmem_shared>>)
        tpu.yield
      }) : () -> ()
      "tpu.region"() ({
        %run_scoped3A_70 = tpu.sem_alloc : memref<!tpu.dma_semaphore, #tpu.memory_space<semaphore_mem>>
        %dma_start3A_71 = arith.constant 0 : i32
        %dma_start3A_72 = tpu.memref_slice %arg11[%add3A_63, %dma_start3A_71] : memref<125x80xi32, #tpu.memory_space<vmem>> -> memref<1x80xi32, #tpu.memory_space<vmem>>
        %dma_start3A_73 = tpu.memref_squeeze %dma_start3A_72 : memref<1x80xi32, #tpu.memory_space<vmem>> -> memref<80xi32, #tpu.memory_space<vmem>>
        %dma_start3A_74 = arith.constant 0 : i32
        %dma_start3A_75 = arith.constant 0 : i32
        %dma_start3A_76 = tpu.memref_slice %arg16[%dma_start3A_74, %dma_start3A_75] : memref<10000x8xf32, #tpu.memory_space<vmem_shared>> -> memref<10000x8xf32, #tpu.memory_space<vmem_shared>>
        tpu.enqueue_indirect_dma source(%arg14 : memref<80x8xf32, #tpu.memory_space<vmem>>) target(%dma_start3A_76 : memref<10000x8xf32, #tpu.memory_space<vmem_shared>>) offsets(%dma_start3A_73 : memref<80xi32, #tpu.memory_space<vmem>>) semaphore(%run_scoped3A_70 : memref<!tpu.dma_semaphore, #tpu.memory_space<semaphore_mem>>) {add = true}
        %dma_wait3A_77 = arith.constant 0 : i32
        %dma_wait3A_78 = tpu.memref_slice %arg11[%add3A_63, %dma_wait3A_77] : memref<125x80xi32, #tpu.memory_space<vmem>> -> memref<1x80xi32, #tpu.memory_space<vmem>>
        %dma_wait3A_79 = tpu.memref_squeeze %dma_wait3A_78 : memref<1x80xi32, #tpu.memory_space<vmem>> -> memref<80xi32, #tpu.memory_space<vmem>>
        %dma_wait3A_80 = arith.constant 0 : i32
        %dma_wait3A_81 = arith.constant 0 : i32
        %dma_wait3A_82 = tpu.memref_slice %arg16[%dma_wait3A_80, %dma_wait3A_81] : memref<10000x8xf32, #tpu.memory_space<vmem_shared>> -> memref<10000x8xf32, #tpu.memory_space<vmem_shared>>
        tpu.wait_indirect_dma semaphore(%run_scoped3A_70 : memref<!tpu.dma_semaphore, #tpu.memory_space<semaphore_mem>>) src(%arg14 : memref<80x8xf32, #tpu.memory_space<vmem>>) dst(%dma_wait3A_82 : memref<10000x8xf32, #tpu.memory_space<vmem_shared>>)
        tpu.yield
      }) : () -> ()
      %dma_wait3A_64 = arith.constant 0 : i32
      %dma_wait3A_65 = tpu.memref_slice %arg10[%min3A_55, %dma_wait3A_64] : memref<125x80xi32, #tpu.memory_space<vmem>> -> memref<1x80xi32, #tpu.memory_space<vmem>>
      %dma_wait3A_66 = tpu.memref_squeeze %dma_wait3A_65 : memref<1x80xi32, #tpu.memory_space<vmem>> -> memref<80xi32, #tpu.memory_space<vmem>>
      %dma_wait3A_67 = arith.constant 0 : i32
      %dma_wait3A_68 = arith.constant 0 : i32
      %dma_wait3A_69 = tpu.memref_slice %arg2[%dma_wait3A_67, %dma_wait3A_68] : memref<10000x128xbf16, #tpu.memory_space<hbm>> -> memref<10000x128xbf16, #tpu.memory_space<hbm>>
      tpu.wait_indirect_dma semaphore(%arg17 : memref<!tpu.dma_semaphore, #tpu.memory_space<semaphore_mem>>) src(%dma_wait3A_69 : memref<10000x128xbf16, #tpu.memory_space<hbm>>) dst(%arg12 : memref<80x128xbf16, #tpu.memory_space<vmem>>)
    }
    %scan3A_25 = arith.constant 62 : i32
    %run_scoped3A = arith.constant 124 : i32
    "tpu.region"() ({
      %run_scoped3A_36 = tpu.sem_alloc : memref<!tpu.dma_semaphore, #tpu.memory_space<semaphore_mem>>
      %dma_start3A_37 = arith.constant 0 : i32
      %dma_start3A_38 = tpu.memref_slice %arg11[%run_scoped3A, %dma_start3A_37] : memref<125x80xi32, #tpu.memory_space<vmem>> -> memref<1x80xi32, #tpu.memory_space<vmem>>
      %dma_start3A_39 = tpu.memref_squeeze %dma_start3A_38 : memref<1x80xi32, #tpu.memory_space<vmem>> -> memref<80xi32, #tpu.memory_space<vmem>>
      %dma_start3A_40 = arith.constant 0 : i32
      %dma_start3A_41 = arith.constant 0 : i32
      %dma_start3A_42 = tpu.memref_slice %arg15[%dma_start3A_40, %dma_start3A_41] : memref<10000x128xbf16, #tpu.memory_space<vmem_shared>> -> memref<10000x128xbf16, #tpu.memory_space<vmem_shared>>
      tpu.enqueue_indirect_dma source(%arg12 : memref<80x128xbf16, #tpu.memory_space<vmem>>) target(%dma_start3A_42 : memref<10000x128xbf16, #tpu.memory_space<vmem_shared>>) offsets(%dma_start3A_39 : memref<80xi32, #tpu.memory_space<vmem>>) semaphore(%run_scoped3A_36 : memref<!tpu.dma_semaphore, #tpu.memory_space<semaphore_mem>>) {add = true}
      %dma_wait3A_43 = arith.constant 0 : i32
      %dma_wait3A_44 = tpu.memref_slice %arg11[%run_scoped3A, %dma_wait3A_43] : memref<125x80xi32, #tpu.memory_space<vmem>> -> memref<1x80xi32, #tpu.memory_space<vmem>>
      %dma_wait3A_45 = tpu.memref_squeeze %dma_wait3A_44 : memref<1x80xi32, #tpu.memory_space<vmem>> -> memref<80xi32, #tpu.memory_space<vmem>>
      %dma_wait3A_46 = arith.constant 0 : i32
      %dma_wait3A_47 = arith.constant 0 : i32
      %dma_wait3A_48 = tpu.memref_slice %arg15[%dma_wait3A_46, %dma_wait3A_47] : memref<10000x128xbf16, #tpu.memory_space<vmem_shared>> -> memref<10000x128xbf16, #tpu.memory_space<vmem_shared>>
      tpu.wait_indirect_dma semaphore(%run_scoped3A_36 : memref<!tpu.dma_semaphore, #tpu.memory_space<semaphore_mem>>) src(%arg12 : memref<80x128xbf16, #tpu.memory_space<vmem>>) dst(%dma_wait3A_48 : memref<10000x128xbf16, #tpu.memory_space<vmem_shared>>)
      tpu.yield
    }) : () -> ()
    %run_scoped3A_26 = arith.constant 124 : i32
    "tpu.region"() ({
      %run_scoped3A_36 = tpu.sem_alloc : memref<!tpu.dma_semaphore, #tpu.memory_space<semaphore_mem>>
      %dma_start3A_37 = arith.constant 0 : i32
      %dma_start3A_38 = tpu.memref_slice %arg11[%run_scoped3A_26, %dma_start3A_37] : memref<125x80xi32, #tpu.memory_space<vmem>> -> memref<1x80xi32, #tpu.memory_space<vmem>>
      %dma_start3A_39 = tpu.memref_squeeze %dma_start3A_38 : memref<1x80xi32, #tpu.memory_space<vmem>> -> memref<80xi32, #tpu.memory_space<vmem>>
      %dma_start3A_40 = arith.constant 0 : i32
      %dma_start3A_41 = arith.constant 0 : i32
      %dma_start3A_42 = tpu.memref_slice %arg16[%dma_start3A_40, %dma_start3A_41] : memref<10000x8xf32, #tpu.memory_space<vmem_shared>> -> memref<10000x8xf32, #tpu.memory_space<vmem_shared>>
      tpu.enqueue_indirect_dma source(%arg14 : memref<80x8xf32, #tpu.memory_space<vmem>>) target(%dma_start3A_42 : memref<10000x8xf32, #tpu.memory_space<vmem_shared>>) offsets(%dma_start3A_39 : memref<80xi32, #tpu.memory_space<vmem>>) semaphore(%run_scoped3A_36 : memref<!tpu.dma_semaphore, #tpu.memory_space<semaphore_mem>>) {add = true}
      %dma_wait3A_43 = arith.constant 0 : i32
      %dma_wait3A_44 = tpu.memref_slice %arg11[%run_scoped3A_26, %dma_wait3A_43] : memref<125x80xi32, #tpu.memory_space<vmem>> -> memref<1x80xi32, #tpu.memory_space<vmem>>
      %dma_wait3A_45 = tpu.memref_squeeze %dma_wait3A_44 : memref<1x80xi32, #tpu.memory_space<vmem>> -> memref<80xi32, #tpu.memory_space<vmem>>
      %dma_wait3A_46 = arith.constant 0 : i32
      %dma_wait3A_47 = arith.constant 0 : i32
      %dma_wait3A_48 = tpu.memref_slice %arg16[%dma_wait3A_46, %dma_wait3A_47] : memref<10000x8xf32, #tpu.memory_space<vmem_shared>> -> memref<10000x8xf32, #tpu.memory_space<vmem_shared>>
      tpu.wait_indirect_dma semaphore(%run_scoped3A_36 : memref<!tpu.dma_semaphore, #tpu.memory_space<semaphore_mem>>) src(%arg14 : memref<80x8xf32, #tpu.memory_space<vmem>>) dst(%dma_wait3A_48 : memref<10000x8xf32, #tpu.memory_space<vmem_shared>>)
      tpu.yield
    }) : () -> ()
    %barrier3A_27 = arith.constant 0 : index
    tpu.barrier barrier_id(%barrier3A_27)
    %mul3A_28 = arith.constant 625 : i32
    %mul3A_29 = arith.muli %arg1, %mul3A_28 : i32
    %mul3A_30 = arith.constant 625 : i32
    %mul3A_31 = arith.muli %arg1, %mul3A_30 : i32
    "tpu.region"() ({
      %run_scoped3A_36 = tpu.sem_alloc : memref<!tpu.dma_semaphore, #tpu.memory_space<semaphore_mem>>
      %dma_start3A_37 = arith.constant 0 : i32
      %dma_start3A_38 = arith.constant 0 : i32
      %dma_start3A_39 = tpu.memref_slice %arg8[%arg0, %dma_start3A_37, %dma_start3A_38] : memref<2x10000x128xbf16, #tpu.memory_space<hbm>> -> memref<1x10000x128xbf16, #tpu.memory_space<hbm>>
      %dma_start3A_40 = tpu.memref_squeeze %dma_start3A_39 : memref<1x10000x128xbf16, #tpu.memory_space<hbm>> -> memref<10000x128xbf16, #tpu.memory_space<hbm>>
      %dma_start3A_41 = arith.constant 0 : i32
      %dma_start3A_42 = tpu.memref_slice %dma_start3A_40[%mul3A_31, %dma_start3A_41] : memref<10000x128xbf16, #tpu.memory_space<hbm>> -> memref<625x128xbf16, #tpu.memory_space<hbm>>
      %dma_start3A_43 = arith.constant 0 : i32
      %dma_start3A_44 = tpu.memref_slice %arg15[%mul3A_29, %dma_start3A_43] : memref<10000x128xbf16, #tpu.memory_space<vmem_shared>> -> memref<625x128xbf16, #tpu.memory_space<vmem_shared>>
      tpu.enqueue_dma source(%dma_start3A_44 : memref<625x128xbf16, #tpu.memory_space<vmem_shared>>) target(%dma_start3A_42 : memref<625x128xbf16, #tpu.memory_space<hbm>>) target_semaphore(%run_scoped3A_36 : memref<!tpu.dma_semaphore, #tpu.memory_space<semaphore_mem>>)
      %dma_wait3A_45 = arith.constant 0 : i32
      %dma_wait3A_46 = arith.constant 0 : i32
      %dma_wait3A_47 = tpu.memref_slice %arg8[%arg0, %dma_wait3A_45, %dma_wait3A_46] : memref<2x10000x128xbf16, #tpu.memory_space<hbm>> -> memref<1x10000x128xbf16, #tpu.memory_space<hbm>>
      %dma_wait3A_48 = tpu.memref_squeeze %dma_wait3A_47 : memref<1x10000x128xbf16, #tpu.memory_space<hbm>> -> memref<10000x128xbf16, #tpu.memory_space<hbm>>
      %dma_wait3A_49 = arith.constant 0 : i32
      %dma_wait3A_50 = tpu.memref_slice %dma_wait3A_48[%mul3A_31, %dma_wait3A_49] : memref<10000x128xbf16, #tpu.memory_space<hbm>> -> memref<625x128xbf16, #tpu.memory_space<hbm>>
      %dma_wait3A_51 = arith.constant 0 : i32
      %dma_wait3A_52 = tpu.memref_slice %arg15[%mul3A_29, %dma_wait3A_51] : memref<10000x128xbf16, #tpu.memory_space<vmem_shared>> -> memref<625x128xbf16, #tpu.memory_space<vmem_shared>>
      tpu.wait_dma2 semaphore(%run_scoped3A_36 : memref<!tpu.dma_semaphore, #tpu.memory_space<semaphore_mem>>) src(%dma_wait3A_52 : memref<625x128xbf16, #tpu.memory_space<vmem_shared>>) dst(%dma_wait3A_50 : memref<625x128xbf16, #tpu.memory_space<hbm>>)
      tpu.yield
    }) : () -> ()
    %mul3A_32 = arith.constant 625 : i32
    %mul3A_33 = arith.muli %arg1, %mul3A_32 : i32
    %mul3A_34 = arith.constant 625 : i32
    %mul3A_35 = arith.muli %arg1, %mul3A_34 : i32
    "tpu.region"() ({
      %run_scoped3A_36 = tpu.sem_alloc : memref<!tpu.dma_semaphore, #tpu.memory_space<semaphore_mem>>
      %dma_start3A_37 = arith.constant 0 : i32
      %dma_start3A_38 = arith.constant 0 : i32
      %dma_start3A_39 = tpu.memref_slice %arg9[%arg0, %dma_start3A_37, %dma_start3A_38] : memref<2x10000x8xf32, #tpu.memory_space<hbm>> -> memref<1x10000x8xf32, #tpu.memory_space<hbm>>
      %dma_start3A_40 = tpu.memref_squeeze %dma_start3A_39 : memref<1x10000x8xf32, #tpu.memory_space<hbm>> -> memref<10000x8xf32, #tpu.memory_space<hbm>>
      %dma_start3A_41 = arith.constant 0 : i32
      %dma_start3A_42 = tpu.memref_slice %dma_start3A_40[%mul3A_35, %dma_start3A_41] : memref<10000x8xf32, #tpu.memory_space<hbm>> -> memref<625x8xf32, #tpu.memory_space<hbm>>
      %dma_start3A_43 = arith.constant 0 : i32
      %dma_start3A_44 = tpu.memref_slice %arg16[%mul3A_33, %dma_start3A_43] : memref<10000x8xf32, #tpu.memory_space<vmem_shared>> -> memref<625x8xf32, #tpu.memory_space<vmem_shared>>
      tpu.enqueue_dma source(%dma_start3A_44 : memref<625x8xf32, #tpu.memory_space<vmem_shared>>) target(%dma_start3A_42 : memref<625x8xf32, #tpu.memory_space<hbm>>) target_semaphore(%run_scoped3A_36 : memref<!tpu.dma_semaphore, #tpu.memory_space<semaphore_mem>>)
      %dma_wait3A_45 = arith.constant 0 : i32
      %dma_wait3A_46 = arith.constant 0 : i32
      %dma_wait3A_47 = tpu.memref_slice %arg9[%arg0, %dma_wait3A_45, %dma_wait3A_46] : memref<2x10000x8xf32, #tpu.memory_space<hbm>> -> memref<1x10000x8xf32, #tpu.memory_space<hbm>>
      %dma_wait3A_48 = tpu.memref_squeeze %dma_wait3A_47 : memref<1x10000x8xf32, #tpu.memory_space<hbm>> -> memref<10000x8xf32, #tpu.memory_space<hbm>>
      %dma_wait3A_49 = arith.constant 0 : i32
      %dma_wait3A_50 = tpu.memref_slice %dma_wait3A_48[%mul3A_35, %dma_wait3A_49] : memref<10000x8xf32, #tpu.memory_space<hbm>> -> memref<625x8xf32, #tpu.memory_space<hbm>>
      %dma_wait3A_51 = arith.constant 0 : i32
      %dma_wait3A_52 = tpu.memref_slice %arg16[%mul3A_33, %dma_wait3A_51] : memref<10000x8xf32, #tpu.memory_space<vmem_shared>> -> memref<625x8xf32, #tpu.memory_space<vmem_shared>>
      tpu.wait_dma2 semaphore(%run_scoped3A_36 : memref<!tpu.dma_semaphore, #tpu.memory_space<semaphore_mem>>) src(%dma_wait3A_52 : memref<625x8xf32, #tpu.memory_space<vmem_shared>>) dst(%dma_wait3A_50 : memref<625x8xf32, #tpu.memory_space<hbm>>)
      tpu.yield
    }) : () -> ()
    return
  }
}

#map = affine_map<(d0, d1) -> (0, 0)>
#map1 = affine_map<(d0, d1) -> (0, 0, 0)>
module attributes {stable_mosaic.version = 14 : i64} {
  func.func @sc_inter(%arg0: i32, %arg1: i32, %arg2: memref<2560x128xf32, #tpu.memory_space<hbm>>, %arg3: memref<10240x128xf32, #tpu.memory_space<hbm>>, %arg4: memref<128x80xi32, #tpu.memory_space<hbm>>, %arg5: memref<625x128xf32, #tpu.memory_space<hbm>>, %arg6: memref<10240x128xf32, #tpu.memory_space<hbm>>, %arg7: memref<2x2560x128xf32, #tpu.memory_space<hbm>>, %arg8: memref<4x80xi32, #tpu.memory_space<vmem>>, %arg9: memref<80x128xf32, #tpu.memory_space<vmem>>, %arg10: memref<80x128xf32, #tpu.memory_space<vmem>>, %arg11: memref<80x128xf32, #tpu.memory_space<vmem>>, %arg12: memref<80x128xf32, #tpu.memory_space<vmem>>, %arg13: memref<2560x128xf32, #tpu.memory_space<vmem_shared>>, %arg14: memref<!tpu.dma_semaphore, #tpu.memory_space<semaphore_mem>>, %arg15: memref<!tpu.dma_semaphore, #tpu.memory_space<semaphore_mem>>) attributes {dimension_semantics = [#tpu.dimension_semantics<core_parallel>, #tpu.dimension_semantics<subcore_parallel>], iteration_bounds = array<i64: 2, 16>, scalar_prefetch = 0 : i64, scratch_operands = 8 : i64, tpu.core_type = #tpu.core_type<sc_vector_subcore>, window_params = [{transform_indices = #map}, {transform_indices = #map}, {transform_indices = #map}, {transform_indices = #map}, {transform_indices = #map}, {transform_indices = #map1}]} {
    %mul3A = arith.constant 16 : i32
    %mul3A_0 = arith.muli %arg0, %mul3A : i32
    %add3A = arith.addi %mul3A_0, %arg1 : i32
    %mul3A_1 = arith.constant 160 : i32
    %mul3A_2 = arith.muli %arg1, %mul3A_1 : i32
    "tpu.region"() ({
      %run_scoped3A = tpu.sem_alloc : memref<!tpu.dma_semaphore, #tpu.memory_space<semaphore_mem>>
      %dma_start3A_41 = arith.constant 0 : i32
      %dma_start3A_42 = tpu.memref_slice %arg13[%mul3A_2, %dma_start3A_41] : memref<2560x128xf32, #tpu.memory_space<vmem_shared>> -> memref<160x128xf32, #tpu.memory_space<vmem_shared>>
      %dma_start3A_43 = arith.constant 0 : i32
      %dma_start3A_44 = arith.constant 0 : i32
      %dma_start3A_45 = tpu.memref_slice %arg5[%dma_start3A_43, %dma_start3A_44] : memref<625x128xf32, #tpu.memory_space<hbm>> -> memref<160x128xf32, #tpu.memory_space<hbm>>
      tpu.enqueue_dma source(%dma_start3A_45 : memref<160x128xf32, #tpu.memory_space<hbm>>) target(%dma_start3A_42 : memref<160x128xf32, #tpu.memory_space<vmem_shared>>) target_semaphore(%run_scoped3A : memref<!tpu.dma_semaphore, #tpu.memory_space<semaphore_mem>>)
      %dma_wait3A_46 = arith.constant 0 : i32
      %dma_wait3A_47 = tpu.memref_slice %arg13[%mul3A_2, %dma_wait3A_46] : memref<2560x128xf32, #tpu.memory_space<vmem_shared>> -> memref<160x128xf32, #tpu.memory_space<vmem_shared>>
      %dma_wait3A_48 = arith.constant 0 : i32
      %dma_wait3A_49 = arith.constant 0 : i32
      %dma_wait3A_50 = tpu.memref_slice %arg5[%dma_wait3A_48, %dma_wait3A_49] : memref<625x128xf32, #tpu.memory_space<hbm>> -> memref<160x128xf32, #tpu.memory_space<hbm>>
      tpu.wait_dma2 semaphore(%run_scoped3A : memref<!tpu.dma_semaphore, #tpu.memory_space<semaphore_mem>>) src(%dma_wait3A_50 : memref<160x128xf32, #tpu.memory_space<hbm>>) dst(%dma_wait3A_47 : memref<160x128xf32, #tpu.memory_space<vmem_shared>>)
      tpu.yield
    }) : () -> ()
    %mul3A_3 = arith.constant 4 : i32
    %mul3A_4 = arith.muli %add3A, %mul3A_3 : i32
    "tpu.region"() ({
      %run_scoped3A = tpu.sem_alloc : memref<!tpu.dma_semaphore, #tpu.memory_space<semaphore_mem>>
      %dma_start3A_41 = arith.constant 0 : i32
      %dma_start3A_42 = tpu.memref_slice %arg4[%mul3A_4, %dma_start3A_41] : memref<128x80xi32, #tpu.memory_space<hbm>> -> memref<4x80xi32, #tpu.memory_space<hbm>>
      %dma_start3A_43 = arith.constant 0 : i32
      %dma_start3A_44 = tpu.memref_slice %arg4[%mul3A_4, %dma_start3A_43] : memref<128x80xi32, #tpu.memory_space<hbm>> -> memref<4x80xi32, #tpu.memory_space<hbm>>
      tpu.enqueue_dma source(%dma_start3A_44 : memref<4x80xi32, #tpu.memory_space<hbm>>) target(%arg8 : memref<4x80xi32, #tpu.memory_space<vmem>>) target_semaphore(%run_scoped3A : memref<!tpu.dma_semaphore, #tpu.memory_space<semaphore_mem>>)
      %dma_wait3A_45 = arith.constant 0 : i32
      %dma_wait3A_46 = tpu.memref_slice %arg4[%mul3A_4, %dma_wait3A_45] : memref<128x80xi32, #tpu.memory_space<hbm>> -> memref<4x80xi32, #tpu.memory_space<hbm>>
      %dma_wait3A_47 = arith.constant 0 : i32
      %dma_wait3A_48 = tpu.memref_slice %arg4[%mul3A_4, %dma_wait3A_47] : memref<128x80xi32, #tpu.memory_space<hbm>> -> memref<4x80xi32, #tpu.memory_space<hbm>>
      tpu.wait_dma2 semaphore(%run_scoped3A : memref<!tpu.dma_semaphore, #tpu.memory_space<semaphore_mem>>) src(%dma_wait3A_48 : memref<4x80xi32, #tpu.memory_space<hbm>>) dst(%arg8 : memref<4x80xi32, #tpu.memory_space<vmem>>)
      tpu.yield
    }) : () -> ()
    %barrier3A = arith.constant 0 : index
    tpu.barrier barrier_id(%barrier3A)
    %dma_start3A = arith.constant 0 : i32
    %dma_start3A_5 = arith.constant 0 : i32
    %dma_start3A_6 = tpu.memref_slice %arg8[%dma_start3A, %dma_start3A_5] : memref<4x80xi32, #tpu.memory_space<vmem>> -> memref<1x80xi32, #tpu.memory_space<vmem>>
    %dma_start3A_7 = tpu.memref_squeeze %dma_start3A_6 : memref<1x80xi32, #tpu.memory_space<vmem>> -> memref<80xi32, #tpu.memory_space<vmem>>
    %dma_start3A_8 = arith.constant 0 : i32
    %dma_start3A_9 = arith.constant 0 : i32
    %dma_start3A_10 = tpu.memref_slice %arg2[%dma_start3A_8, %dma_start3A_9] : memref<2560x128xf32, #tpu.memory_space<hbm>> -> memref<2560x128xf32, #tpu.memory_space<hbm>>
    tpu.enqueue_indirect_dma source(%dma_start3A_10 : memref<2560x128xf32, #tpu.memory_space<hbm>>) target(%arg9 : memref<80x128xf32, #tpu.memory_space<vmem>>) offsets(%dma_start3A_7 : memref<80xi32, #tpu.memory_space<vmem>>) semaphore(%arg14 : memref<!tpu.dma_semaphore, #tpu.memory_space<semaphore_mem>>)
    %mul3A_11 = arith.constant 4 : i32
    %mul3A_12 = arith.muli %add3A, %mul3A_11 : i32
    %add3A_13 = arith.constant 0 : i32
    %add3A_14 = arith.addi %mul3A_12, %add3A_13 : i32
    %mul3A_15 = arith.constant 80 : i32
    %mul3A_16 = arith.muli %add3A_14, %mul3A_15 : i32
    %dma_start3A_17 = arith.constant 0 : i32
    %dma_start3A_18 = tpu.memref_slice %arg3[%mul3A_16, %dma_start3A_17] : memref<10240x128xf32, #tpu.memory_space<hbm>> -> memref<80x128xf32, #tpu.memory_space<hbm>>
    %dma_start3A_19 = arith.constant 0 : i32
    %dma_start3A_20 = tpu.memref_slice %arg3[%mul3A_16, %dma_start3A_19] : memref<10240x128xf32, #tpu.memory_space<hbm>> -> memref<80x128xf32, #tpu.memory_space<hbm>>
    tpu.enqueue_dma source(%dma_start3A_20 : memref<80x128xf32, #tpu.memory_space<hbm>>) target(%arg10 : memref<80x128xf32, #tpu.memory_space<vmem>>) target_semaphore(%arg15 : memref<!tpu.dma_semaphore, #tpu.memory_space<semaphore_mem>>)
    %dma_wait3A = arith.constant 0 : i32
    %dma_wait3A_21 = arith.constant 0 : i32
    %dma_wait3A_22 = tpu.memref_slice %arg8[%dma_wait3A, %dma_wait3A_21] : memref<4x80xi32, #tpu.memory_space<vmem>> -> memref<1x80xi32, #tpu.memory_space<vmem>>
    %dma_wait3A_23 = tpu.memref_squeeze %dma_wait3A_22 : memref<1x80xi32, #tpu.memory_space<vmem>> -> memref<80xi32, #tpu.memory_space<vmem>>
    %dma_wait3A_24 = arith.constant 0 : i32
    %dma_wait3A_25 = arith.constant 0 : i32
    %dma_wait3A_26 = tpu.memref_slice %arg2[%dma_wait3A_24, %dma_wait3A_25] : memref<2560x128xf32, #tpu.memory_space<hbm>> -> memref<2560x128xf32, #tpu.memory_space<hbm>>
    tpu.wait_indirect_dma semaphore(%arg14 : memref<!tpu.dma_semaphore, #tpu.memory_space<semaphore_mem>>) src(%dma_wait3A_26 : memref<2560x128xf32, #tpu.memory_space<hbm>>) dst(%arg9 : memref<80x128xf32, #tpu.memory_space<vmem>>)
    %dma_wait3A_27 = arith.constant 0 : i32
    %dma_wait3A_28 = tpu.memref_slice %arg3[%mul3A_16, %dma_wait3A_27] : memref<10240x128xf32, #tpu.memory_space<hbm>> -> memref<80x128xf32, #tpu.memory_space<hbm>>
    %dma_wait3A_29 = arith.constant 0 : i32
    %dma_wait3A_30 = tpu.memref_slice %arg3[%mul3A_16, %dma_wait3A_29] : memref<10240x128xf32, #tpu.memory_space<hbm>> -> memref<80x128xf32, #tpu.memory_space<hbm>>
    tpu.wait_dma2 semaphore(%arg15 : memref<!tpu.dma_semaphore, #tpu.memory_space<semaphore_mem>>) src(%dma_wait3A_30 : memref<80x128xf32, #tpu.memory_space<hbm>>) dst(%arg10 : memref<80x128xf32, #tpu.memory_space<vmem>>)
    %scan3A = arith.constant 0 : i32
    %scan3A_31 = arith.constant 0 : i32
    %scan3A_32 = arith.constant 2 : i32
    %scan3A_33 = arith.addi %scan3A_31, %scan3A_32 : i32
    %scan3A_34 = arith.constant 1 : i32
    scf.for %scan3A_41 = %scan3A_31 to %scan3A_33 step %scan3A_34  : i32 {
      %mul3A_42 = arith.constant 2 : i32
      %mul3A_43 = arith.muli %mul3A_42, %scan3A_41 : i32
      %add3A_44 = arith.constant 1 : i32
      %add3A_45 = arith.addi %mul3A_43, %add3A_44 : i32
      %dma_start3A_46 = arith.constant 0 : i32
      %dma_start3A_47 = tpu.memref_slice %arg8[%add3A_45, %dma_start3A_46] : memref<4x80xi32, #tpu.memory_space<vmem>> -> memref<1x80xi32, #tpu.memory_space<vmem>>
      %dma_start3A_48 = tpu.memref_squeeze %dma_start3A_47 : memref<1x80xi32, #tpu.memory_space<vmem>> -> memref<80xi32, #tpu.memory_space<vmem>>
      %dma_start3A_49 = arith.constant 0 : i32
      %dma_start3A_50 = arith.constant 0 : i32
      %dma_start3A_51 = tpu.memref_slice %arg2[%dma_start3A_49, %dma_start3A_50] : memref<2560x128xf32, #tpu.memory_space<hbm>> -> memref<2560x128xf32, #tpu.memory_space<hbm>>
      tpu.enqueue_indirect_dma source(%dma_start3A_51 : memref<2560x128xf32, #tpu.memory_space<hbm>>) target(%arg11 : memref<80x128xf32, #tpu.memory_space<vmem>>) offsets(%dma_start3A_48 : memref<80xi32, #tpu.memory_space<vmem>>) semaphore(%arg14 : memref<!tpu.dma_semaphore, #tpu.memory_space<semaphore_mem>>)
      %mul3A_52 = arith.constant 4 : i32
      %mul3A_53 = arith.muli %add3A, %mul3A_52 : i32
      %add3A_54 = arith.addi %mul3A_53, %add3A_45 : i32
      %mul3A_55 = arith.constant 80 : i32
      %mul3A_56 = arith.muli %add3A_54, %mul3A_55 : i32
      %dma_start3A_57 = arith.constant 0 : i32
      %dma_start3A_58 = tpu.memref_slice %arg3[%mul3A_56, %dma_start3A_57] : memref<10240x128xf32, #tpu.memory_space<hbm>> -> memref<80x128xf32, #tpu.memory_space<hbm>>
      %dma_start3A_59 = arith.constant 0 : i32
      %dma_start3A_60 = tpu.memref_slice %arg3[%mul3A_56, %dma_start3A_59] : memref<10240x128xf32, #tpu.memory_space<hbm>> -> memref<80x128xf32, #tpu.memory_space<hbm>>
      tpu.enqueue_dma source(%dma_start3A_60 : memref<80x128xf32, #tpu.memory_space<hbm>>) target(%arg12 : memref<80x128xf32, #tpu.memory_space<vmem>>) target_semaphore(%arg15 : memref<!tpu.dma_semaphore, #tpu.memory_space<semaphore_mem>>)
      %mul3A_61 = arith.constant 4 : i32
      %mul3A_62 = arith.muli %add3A, %mul3A_61 : i32
      %add3A_63 = arith.addi %mul3A_62, %mul3A_43 : i32
      %mul3A_64 = arith.constant 80 : i32
      %mul3A_65 = arith.muli %add3A_63, %mul3A_64 : i32
      "tpu.region"() ({
        %run_scoped3A = tpu.sem_alloc : memref<!tpu.dma_semaphore, #tpu.memory_space<semaphore_mem>>
        %dma_start3A_111 = arith.constant 0 : i32
        %dma_start3A_112 = tpu.memref_slice %arg6[%mul3A_65, %dma_start3A_111] : memref<10240x128xf32, #tpu.memory_space<hbm>> -> memref<80x128xf32, #tpu.memory_space<hbm>>
        %dma_start3A_113 = arith.constant 0 : i32
        %dma_start3A_114 = tpu.memref_slice %arg6[%mul3A_65, %dma_start3A_113] : memref<10240x128xf32, #tpu.memory_space<hbm>> -> memref<80x128xf32, #tpu.memory_space<hbm>>
        tpu.enqueue_dma source(%arg9 : memref<80x128xf32, #tpu.memory_space<vmem>>) target(%dma_start3A_114 : memref<80x128xf32, #tpu.memory_space<hbm>>) target_semaphore(%run_scoped3A : memref<!tpu.dma_semaphore, #tpu.memory_space<semaphore_mem>>)
        %dma_wait3A_115 = arith.constant 0 : i32
        %dma_wait3A_116 = tpu.memref_slice %arg6[%mul3A_65, %dma_wait3A_115] : memref<10240x128xf32, #tpu.memory_space<hbm>> -> memref<80x128xf32, #tpu.memory_space<hbm>>
        %dma_wait3A_117 = arith.constant 0 : i32
        %dma_wait3A_118 = tpu.memref_slice %arg6[%mul3A_65, %dma_wait3A_117] : memref<10240x128xf32, #tpu.memory_space<hbm>> -> memref<80x128xf32, #tpu.memory_space<hbm>>
        tpu.wait_dma2 semaphore(%run_scoped3A : memref<!tpu.dma_semaphore, #tpu.memory_space<semaphore_mem>>) src(%arg9 : memref<80x128xf32, #tpu.memory_space<vmem>>) dst(%dma_wait3A_118 : memref<80x128xf32, #tpu.memory_space<hbm>>)
        tpu.yield
      }) : () -> ()
      "tpu.region"() ({
        %run_scoped3A = tpu.sem_alloc : memref<!tpu.dma_semaphore, #tpu.memory_space<semaphore_mem>>
        %dma_start3A_111 = arith.constant 0 : i32
        %dma_start3A_112 = tpu.memref_slice %arg8[%mul3A_43, %dma_start3A_111] : memref<4x80xi32, #tpu.memory_space<vmem>> -> memref<1x80xi32, #tpu.memory_space<vmem>>
        %dma_start3A_113 = tpu.memref_squeeze %dma_start3A_112 : memref<1x80xi32, #tpu.memory_space<vmem>> -> memref<80xi32, #tpu.memory_space<vmem>>
        %dma_start3A_114 = arith.constant 0 : i32
        %dma_start3A_115 = arith.constant 0 : i32
        %dma_start3A_116 = tpu.memref_slice %arg13[%dma_start3A_114, %dma_start3A_115] : memref<2560x128xf32, #tpu.memory_space<vmem_shared>> -> memref<2560x128xf32, #tpu.memory_space<vmem_shared>>
        tpu.enqueue_indirect_dma source(%arg10 : memref<80x128xf32, #tpu.memory_space<vmem>>) target(%dma_start3A_116 : memref<2560x128xf32, #tpu.memory_space<vmem_shared>>) offsets(%dma_start3A_113 : memref<80xi32, #tpu.memory_space<vmem>>) semaphore(%run_scoped3A : memref<!tpu.dma_semaphore, #tpu.memory_space<semaphore_mem>>) {add = true}
        %dma_wait3A_117 = arith.constant 0 : i32
        %dma_wait3A_118 = tpu.memref_slice %arg8[%mul3A_43, %dma_wait3A_117] : memref<4x80xi32, #tpu.memory_space<vmem>> -> memref<1x80xi32, #tpu.memory_space<vmem>>
        %dma_wait3A_119 = tpu.memref_squeeze %dma_wait3A_118 : memref<1x80xi32, #tpu.memory_space<vmem>> -> memref<80xi32, #tpu.memory_space<vmem>>
        %dma_wait3A_120 = arith.constant 0 : i32
        %dma_wait3A_121 = arith.constant 0 : i32
        %dma_wait3A_122 = tpu.memref_slice %arg13[%dma_wait3A_120, %dma_wait3A_121] : memref<2560x128xf32, #tpu.memory_space<vmem_shared>> -> memref<2560x128xf32, #tpu.memory_space<vmem_shared>>
        tpu.wait_indirect_dma semaphore(%run_scoped3A : memref<!tpu.dma_semaphore, #tpu.memory_space<semaphore_mem>>) src(%arg10 : memref<80x128xf32, #tpu.memory_space<vmem>>) dst(%dma_wait3A_122 : memref<2560x128xf32, #tpu.memory_space<vmem_shared>>)
        tpu.yield
      }) : () -> ()
      %dma_wait3A_66 = arith.constant 0 : i32
      %dma_wait3A_67 = tpu.memref_slice %arg8[%add3A_45, %dma_wait3A_66] : memref<4x80xi32, #tpu.memory_space<vmem>> -> memref<1x80xi32, #tpu.memory_space<vmem>>
      %dma_wait3A_68 = tpu.memref_squeeze %dma_wait3A_67 : memref<1x80xi32, #tpu.memory_space<vmem>> -> memref<80xi32, #tpu.memory_space<vmem>>
      %dma_wait3A_69 = arith.constant 0 : i32
      %dma_wait3A_70 = arith.constant 0 : i32
      %dma_wait3A_71 = tpu.memref_slice %arg2[%dma_wait3A_69, %dma_wait3A_70] : memref<2560x128xf32, #tpu.memory_space<hbm>> -> memref<2560x128xf32, #tpu.memory_space<hbm>>
      tpu.wait_indirect_dma semaphore(%arg14 : memref<!tpu.dma_semaphore, #tpu.memory_space<semaphore_mem>>) src(%dma_wait3A_71 : memref<2560x128xf32, #tpu.memory_space<hbm>>) dst(%arg11 : memref<80x128xf32, #tpu.memory_space<vmem>>)
      %dma_wait3A_72 = arith.constant 0 : i32
      %dma_wait3A_73 = tpu.memref_slice %arg3[%mul3A_56, %dma_wait3A_72] : memref<10240x128xf32, #tpu.memory_space<hbm>> -> memref<80x128xf32, #tpu.memory_space<hbm>>
      %dma_wait3A_74 = arith.constant 0 : i32
      %dma_wait3A_75 = tpu.memref_slice %arg3[%mul3A_56, %dma_wait3A_74] : memref<10240x128xf32, #tpu.memory_space<hbm>> -> memref<80x128xf32, #tpu.memory_space<hbm>>
      tpu.wait_dma2 semaphore(%arg15 : memref<!tpu.dma_semaphore, #tpu.memory_space<semaphore_mem>>) src(%dma_wait3A_75 : memref<80x128xf32, #tpu.memory_space<hbm>>) dst(%arg12 : memref<80x128xf32, #tpu.memory_space<vmem>>)
      %add3A_76 = arith.constant 2 : i32
      %add3A_77 = arith.addi %mul3A_43, %add3A_76 : i32
      %min3A = arith.constant 3 : i32
      %min3A_78 = arith.minsi %add3A_77, %min3A : i32
      %dma_start3A_79 = arith.constant 0 : i32
      %dma_start3A_80 = tpu.memref_slice %arg8[%min3A_78, %dma_start3A_79] : memref<4x80xi32, #tpu.memory_space<vmem>> -> memref<1x80xi32, #tpu.memory_space<vmem>>
      %dma_start3A_81 = tpu.memref_squeeze %dma_start3A_80 : memref<1x80xi32, #tpu.memory_space<vmem>> -> memref<80xi32, #tpu.memory_space<vmem>>
      %dma_start3A_82 = arith.constant 0 : i32
      %dma_start3A_83 = arith.constant 0 : i32
      %dma_start3A_84 = tpu.memref_slice %arg2[%dma_start3A_82, %dma_start3A_83] : memref<2560x128xf32, #tpu.memory_space<hbm>> -> memref<2560x128xf32, #tpu.memory_space<hbm>>
      tpu.enqueue_indirect_dma source(%dma_start3A_84 : memref<2560x128xf32, #tpu.memory_space<hbm>>) target(%arg9 : memref<80x128xf32, #tpu.memory_space<vmem>>) offsets(%dma_start3A_81 : memref<80xi32, #tpu.memory_space<vmem>>) semaphore(%arg14 : memref<!tpu.dma_semaphore, #tpu.memory_space<semaphore_mem>>)
      %mul3A_85 = arith.constant 4 : i32
      %mul3A_86 = arith.muli %add3A, %mul3A_85 : i32
      %add3A_87 = arith.addi %mul3A_86, %min3A_78 : i32
      %mul3A_88 = arith.constant 80 : i32
      %mul3A_89 = arith.muli %add3A_87, %mul3A_88 : i32
      %dma_start3A_90 = arith.constant 0 : i32
      %dma_start3A_91 = tpu.memref_slice %arg3[%mul3A_89, %dma_start3A_90] : memref<10240x128xf32, #tpu.memory_space<hbm>> -> memref<80x128xf32, #tpu.memory_space<hbm>>
      %dma_start3A_92 = arith.constant 0 : i32
      %dma_start3A_93 = tpu.memref_slice %arg3[%mul3A_89, %dma_start3A_92] : memref<10240x128xf32, #tpu.memory_space<hbm>> -> memref<80x128xf32, #tpu.memory_space<hbm>>
      tpu.enqueue_dma source(%dma_start3A_93 : memref<80x128xf32, #tpu.memory_space<hbm>>) target(%arg10 : memref<80x128xf32, #tpu.memory_space<vmem>>) target_semaphore(%arg15 : memref<!tpu.dma_semaphore, #tpu.memory_space<semaphore_mem>>)
      %add3A_94 = arith.constant 1 : i32
      %add3A_95 = arith.addi %mul3A_43, %add3A_94 : i32
      %mul3A_96 = arith.constant 4 : i32
      %mul3A_97 = arith.muli %add3A, %mul3A_96 : i32
      %add3A_98 = arith.addi %mul3A_97, %add3A_95 : i32
      %mul3A_99 = arith.constant 80 : i32
      %mul3A_100 = arith.muli %add3A_98, %mul3A_99 : i32
      "tpu.region"() ({
        %run_scoped3A = tpu.sem_alloc : memref<!tpu.dma_semaphore, #tpu.memory_space<semaphore_mem>>
        %dma_start3A_111 = arith.constant 0 : i32
        %dma_start3A_112 = tpu.memref_slice %arg6[%mul3A_100, %dma_start3A_111] : memref<10240x128xf32, #tpu.memory_space<hbm>> -> memref<80x128xf32, #tpu.memory_space<hbm>>
        %dma_start3A_113 = arith.constant 0 : i32
        %dma_start3A_114 = tpu.memref_slice %arg6[%mul3A_100, %dma_start3A_113] : memref<10240x128xf32, #tpu.memory_space<hbm>> -> memref<80x128xf32, #tpu.memory_space<hbm>>
        tpu.enqueue_dma source(%arg11 : memref<80x128xf32, #tpu.memory_space<vmem>>) target(%dma_start3A_114 : memref<80x128xf32, #tpu.memory_space<hbm>>) target_semaphore(%run_scoped3A : memref<!tpu.dma_semaphore, #tpu.memory_space<semaphore_mem>>)
        %dma_wait3A_115 = arith.constant 0 : i32
        %dma_wait3A_116 = tpu.memref_slice %arg6[%mul3A_100, %dma_wait3A_115] : memref<10240x128xf32, #tpu.memory_space<hbm>> -> memref<80x128xf32, #tpu.memory_space<hbm>>
        %dma_wait3A_117 = arith.constant 0 : i32
        %dma_wait3A_118 = tpu.memref_slice %arg6[%mul3A_100, %dma_wait3A_117] : memref<10240x128xf32, #tpu.memory_space<hbm>> -> memref<80x128xf32, #tpu.memory_space<hbm>>
        tpu.wait_dma2 semaphore(%run_scoped3A : memref<!tpu.dma_semaphore, #tpu.memory_space<semaphore_mem>>) src(%arg11 : memref<80x128xf32, #tpu.memory_space<vmem>>) dst(%dma_wait3A_118 : memref<80x128xf32, #tpu.memory_space<hbm>>)
        tpu.yield
      }) : () -> ()
      "tpu.region"() ({
        %run_scoped3A = tpu.sem_alloc : memref<!tpu.dma_semaphore, #tpu.memory_space<semaphore_mem>>
        %dma_start3A_111 = arith.constant 0 : i32
        %dma_start3A_112 = tpu.memref_slice %arg8[%add3A_95, %dma_start3A_111] : memref<4x80xi32, #tpu.memory_space<vmem>> -> memref<1x80xi32, #tpu.memory_space<vmem>>
        %dma_start3A_113 = tpu.memref_squeeze %dma_start3A_112 : memref<1x80xi32, #tpu.memory_space<vmem>> -> memref<80xi32, #tpu.memory_space<vmem>>
        %dma_start3A_114 = arith.constant 0 : i32
        %dma_start3A_115 = arith.constant 0 : i32
        %dma_start3A_116 = tpu.memref_slice %arg13[%dma_start3A_114, %dma_start3A_115] : memref<2560x128xf32, #tpu.memory_space<vmem_shared>> -> memref<2560x128xf32, #tpu.memory_space<vmem_shared>>
        tpu.enqueue_indirect_dma source(%arg12 : memref<80x128xf32, #tpu.memory_space<vmem>>) target(%dma_start3A_116 : memref<2560x128xf32, #tpu.memory_space<vmem_shared>>) offsets(%dma_start3A_113 : memref<80xi32, #tpu.memory_space<vmem>>) semaphore(%run_scoped3A : memref<!tpu.dma_semaphore, #tpu.memory_space<semaphore_mem>>) {add = true}
        %dma_wait3A_117 = arith.constant 0 : i32
        %dma_wait3A_118 = tpu.memref_slice %arg8[%add3A_95, %dma_wait3A_117] : memref<4x80xi32, #tpu.memory_space<vmem>> -> memref<1x80xi32, #tpu.memory_space<vmem>>
        %dma_wait3A_119 = tpu.memref_squeeze %dma_wait3A_118 : memref<1x80xi32, #tpu.memory_space<vmem>> -> memref<80xi32, #tpu.memory_space<vmem>>
        %dma_wait3A_120 = arith.constant 0 : i32
        %dma_wait3A_121 = arith.constant 0 : i32
        %dma_wait3A_122 = tpu.memref_slice %arg13[%dma_wait3A_120, %dma_wait3A_121] : memref<2560x128xf32, #tpu.memory_space<vmem_shared>> -> memref<2560x128xf32, #tpu.memory_space<vmem_shared>>
        tpu.wait_indirect_dma semaphore(%run_scoped3A : memref<!tpu.dma_semaphore, #tpu.memory_space<semaphore_mem>>) src(%arg12 : memref<80x128xf32, #tpu.memory_space<vmem>>) dst(%dma_wait3A_122 : memref<2560x128xf32, #tpu.memory_space<vmem_shared>>)
        tpu.yield
      }) : () -> ()
      %dma_wait3A_101 = arith.constant 0 : i32
      %dma_wait3A_102 = tpu.memref_slice %arg8[%min3A_78, %dma_wait3A_101] : memref<4x80xi32, #tpu.memory_space<vmem>> -> memref<1x80xi32, #tpu.memory_space<vmem>>
      %dma_wait3A_103 = tpu.memref_squeeze %dma_wait3A_102 : memref<1x80xi32, #tpu.memory_space<vmem>> -> memref<80xi32, #tpu.memory_space<vmem>>
      %dma_wait3A_104 = arith.constant 0 : i32
      %dma_wait3A_105 = arith.constant 0 : i32
      %dma_wait3A_106 = tpu.memref_slice %arg2[%dma_wait3A_104, %dma_wait3A_105] : memref<2560x128xf32, #tpu.memory_space<hbm>> -> memref<2560x128xf32, #tpu.memory_space<hbm>>
      tpu.wait_indirect_dma semaphore(%arg14 : memref<!tpu.dma_semaphore, #tpu.memory_space<semaphore_mem>>) src(%dma_wait3A_106 : memref<2560x128xf32, #tpu.memory_space<hbm>>) dst(%arg9 : memref<80x128xf32, #tpu.memory_space<vmem>>)
      %dma_wait3A_107 = arith.constant 0 : i32
      %dma_wait3A_108 = tpu.memref_slice %arg3[%mul3A_89, %dma_wait3A_107] : memref<10240x128xf32, #tpu.memory_space<hbm>> -> memref<80x128xf32, #tpu.memory_space<hbm>>
      %dma_wait3A_109 = arith.constant 0 : i32
      %dma_wait3A_110 = tpu.memref_slice %arg3[%mul3A_89, %dma_wait3A_109] : memref<10240x128xf32, #tpu.memory_space<hbm>> -> memref<80x128xf32, #tpu.memory_space<hbm>>
      tpu.wait_dma2 semaphore(%arg15 : memref<!tpu.dma_semaphore, #tpu.memory_space<semaphore_mem>>) src(%dma_wait3A_110 : memref<80x128xf32, #tpu.memory_space<hbm>>) dst(%arg10 : memref<80x128xf32, #tpu.memory_space<vmem>>)
    }
    %scan3A_35 = arith.constant 2 : i32
    %barrier3A_36 = arith.constant 0 : index
    tpu.barrier barrier_id(%barrier3A_36)
    %mul3A_37 = arith.constant 160 : i32
    %mul3A_38 = arith.muli %arg1, %mul3A_37 : i32
    %mul3A_39 = arith.constant 160 : i32
    %mul3A_40 = arith.muli %arg1, %mul3A_39 : i32
    "tpu.region"() ({
      %run_scoped3A = tpu.sem_alloc : memref<!tpu.dma_semaphore, #tpu.memory_space<semaphore_mem>>
      %dma_start3A_41 = arith.constant 0 : i32
      %dma_start3A_42 = arith.constant 0 : i32
      %dma_start3A_43 = tpu.memref_slice %arg7[%arg0, %dma_start3A_41, %dma_start3A_42] : memref<2x2560x128xf32, #tpu.memory_space<hbm>> -> memref<1x2560x128xf32, #tpu.memory_space<hbm>>
      %dma_start3A_44 = tpu.memref_squeeze %dma_start3A_43 : memref<1x2560x128xf32, #tpu.memory_space<hbm>> -> memref<2560x128xf32, #tpu.memory_space<hbm>>
      %dma_start3A_45 = arith.constant 0 : i32
      %dma_start3A_46 = tpu.memref_slice %dma_start3A_44[%mul3A_40, %dma_start3A_45] : memref<2560x128xf32, #tpu.memory_space<hbm>> -> memref<160x128xf32, #tpu.memory_space<hbm>>
      %dma_start3A_47 = arith.constant 0 : i32
      %dma_start3A_48 = tpu.memref_slice %arg13[%mul3A_38, %dma_start3A_47] : memref<2560x128xf32, #tpu.memory_space<vmem_shared>> -> memref<160x128xf32, #tpu.memory_space<vmem_shared>>
      tpu.enqueue_dma source(%dma_start3A_48 : memref<160x128xf32, #tpu.memory_space<vmem_shared>>) target(%dma_start3A_46 : memref<160x128xf32, #tpu.memory_space<hbm>>) target_semaphore(%run_scoped3A : memref<!tpu.dma_semaphore, #tpu.memory_space<semaphore_mem>>)
      %dma_wait3A_49 = arith.constant 0 : i32
      %dma_wait3A_50 = arith.constant 0 : i32
      %dma_wait3A_51 = tpu.memref_slice %arg7[%arg0, %dma_wait3A_49, %dma_wait3A_50] : memref<2x2560x128xf32, #tpu.memory_space<hbm>> -> memref<1x2560x128xf32, #tpu.memory_space<hbm>>
      %dma_wait3A_52 = tpu.memref_squeeze %dma_wait3A_51 : memref<1x2560x128xf32, #tpu.memory_space<hbm>> -> memref<2560x128xf32, #tpu.memory_space<hbm>>
      %dma_wait3A_53 = arith.constant 0 : i32
      %dma_wait3A_54 = tpu.memref_slice %dma_wait3A_52[%mul3A_40, %dma_wait3A_53] : memref<2560x128xf32, #tpu.memory_space<hbm>> -> memref<160x128xf32, #tpu.memory_space<hbm>>
      %dma_wait3A_55 = arith.constant 0 : i32
      %dma_wait3A_56 = tpu.memref_slice %arg13[%mul3A_38, %dma_wait3A_55] : memref<2560x128xf32, #tpu.memory_space<vmem_shared>> -> memref<160x128xf32, #tpu.memory_space<vmem_shared>>
      tpu.wait_dma2 semaphore(%run_scoped3A : memref<!tpu.dma_semaphore, #tpu.memory_space<semaphore_mem>>) src(%dma_wait3A_56 : memref<160x128xf32, #tpu.memory_space<vmem_shared>>) dst(%dma_wait3A_54 : memref<160x128xf32, #tpu.memory_space<hbm>>)
      tpu.yield
    }) : () -> ()
    return
  }
}

#map = affine_map<(d0, d1) -> (0, 0)>
#map1 = affine_map<(d0, d1) -> (0, 0, 0)>
module attributes {stable_mosaic.version = 14 : i64} {
  func.func @sc_seg_g1(%arg0: i32, %arg1: i32, %arg2: memref<2500x128xbf16, #tpu.memory_space<hbm>>, %arg3: memref<320x128xi32, #tpu.memory_space<hbm>>, %arg4: memref<320x128xi32, #tpu.memory_space<hbm>>, %arg5: memref<128x80xi32, #tpu.memory_space<hbm>>, %arg6: memref<128x16xf32, #tpu.memory_space<hbm>>, %arg7: memref<625x128xbf16, #tpu.memory_space<hbm>>, %arg8: memref<160x16xf32, #tpu.memory_space<hbm>>, %arg9: memref<2x2560x128xbf16, #tpu.memory_space<hbm>>, %arg10: memref<2x2560x16xf32, #tpu.memory_space<hbm>>, %arg11: memref<2x2560x16xf32, #tpu.memory_space<hbm>>, %arg12: memref<10x128xi32, #tpu.memory_space<vmem>>, %arg13: memref<10x128xi32, #tpu.memory_space<vmem>>, %arg14: memref<4x80xi32, #tpu.memory_space<vmem>>, %arg15: memref<128x128xbf16, #tpu.memory_space<vmem>>, %arg16: memref<128x128xbf16, #tpu.memory_space<vmem>>, %arg17: memref<128x16xf32, #tpu.memory_space<vmem>>, %arg18: memref<2560x128xbf16, #tpu.memory_space<vmem_shared>>, %arg19: memref<2560x16xf32, #tpu.memory_space<vmem_shared>>, %arg20: memref<2560x16xf32, #tpu.memory_space<vmem_shared>>, %arg21: memref<!tpu.dma_semaphore, #tpu.memory_space<semaphore_mem>>) attributes {dimension_semantics = [#tpu.dimension_semantics<core_parallel>, #tpu.dimension_semantics<subcore_parallel>], iteration_bounds = array<i64: 2, 16>, scalar_prefetch = 0 : i64, scratch_operands = 10 : i64, tpu.core_type = #tpu.core_type<sc_vector_subcore>, window_params = [{transform_indices = #map}, {transform_indices = #map}, {transform_indices = #map}, {transform_indices = #map}, {transform_indices = #map}, {transform_indices = #map}, {transform_indices = #map}, {transform_indices = #map1}, {transform_indices = #map1}, {transform_indices = #map1}]} {
    %mul3A = arith.constant 16 : i32
    %mul3A_0 = arith.muli %arg0, %mul3A : i32
    %add3A = arith.addi %mul3A_0, %arg1 : i32
    %mul3A_1 = arith.constant 160 : i32
    %mul3A_2 = arith.muli %arg1, %mul3A_1 : i32
    "tpu.region"() ({
      %run_scoped3A = tpu.sem_alloc : memref<!tpu.dma_semaphore, #tpu.memory_space<semaphore_mem>>
      %dma_start3A_49 = arith.constant 0 : i32
      %dma_start3A_50 = tpu.memref_slice %arg18[%mul3A_2, %dma_start3A_49] : memref<2560x128xbf16, #tpu.memory_space<vmem_shared>> -> memref<160x128xbf16, #tpu.memory_space<vmem_shared>>
      %dma_start3A_51 = arith.constant 0 : i32
      %dma_start3A_52 = arith.constant 0 : i32
      %dma_start3A_53 = tpu.memref_slice %arg7[%dma_start3A_51, %dma_start3A_52] : memref<625x128xbf16, #tpu.memory_space<hbm>> -> memref<160x128xbf16, #tpu.memory_space<hbm>>
      tpu.enqueue_dma source(%dma_start3A_53 : memref<160x128xbf16, #tpu.memory_space<hbm>>) target(%dma_start3A_50 : memref<160x128xbf16, #tpu.memory_space<vmem_shared>>) target_semaphore(%run_scoped3A : memref<!tpu.dma_semaphore, #tpu.memory_space<semaphore_mem>>)
      %dma_wait3A_54 = arith.constant 0 : i32
      %dma_wait3A_55 = tpu.memref_slice %arg18[%mul3A_2, %dma_wait3A_54] : memref<2560x128xbf16, #tpu.memory_space<vmem_shared>> -> memref<160x128xbf16, #tpu.memory_space<vmem_shared>>
      %dma_wait3A_56 = arith.constant 0 : i32
      %dma_wait3A_57 = arith.constant 0 : i32
      %dma_wait3A_58 = tpu.memref_slice %arg7[%dma_wait3A_56, %dma_wait3A_57] : memref<625x128xbf16, #tpu.memory_space<hbm>> -> memref<160x128xbf16, #tpu.memory_space<hbm>>
      tpu.wait_dma2 semaphore(%run_scoped3A : memref<!tpu.dma_semaphore, #tpu.memory_space<semaphore_mem>>) src(%dma_wait3A_58 : memref<160x128xbf16, #tpu.memory_space<hbm>>) dst(%dma_wait3A_55 : memref<160x128xbf16, #tpu.memory_space<vmem_shared>>)
      tpu.yield
    }) : () -> ()
    %mul3A_3 = arith.constant 160 : i32
    %mul3A_4 = arith.muli %arg1, %mul3A_3 : i32
    "tpu.region"() ({
      %run_scoped3A = tpu.sem_alloc : memref<!tpu.dma_semaphore, #tpu.memory_space<semaphore_mem>>
      %dma_start3A_49 = arith.constant 0 : i32
      %dma_start3A_50 = tpu.memref_slice %arg19[%mul3A_4, %dma_start3A_49] : memref<2560x16xf32, #tpu.memory_space<vmem_shared>> -> memref<160x16xf32, #tpu.memory_space<vmem_shared>>
      %dma_start3A_51 = arith.constant 0 : i32
      %dma_start3A_52 = arith.constant 0 : i32
      %dma_start3A_53 = tpu.memref_slice %arg8[%dma_start3A_51, %dma_start3A_52] : memref<160x16xf32, #tpu.memory_space<hbm>> -> memref<160x16xf32, #tpu.memory_space<hbm>>
      tpu.enqueue_dma source(%dma_start3A_53 : memref<160x16xf32, #tpu.memory_space<hbm>>) target(%dma_start3A_50 : memref<160x16xf32, #tpu.memory_space<vmem_shared>>) target_semaphore(%run_scoped3A : memref<!tpu.dma_semaphore, #tpu.memory_space<semaphore_mem>>)
      %dma_wait3A_54 = arith.constant 0 : i32
      %dma_wait3A_55 = tpu.memref_slice %arg19[%mul3A_4, %dma_wait3A_54] : memref<2560x16xf32, #tpu.memory_space<vmem_shared>> -> memref<160x16xf32, #tpu.memory_space<vmem_shared>>
      %dma_wait3A_56 = arith.constant 0 : i32
      %dma_wait3A_57 = arith.constant 0 : i32
      %dma_wait3A_58 = tpu.memref_slice %arg8[%dma_wait3A_56, %dma_wait3A_57] : memref<160x16xf32, #tpu.memory_space<hbm>> -> memref<160x16xf32, #tpu.memory_space<hbm>>
      tpu.wait_dma2 semaphore(%run_scoped3A : memref<!tpu.dma_semaphore, #tpu.memory_space<semaphore_mem>>) src(%dma_wait3A_58 : memref<160x16xf32, #tpu.memory_space<hbm>>) dst(%dma_wait3A_55 : memref<160x16xf32, #tpu.memory_space<vmem_shared>>)
      tpu.yield
    }) : () -> ()
    %mul3A_5 = arith.constant 160 : i32
    %mul3A_6 = arith.muli %arg1, %mul3A_5 : i32
    "tpu.region"() ({
      %run_scoped3A = tpu.sem_alloc : memref<!tpu.dma_semaphore, #tpu.memory_space<semaphore_mem>>
      %dma_start3A_49 = arith.constant 0 : i32
      %dma_start3A_50 = tpu.memref_slice %arg20[%mul3A_6, %dma_start3A_49] : memref<2560x16xf32, #tpu.memory_space<vmem_shared>> -> memref<160x16xf32, #tpu.memory_space<vmem_shared>>
      %dma_start3A_51 = arith.constant 0 : i32
      %dma_start3A_52 = arith.constant 0 : i32
      %dma_start3A_53 = tpu.memref_slice %arg8[%dma_start3A_51, %dma_start3A_52] : memref<160x16xf32, #tpu.memory_space<hbm>> -> memref<160x16xf32, #tpu.memory_space<hbm>>
      tpu.enqueue_dma source(%dma_start3A_53 : memref<160x16xf32, #tpu.memory_space<hbm>>) target(%dma_start3A_50 : memref<160x16xf32, #tpu.memory_space<vmem_shared>>) target_semaphore(%run_scoped3A : memref<!tpu.dma_semaphore, #tpu.memory_space<semaphore_mem>>)
      %dma_wait3A_54 = arith.constant 0 : i32
      %dma_wait3A_55 = tpu.memref_slice %arg20[%mul3A_6, %dma_wait3A_54] : memref<2560x16xf32, #tpu.memory_space<vmem_shared>> -> memref<160x16xf32, #tpu.memory_space<vmem_shared>>
      %dma_wait3A_56 = arith.constant 0 : i32
      %dma_wait3A_57 = arith.constant 0 : i32
      %dma_wait3A_58 = tpu.memref_slice %arg8[%dma_wait3A_56, %dma_wait3A_57] : memref<160x16xf32, #tpu.memory_space<hbm>> -> memref<160x16xf32, #tpu.memory_space<hbm>>
      tpu.wait_dma2 semaphore(%run_scoped3A : memref<!tpu.dma_semaphore, #tpu.memory_space<semaphore_mem>>) src(%dma_wait3A_58 : memref<160x16xf32, #tpu.memory_space<hbm>>) dst(%dma_wait3A_55 : memref<160x16xf32, #tpu.memory_space<vmem_shared>>)
      tpu.yield
    }) : () -> ()
    %mul3A_7 = arith.constant 4 : i32
    %mul3A_8 = arith.muli %add3A, %mul3A_7 : i32
    "tpu.region"() ({
      %run_scoped3A = tpu.sem_alloc : memref<!tpu.dma_semaphore, #tpu.memory_space<semaphore_mem>>
      %dma_start3A_49 = arith.constant 0 : i32
      %dma_start3A_50 = tpu.memref_slice %arg5[%mul3A_8, %dma_start3A_49] : memref<128x80xi32, #tpu.memory_space<hbm>> -> memref<4x80xi32, #tpu.memory_space<hbm>>
      %dma_start3A_51 = arith.constant 0 : i32
      %dma_start3A_52 = tpu.memref_slice %arg5[%mul3A_8, %dma_start3A_51] : memref<128x80xi32, #tpu.memory_space<hbm>> -> memref<4x80xi32, #tpu.memory_space<hbm>>
      tpu.enqueue_dma source(%dma_start3A_52 : memref<4x80xi32, #tpu.memory_space<hbm>>) target(%arg14 : memref<4x80xi32, #tpu.memory_space<vmem>>) target_semaphore(%run_scoped3A : memref<!tpu.dma_semaphore, #tpu.memory_space<semaphore_mem>>)
      %dma_wait3A_53 = arith.constant 0 : i32
      %dma_wait3A_54 = tpu.memref_slice %arg5[%mul3A_8, %dma_wait3A_53] : memref<128x80xi32, #tpu.memory_space<hbm>> -> memref<4x80xi32, #tpu.memory_space<hbm>>
      %dma_wait3A_55 = arith.constant 0 : i32
      %dma_wait3A_56 = tpu.memref_slice %arg5[%mul3A_8, %dma_wait3A_55] : memref<128x80xi32, #tpu.memory_space<hbm>> -> memref<4x80xi32, #tpu.memory_space<hbm>>
      tpu.wait_dma2 semaphore(%run_scoped3A : memref<!tpu.dma_semaphore, #tpu.memory_space<semaphore_mem>>) src(%dma_wait3A_56 : memref<4x80xi32, #tpu.memory_space<hbm>>) dst(%arg14 : memref<4x80xi32, #tpu.memory_space<vmem>>)
      tpu.yield
    }) : () -> ()
    "tpu.region"() ({
      %run_scoped3A = tpu.sem_alloc : memref<!tpu.dma_semaphore, #tpu.memory_space<semaphore_mem>>
      tpu.enqueue_dma source(%arg6 : memref<128x16xf32, #tpu.memory_space<hbm>>) target(%arg17 : memref<128x16xf32, #tpu.memory_space<vmem>>) target_semaphore(%run_scoped3A : memref<!tpu.dma_semaphore, #tpu.memory_space<semaphore_mem>>)
      tpu.wait_dma2 semaphore(%run_scoped3A : memref<!tpu.dma_semaphore, #tpu.memory_space<semaphore_mem>>) src(%arg6 : memref<128x16xf32, #tpu.memory_space<hbm>>) dst(%arg17 : memref<128x16xf32, #tpu.memory_space<vmem>>)
      tpu.yield
    }) : () -> ()
    %mul3A_9 = arith.constant 10 : i32
    %mul3A_10 = arith.muli %add3A, %mul3A_9 : i32
    "tpu.region"() ({
      %run_scoped3A = tpu.sem_alloc : memref<!tpu.dma_semaphore, #tpu.memory_space<semaphore_mem>>
      %dma_start3A_49 = arith.constant 0 : i32
      %dma_start3A_50 = tpu.memref_slice %arg3[%mul3A_10, %dma_start3A_49] : memref<320x128xi32, #tpu.memory_space<hbm>> -> memref<10x128xi32, #tpu.memory_space<hbm>>
      %dma_start3A_51 = arith.constant 0 : i32
      %dma_start3A_52 = tpu.memref_slice %arg3[%mul3A_10, %dma_start3A_51] : memref<320x128xi32, #tpu.memory_space<hbm>> -> memref<10x128xi32, #tpu.memory_space<hbm>>
      tpu.enqueue_dma source(%dma_start3A_52 : memref<10x128xi32, #tpu.memory_space<hbm>>) target(%arg12 : memref<10x128xi32, #tpu.memory_space<vmem>>) target_semaphore(%run_scoped3A : memref<!tpu.dma_semaphore, #tpu.memory_space<semaphore_mem>>)
      %dma_wait3A_53 = arith.constant 0 : i32
      %dma_wait3A_54 = tpu.memref_slice %arg3[%mul3A_10, %dma_wait3A_53] : memref<320x128xi32, #tpu.memory_space<hbm>> -> memref<10x128xi32, #tpu.memory_space<hbm>>
      %dma_wait3A_55 = arith.constant 0 : i32
      %dma_wait3A_56 = tpu.memref_slice %arg3[%mul3A_10, %dma_wait3A_55] : memref<320x128xi32, #tpu.memory_space<hbm>> -> memref<10x128xi32, #tpu.memory_space<hbm>>
      tpu.wait_dma2 semaphore(%run_scoped3A : memref<!tpu.dma_semaphore, #tpu.memory_space<semaphore_mem>>) src(%dma_wait3A_56 : memref<10x128xi32, #tpu.memory_space<hbm>>) dst(%arg12 : memref<10x128xi32, #tpu.memory_space<vmem>>)
      tpu.yield
    }) : () -> ()
    %mul3A_11 = arith.constant 10 : i32
    %mul3A_12 = arith.muli %add3A, %mul3A_11 : i32
    "tpu.region"() ({
      %run_scoped3A = tpu.sem_alloc : memref<!tpu.dma_semaphore, #tpu.memory_space<semaphore_mem>>
      %dma_start3A_49 = arith.constant 0 : i32
      %dma_start3A_50 = tpu.memref_slice %arg4[%mul3A_12, %dma_start3A_49] : memref<320x128xi32, #tpu.memory_space<hbm>> -> memref<10x128xi32, #tpu.memory_space<hbm>>
      %dma_start3A_51 = arith.constant 0 : i32
      %dma_start3A_52 = tpu.memref_slice %arg4[%mul3A_12, %dma_start3A_51] : memref<320x128xi32, #tpu.memory_space<hbm>> -> memref<10x128xi32, #tpu.memory_space<hbm>>
      tpu.enqueue_dma source(%dma_start3A_52 : memref<10x128xi32, #tpu.memory_space<hbm>>) target(%arg13 : memref<10x128xi32, #tpu.memory_space<vmem>>) target_semaphore(%run_scoped3A : memref<!tpu.dma_semaphore, #tpu.memory_space<semaphore_mem>>)
      %dma_wait3A_53 = arith.constant 0 : i32
      %dma_wait3A_54 = tpu.memref_slice %arg4[%mul3A_12, %dma_wait3A_53] : memref<320x128xi32, #tpu.memory_space<hbm>> -> memref<10x128xi32, #tpu.memory_space<hbm>>
      %dma_wait3A_55 = arith.constant 0 : i32
      %dma_wait3A_56 = tpu.memref_slice %arg4[%mul3A_12, %dma_wait3A_55] : memref<320x128xi32, #tpu.memory_space<hbm>> -> memref<10x128xi32, #tpu.memory_space<hbm>>
      tpu.wait_dma2 semaphore(%run_scoped3A : memref<!tpu.dma_semaphore, #tpu.memory_space<semaphore_mem>>) src(%dma_wait3A_56 : memref<10x128xi32, #tpu.memory_space<hbm>>) dst(%arg13 : memref<10x128xi32, #tpu.memory_space<vmem>>)
      tpu.yield
    }) : () -> ()
    %barrier3A = arith.constant 0 : index
    tpu.barrier barrier_id(%barrier3A)
    %dma_start3A = arith.constant 0 : i32
    %dma_start3A_13 = arith.constant 0 : i32
    %dma_start3A_14 = tpu.memref_slice %arg12[%dma_start3A, %dma_start3A_13] : memref<10x128xi32, #tpu.memory_space<vmem>> -> memref<1x128xi32, #tpu.memory_space<vmem>>
    %dma_start3A_15 = tpu.memref_squeeze %dma_start3A_14 : memref<1x128xi32, #tpu.memory_space<vmem>> -> memref<128xi32, #tpu.memory_space<vmem>>
    %dma_start3A_16 = arith.constant 0 : i32
    %dma_start3A_17 = arith.constant 0 : i32
    %dma_start3A_18 = tpu.memref_slice %arg2[%dma_start3A_16, %dma_start3A_17] : memref<2500x128xbf16, #tpu.memory_space<hbm>> -> memref<2500x128xbf16, #tpu.memory_space<hbm>>
    tpu.enqueue_indirect_dma source(%dma_start3A_18 : memref<2500x128xbf16, #tpu.memory_space<hbm>>) target(%arg15 : memref<128x128xbf16, #tpu.memory_space<vmem>>) offsets(%dma_start3A_15 : memref<128xi32, #tpu.memory_space<vmem>>) semaphore(%arg21 : memref<!tpu.dma_semaphore, #tpu.memory_space<semaphore_mem>>)
    %dma_wait3A = arith.constant 0 : i32
    %dma_wait3A_19 = arith.constant 0 : i32
    %dma_wait3A_20 = tpu.memref_slice %arg12[%dma_wait3A, %dma_wait3A_19] : memref<10x128xi32, #tpu.memory_space<vmem>> -> memref<1x128xi32, #tpu.memory_space<vmem>>
    %dma_wait3A_21 = tpu.memref_squeeze %dma_wait3A_20 : memref<1x128xi32, #tpu.memory_space<vmem>> -> memref<128xi32, #tpu.memory_space<vmem>>
    %dma_wait3A_22 = arith.constant 0 : i32
    %dma_wait3A_23 = arith.constant 0 : i32
    %dma_wait3A_24 = tpu.memref_slice %arg2[%dma_wait3A_22, %dma_wait3A_23] : memref<2500x128xbf16, #tpu.memory_space<hbm>> -> memref<2500x128xbf16, #tpu.memory_space<hbm>>
    tpu.wait_indirect_dma semaphore(%arg21 : memref<!tpu.dma_semaphore, #tpu.memory_space<semaphore_mem>>) src(%dma_wait3A_24 : memref<2500x128xbf16, #tpu.memory_space<hbm>>) dst(%arg15 : memref<128x128xbf16, #tpu.memory_space<vmem>>)
    %scan3A = arith.constant 0 : i32
    %scan3A_25 = arith.constant 0 : i32
    %scan3A_26 = arith.constant 5 : i32
    %scan3A_27 = arith.addi %scan3A_25, %scan3A_26 : i32
    %scan3A_28 = arith.constant 1 : i32
    scf.for %scan3A_49 = %scan3A_25 to %scan3A_27 step %scan3A_28  : i32 {
      %mul3A_50 = arith.constant 2 : i32
      %mul3A_51 = arith.muli %mul3A_50, %scan3A_49 : i32
      %add3A_52 = arith.constant 1 : i32
      %add3A_53 = arith.addi %mul3A_51, %add3A_52 : i32
      %dma_start3A_54 = arith.constant 0 : i32
      %dma_start3A_55 = tpu.memref_slice %arg12[%add3A_53, %dma_start3A_54] : memref<10x128xi32, #tpu.memory_space<vmem>> -> memref<1x128xi32, #tpu.memory_space<vmem>>
      %dma_start3A_56 = tpu.memref_squeeze %dma_start3A_55 : memref<1x128xi32, #tpu.memory_space<vmem>> -> memref<128xi32, #tpu.memory_space<vmem>>
      %dma_start3A_57 = arith.constant 0 : i32
      %dma_start3A_58 = arith.constant 0 : i32
      %dma_start3A_59 = tpu.memref_slice %arg2[%dma_start3A_57, %dma_start3A_58] : memref<2500x128xbf16, #tpu.memory_space<hbm>> -> memref<2500x128xbf16, #tpu.memory_space<hbm>>
      tpu.enqueue_indirect_dma source(%dma_start3A_59 : memref<2500x128xbf16, #tpu.memory_space<hbm>>) target(%arg16 : memref<128x128xbf16, #tpu.memory_space<vmem>>) offsets(%dma_start3A_56 : memref<128xi32, #tpu.memory_space<vmem>>) semaphore(%arg21 : memref<!tpu.dma_semaphore, #tpu.memory_space<semaphore_mem>>)
      "tpu.region"() ({
        %run_scoped3A = tpu.sem_alloc : memref<!tpu.dma_semaphore, #tpu.memory_space<semaphore_mem>>
        %dma_start3A_83 = arith.constant 0 : i32
        %dma_start3A_84 = tpu.memref_slice %arg13[%mul3A_51, %dma_start3A_83] : memref<10x128xi32, #tpu.memory_space<vmem>> -> memref<1x128xi32, #tpu.memory_space<vmem>>
        %dma_start3A_85 = tpu.memref_squeeze %dma_start3A_84 : memref<1x128xi32, #tpu.memory_space<vmem>> -> memref<128xi32, #tpu.memory_space<vmem>>
        %dma_start3A_86 = arith.constant 0 : i32
        %dma_start3A_87 = arith.constant 0 : i32
        %dma_start3A_88 = tpu.memref_slice %arg18[%dma_start3A_86, %dma_start3A_87] : memref<2560x128xbf16, #tpu.memory_space<vmem_shared>> -> memref<2560x128xbf16, #tpu.memory_space<vmem_shared>>
        tpu.enqueue_indirect_dma source(%arg15 : memref<128x128xbf16, #tpu.memory_space<vmem>>) target(%dma_start3A_88 : memref<2560x128xbf16, #tpu.memory_space<vmem_shared>>) offsets(%dma_start3A_85 : memref<128xi32, #tpu.memory_space<vmem>>) semaphore(%run_scoped3A : memref<!tpu.dma_semaphore, #tpu.memory_space<semaphore_mem>>) {add = true}
        %dma_wait3A_89 = arith.constant 0 : i32
        %dma_wait3A_90 = tpu.memref_slice %arg13[%mul3A_51, %dma_wait3A_89] : memref<10x128xi32, #tpu.memory_space<vmem>> -> memref<1x128xi32, #tpu.memory_space<vmem>>
        %dma_wait3A_91 = tpu.memref_squeeze %dma_wait3A_90 : memref<1x128xi32, #tpu.memory_space<vmem>> -> memref<128xi32, #tpu.memory_space<vmem>>
        %dma_wait3A_92 = arith.constant 0 : i32
        %dma_wait3A_93 = arith.constant 0 : i32
        %dma_wait3A_94 = tpu.memref_slice %arg18[%dma_wait3A_92, %dma_wait3A_93] : memref<2560x128xbf16, #tpu.memory_space<vmem_shared>> -> memref<2560x128xbf16, #tpu.memory_space<vmem_shared>>
        tpu.wait_indirect_dma semaphore(%run_scoped3A : memref<!tpu.dma_semaphore, #tpu.memory_space<semaphore_mem>>) src(%arg15 : memref<128x128xbf16, #tpu.memory_space<vmem>>) dst(%dma_wait3A_94 : memref<2560x128xbf16, #tpu.memory_space<vmem_shared>>)
        tpu.yield
      }) : () -> ()
      "tpu.region"() ({
        %run_scoped3A = tpu.sem_alloc : memref<!tpu.dma_semaphore, #tpu.memory_space<semaphore_mem>>
        %dma_start3A_83 = arith.constant 0 : i32
        %dma_start3A_84 = tpu.memref_slice %arg13[%mul3A_51, %dma_start3A_83] : memref<10x128xi32, #tpu.memory_space<vmem>> -> memref<1x128xi32, #tpu.memory_space<vmem>>
        %dma_start3A_85 = tpu.memref_squeeze %dma_start3A_84 : memref<1x128xi32, #tpu.memory_space<vmem>> -> memref<128xi32, #tpu.memory_space<vmem>>
        %dma_start3A_86 = arith.constant 0 : i32
        %dma_start3A_87 = arith.constant 0 : i32
        %dma_start3A_88 = tpu.memref_slice %arg19[%dma_start3A_86, %dma_start3A_87] : memref<2560x16xf32, #tpu.memory_space<vmem_shared>> -> memref<2560x16xf32, #tpu.memory_space<vmem_shared>>
        tpu.enqueue_indirect_dma source(%arg17 : memref<128x16xf32, #tpu.memory_space<vmem>>) target(%dma_start3A_88 : memref<2560x16xf32, #tpu.memory_space<vmem_shared>>) offsets(%dma_start3A_85 : memref<128xi32, #tpu.memory_space<vmem>>) semaphore(%run_scoped3A : memref<!tpu.dma_semaphore, #tpu.memory_space<semaphore_mem>>) {add = true}
        %dma_wait3A_89 = arith.constant 0 : i32
        %dma_wait3A_90 = tpu.memref_slice %arg13[%mul3A_51, %dma_wait3A_89] : memref<10x128xi32, #tpu.memory_space<vmem>> -> memref<1x128xi32, #tpu.memory_space<vmem>>
        %dma_wait3A_91 = tpu.memref_squeeze %dma_wait3A_90 : memref<1x128xi32, #tpu.memory_space<vmem>> -> memref<128xi32, #tpu.memory_space<vmem>>
        %dma_wait3A_92 = arith.constant 0 : i32
        %dma_wait3A_93 = arith.constant 0 : i32
        %dma_wait3A_94 = tpu.memref_slice %arg19[%dma_wait3A_92, %dma_wait3A_93] : memref<2560x16xf32, #tpu.memory_space<vmem_shared>> -> memref<2560x16xf32, #tpu.memory_space<vmem_shared>>
        tpu.wait_indirect_dma semaphore(%run_scoped3A : memref<!tpu.dma_semaphore, #tpu.memory_space<semaphore_mem>>) src(%arg17 : memref<128x16xf32, #tpu.memory_space<vmem>>) dst(%dma_wait3A_94 : memref<2560x16xf32, #tpu.memory_space<vmem_shared>>)
        tpu.yield
      }) : () -> ()
      %dma_wait3A_60 = arith.constant 0 : i32
      %dma_wait3A_61 = tpu.memref_slice %arg12[%add3A_53, %dma_wait3A_60] : memref<10x128xi32, #tpu.memory_space<vmem>> -> memref<1x128xi32, #tpu.memory_space<vmem>>
      %dma_wait3A_62 = tpu.memref_squeeze %dma_wait3A_61 : memref<1x128xi32, #tpu.memory_space<vmem>> -> memref<128xi32, #tpu.memory_space<vmem>>
      %dma_wait3A_63 = arith.constant 0 : i32
      %dma_wait3A_64 = arith.constant 0 : i32
      %dma_wait3A_65 = tpu.memref_slice %arg2[%dma_wait3A_63, %dma_wait3A_64] : memref<2500x128xbf16, #tpu.memory_space<hbm>> -> memref<2500x128xbf16, #tpu.memory_space<hbm>>
      tpu.wait_indirect_dma semaphore(%arg21 : memref<!tpu.dma_semaphore, #tpu.memory_space<semaphore_mem>>) src(%dma_wait3A_65 : memref<2500x128xbf16, #tpu.memory_space<hbm>>) dst(%arg16 : memref<128x128xbf16, #tpu.memory_space<vmem>>)
      %add3A_66 = arith.constant 2 : i32
      %add3A_67 = arith.addi %mul3A_51, %add3A_66 : i32
      %min3A = arith.constant 9 : i32
      %min3A_68 = arith.minsi %add3A_67, %min3A : i32
      %dma_start3A_69 = arith.constant 0 : i32
      %dma_start3A_70 = tpu.memref_slice %arg12[%min3A_68, %dma_start3A_69] : memref<10x128xi32, #tpu.memory_space<vmem>> -> memref<1x128xi32, #tpu.memory_space<vmem>>
      %dma_start3A_71 = tpu.memref_squeeze %dma_start3A_70 : memref<1x128xi32, #tpu.memory_space<vmem>> -> memref<128xi32, #tpu.memory_space<vmem>>
      %dma_start3A_72 = arith.constant 0 : i32
      %dma_start3A_73 = arith.constant 0 : i32
      %dma_start3A_74 = tpu.memref_slice %arg2[%dma_start3A_72, %dma_start3A_73] : memref<2500x128xbf16, #tpu.memory_space<hbm>> -> memref<2500x128xbf16, #tpu.memory_space<hbm>>
      tpu.enqueue_indirect_dma source(%dma_start3A_74 : memref<2500x128xbf16, #tpu.memory_space<hbm>>) target(%arg15 : memref<128x128xbf16, #tpu.memory_space<vmem>>) offsets(%dma_start3A_71 : memref<128xi32, #tpu.memory_space<vmem>>) semaphore(%arg21 : memref<!tpu.dma_semaphore, #tpu.memory_space<semaphore_mem>>)
      %add3A_75 = arith.constant 1 : i32
      %add3A_76 = arith.addi %mul3A_51, %add3A_75 : i32
      "tpu.region"() ({
        %run_scoped3A = tpu.sem_alloc : memref<!tpu.dma_semaphore, #tpu.memory_space<semaphore_mem>>
        %dma_start3A_83 = arith.constant 0 : i32
        %dma_start3A_84 = tpu.memref_slice %arg13[%add3A_76, %dma_start3A_83] : memref<10x128xi32, #tpu.memory_space<vmem>> -> memref<1x128xi32, #tpu.memory_space<vmem>>
        %dma_start3A_85 = tpu.memref_squeeze %dma_start3A_84 : memref<1x128xi32, #tpu.memory_space<vmem>> -> memref<128xi32, #tpu.memory_space<vmem>>
        %dma_start3A_86 = arith.constant 0 : i32
        %dma_start3A_87 = arith.constant 0 : i32
        %dma_start3A_88 = tpu.memref_slice %arg18[%dma_start3A_86, %dma_start3A_87] : memref<2560x128xbf16, #tpu.memory_space<vmem_shared>> -> memref<2560x128xbf16, #tpu.memory_space<vmem_shared>>
        tpu.enqueue_indirect_dma source(%arg16 : memref<128x128xbf16, #tpu.memory_space<vmem>>) target(%dma_start3A_88 : memref<2560x128xbf16, #tpu.memory_space<vmem_shared>>) offsets(%dma_start3A_85 : memref<128xi32, #tpu.memory_space<vmem>>) semaphore(%run_scoped3A : memref<!tpu.dma_semaphore, #tpu.memory_space<semaphore_mem>>) {add = true}
        %dma_wait3A_89 = arith.constant 0 : i32
        %dma_wait3A_90 = tpu.memref_slice %arg13[%add3A_76, %dma_wait3A_89] : memref<10x128xi32, #tpu.memory_space<vmem>> -> memref<1x128xi32, #tpu.memory_space<vmem>>
        %dma_wait3A_91 = tpu.memref_squeeze %dma_wait3A_90 : memref<1x128xi32, #tpu.memory_space<vmem>> -> memref<128xi32, #tpu.memory_space<vmem>>
        %dma_wait3A_92 = arith.constant 0 : i32
        %dma_wait3A_93 = arith.constant 0 : i32
        %dma_wait3A_94 = tpu.memref_slice %arg18[%dma_wait3A_92, %dma_wait3A_93] : memref<2560x128xbf16, #tpu.memory_space<vmem_shared>> -> memref<2560x128xbf16, #tpu.memory_space<vmem_shared>>
        tpu.wait_indirect_dma semaphore(%run_scoped3A : memref<!tpu.dma_semaphore, #tpu.memory_space<semaphore_mem>>) src(%arg16 : memref<128x128xbf16, #tpu.memory_space<vmem>>) dst(%dma_wait3A_94 : memref<2560x128xbf16, #tpu.memory_space<vmem_shared>>)
        tpu.yield
      }) : () -> ()
      "tpu.region"() ({
        %run_scoped3A = tpu.sem_alloc : memref<!tpu.dma_semaphore, #tpu.memory_space<semaphore_mem>>
        %dma_start3A_83 = arith.constant 0 : i32
        %dma_start3A_84 = tpu.memref_slice %arg13[%add3A_76, %dma_start3A_83] : memref<10x128xi32, #tpu.memory_space<vmem>> -> memref<1x128xi32, #tpu.memory_space<vmem>>
        %dma_start3A_85 = tpu.memref_squeeze %dma_start3A_84 : memref<1x128xi32, #tpu.memory_space<vmem>> -> memref<128xi32, #tpu.memory_space<vmem>>
        %dma_start3A_86 = arith.constant 0 : i32
        %dma_start3A_87 = arith.constant 0 : i32
        %dma_start3A_88 = tpu.memref_slice %arg19[%dma_start3A_86, %dma_start3A_87] : memref<2560x16xf32, #tpu.memory_space<vmem_shared>> -> memref<2560x16xf32, #tpu.memory_space<vmem_shared>>
        tpu.enqueue_indirect_dma source(%arg17 : memref<128x16xf32, #tpu.memory_space<vmem>>) target(%dma_start3A_88 : memref<2560x16xf32, #tpu.memory_space<vmem_shared>>) offsets(%dma_start3A_85 : memref<128xi32, #tpu.memory_space<vmem>>) semaphore(%run_scoped3A : memref<!tpu.dma_semaphore, #tpu.memory_space<semaphore_mem>>) {add = true}
        %dma_wait3A_89 = arith.constant 0 : i32
        %dma_wait3A_90 = tpu.memref_slice %arg13[%add3A_76, %dma_wait3A_89] : memref<10x128xi32, #tpu.memory_space<vmem>> -> memref<1x128xi32, #tpu.memory_space<vmem>>
        %dma_wait3A_91 = tpu.memref_squeeze %dma_wait3A_90 : memref<1x128xi32, #tpu.memory_space<vmem>> -> memref<128xi32, #tpu.memory_space<vmem>>
        %dma_wait3A_92 = arith.constant 0 : i32
        %dma_wait3A_93 = arith.constant 0 : i32
        %dma_wait3A_94 = tpu.memref_slice %arg19[%dma_wait3A_92, %dma_wait3A_93] : memref<2560x16xf32, #tpu.memory_space<vmem_shared>> -> memref<2560x16xf32, #tpu.memory_space<vmem_shared>>
        tpu.wait_indirect_dma semaphore(%run_scoped3A : memref<!tpu.dma_semaphore, #tpu.memory_space<semaphore_mem>>) src(%arg17 : memref<128x16xf32, #tpu.memory_space<vmem>>) dst(%dma_wait3A_94 : memref<2560x16xf32, #tpu.memory_space<vmem_shared>>)
        tpu.yield
      }) : () -> ()
      %dma_wait3A_77 = arith.constant 0 : i32
      %dma_wait3A_78 = tpu.memref_slice %arg12[%min3A_68, %dma_wait3A_77] : memref<10x128xi32, #tpu.memory_space<vmem>> -> memref<1x128xi32, #tpu.memory_space<vmem>>
      %dma_wait3A_79 = tpu.memref_squeeze %dma_wait3A_78 : memref<1x128xi32, #tpu.memory_space<vmem>> -> memref<128xi32, #tpu.memory_space<vmem>>
      %dma_wait3A_80 = arith.constant 0 : i32
      %dma_wait3A_81 = arith.constant 0 : i32
      %dma_wait3A_82 = tpu.memref_slice %arg2[%dma_wait3A_80, %dma_wait3A_81] : memref<2500x128xbf16, #tpu.memory_space<hbm>> -> memref<2500x128xbf16, #tpu.memory_space<hbm>>
      tpu.wait_indirect_dma semaphore(%arg21 : memref<!tpu.dma_semaphore, #tpu.memory_space<semaphore_mem>>) src(%dma_wait3A_82 : memref<2500x128xbf16, #tpu.memory_space<hbm>>) dst(%arg15 : memref<128x128xbf16, #tpu.memory_space<vmem>>)
    }
    %scan3A_29 = arith.constant 5 : i32
    %scan3A_30 = arith.constant 0 : i32
    %scan3A_31 = arith.constant 0 : i32
    %scan3A_32 = arith.constant 4 : i32
    %scan3A_33 = arith.addi %scan3A_31, %scan3A_32 : i32
    %scan3A_34 = arith.constant 1 : i32
    scf.for %scan3A_49 = %scan3A_31 to %scan3A_33 step %scan3A_34  : i32 {
      "tpu.region"() ({
        %run_scoped3A = tpu.sem_alloc : memref<!tpu.dma_semaphore, #tpu.memory_space<semaphore_mem>>
        %dma_start3A_50 = arith.constant 0 : i32
        %dma_start3A_51 = arith.constant 0 : i32
        %dma_start3A_52 = tpu.memref_slice %arg17[%dma_start3A_50, %dma_start3A_51] : memref<128x16xf32, #tpu.memory_space<vmem>> -> memref<80x16xf32, #tpu.memory_space<vmem>>
        %dma_start3A_53 = arith.constant 0 : i32
        %dma_start3A_54 = tpu.memref_slice %arg14[%scan3A_49, %dma_start3A_53] : memref<4x80xi32, #tpu.memory_space<vmem>> -> memref<1x80xi32, #tpu.memory_space<vmem>>
        %dma_start3A_55 = tpu.memref_squeeze %dma_start3A_54 : memref<1x80xi32, #tpu.memory_space<vmem>> -> memref<80xi32, #tpu.memory_space<vmem>>
        %dma_start3A_56 = arith.constant 0 : i32
        %dma_start3A_57 = arith.constant 0 : i32
        %dma_start3A_58 = tpu.memref_slice %arg20[%dma_start3A_56, %dma_start3A_57] : memref<2560x16xf32, #tpu.memory_space<vmem_shared>> -> memref<2560x16xf32, #tpu.memory_space<vmem_shared>>
        tpu.enqueue_indirect_dma source(%dma_start3A_52 : memref<80x16xf32, #tpu.memory_space<vmem>>) target(%dma_start3A_58 : memref<2560x16xf32, #tpu.memory_space<vmem_shared>>) offsets(%dma_start3A_55 : memref<80xi32, #tpu.memory_space<vmem>>) semaphore(%run_scoped3A : memref<!tpu.dma_semaphore, #tpu.memory_space<semaphore_mem>>) {add = true}
        %dma_wait3A_59 = arith.constant 0 : i32
        %dma_wait3A_60 = arith.constant 0 : i32
        %dma_wait3A_61 = tpu.memref_slice %arg17[%dma_wait3A_59, %dma_wait3A_60] : memref<128x16xf32, #tpu.memory_space<vmem>> -> memref<80x16xf32, #tpu.memory_space<vmem>>
        %dma_wait3A_62 = arith.constant 0 : i32
        %dma_wait3A_63 = tpu.memref_slice %arg14[%scan3A_49, %dma_wait3A_62] : memref<4x80xi32, #tpu.memory_space<vmem>> -> memref<1x80xi32, #tpu.memory_space<vmem>>
        %dma_wait3A_64 = tpu.memref_squeeze %dma_wait3A_63 : memref<1x80xi32, #tpu.memory_space<vmem>> -> memref<80xi32, #tpu.memory_space<vmem>>
        %dma_wait3A_65 = arith.constant 0 : i32
        %dma_wait3A_66 = arith.constant 0 : i32
        %dma_wait3A_67 = tpu.memref_slice %arg20[%dma_wait3A_65, %dma_wait3A_66] : memref<2560x16xf32, #tpu.memory_space<vmem_shared>> -> memref<2560x16xf32, #tpu.memory_space<vmem_shared>>
        tpu.wait_indirect_dma semaphore(%run_scoped3A : memref<!tpu.dma_semaphore, #tpu.memory_space<semaphore_mem>>) src(%dma_wait3A_61 : memref<80x16xf32, #tpu.memory_space<vmem>>) dst(%dma_wait3A_67 : memref<2560x16xf32, #tpu.memory_space<vmem_shared>>)
        tpu.yield
      }) : () -> ()
    }
    %scan3A_35 = arith.constant 4 : i32
    %barrier3A_36 = arith.constant 0 : index
    tpu.barrier barrier_id(%barrier3A_36)
    %mul3A_37 = arith.constant 160 : i32
    %mul3A_38 = arith.muli %arg1, %mul3A_37 : i32
    %mul3A_39 = arith.constant 160 : i32
    %mul3A_40 = arith.muli %arg1, %mul3A_39 : i32
    "tpu.region"() ({
      %run_scoped3A = tpu.sem_alloc : memref<!tpu.dma_semaphore, #tpu.memory_space<semaphore_mem>>
      %dma_start3A_49 = arith.constant 0 : i32
      %dma_start3A_50 = arith.constant 0 : i32
      %dma_start3A_51 = tpu.memref_slice %arg9[%arg0, %dma_start3A_49, %dma_start3A_50] : memref<2x2560x128xbf16, #tpu.memory_space<hbm>> -> memref<1x2560x128xbf16, #tpu.memory_space<hbm>>
      %dma_start3A_52 = tpu.memref_squeeze %dma_start3A_51 : memref<1x2560x128xbf16, #tpu.memory_space<hbm>> -> memref<2560x128xbf16, #tpu.memory_space<hbm>>
      %dma_start3A_53 = arith.constant 0 : i32
      %dma_start3A_54 = tpu.memref_slice %dma_start3A_52[%mul3A_40, %dma_start3A_53] : memref<2560x128xbf16, #tpu.memory_space<hbm>> -> memref<160x128xbf16, #tpu.memory_space<hbm>>
      %dma_start3A_55 = arith.constant 0 : i32
      %dma_start3A_56 = tpu.memref_slice %arg18[%mul3A_38, %dma_start3A_55] : memref<2560x128xbf16, #tpu.memory_space<vmem_shared>> -> memref<160x128xbf16, #tpu.memory_space<vmem_shared>>
      tpu.enqueue_dma source(%dma_start3A_56 : memref<160x128xbf16, #tpu.memory_space<vmem_shared>>) target(%dma_start3A_54 : memref<160x128xbf16, #tpu.memory_space<hbm>>) target_semaphore(%run_scoped3A : memref<!tpu.dma_semaphore, #tpu.memory_space<semaphore_mem>>)
      %dma_wait3A_57 = arith.constant 0 : i32
      %dma_wait3A_58 = arith.constant 0 : i32
      %dma_wait3A_59 = tpu.memref_slice %arg9[%arg0, %dma_wait3A_57, %dma_wait3A_58] : memref<2x2560x128xbf16, #tpu.memory_space<hbm>> -> memref<1x2560x128xbf16, #tpu.memory_space<hbm>>
      %dma_wait3A_60 = tpu.memref_squeeze %dma_wait3A_59 : memref<1x2560x128xbf16, #tpu.memory_space<hbm>> -> memref<2560x128xbf16, #tpu.memory_space<hbm>>
      %dma_wait3A_61 = arith.constant 0 : i32
      %dma_wait3A_62 = tpu.memref_slice %dma_wait3A_60[%mul3A_40, %dma_wait3A_61] : memref<2560x128xbf16, #tpu.memory_space<hbm>> -> memref<160x128xbf16, #tpu.memory_space<hbm>>
      %dma_wait3A_63 = arith.constant 0 : i32
      %dma_wait3A_64 = tpu.memref_slice %arg18[%mul3A_38, %dma_wait3A_63] : memref<2560x128xbf16, #tpu.memory_space<vmem_shared>> -> memref<160x128xbf16, #tpu.memory_space<vmem_shared>>
      tpu.wait_dma2 semaphore(%run_scoped3A : memref<!tpu.dma_semaphore, #tpu.memory_space<semaphore_mem>>) src(%dma_wait3A_64 : memref<160x128xbf16, #tpu.memory_space<vmem_shared>>) dst(%dma_wait3A_62 : memref<160x128xbf16, #tpu.memory_space<hbm>>)
      tpu.yield
    }) : () -> ()
    %mul3A_41 = arith.constant 160 : i32
    %mul3A_42 = arith.muli %arg1, %mul3A_41 : i32
    %mul3A_43 = arith.constant 160 : i32
    %mul3A_44 = arith.muli %arg1, %mul3A_43 : i32
    "tpu.region"() ({
      %run_scoped3A = tpu.sem_alloc : memref<!tpu.dma_semaphore, #tpu.memory_space<semaphore_mem>>
      %dma_start3A_49 = arith.constant 0 : i32
      %dma_start3A_50 = arith.constant 0 : i32
      %dma_start3A_51 = tpu.memref_slice %arg10[%arg0, %dma_start3A_49, %dma_start3A_50] : memref<2x2560x16xf32, #tpu.memory_space<hbm>> -> memref<1x2560x16xf32, #tpu.memory_space<hbm>>
      %dma_start3A_52 = tpu.memref_squeeze %dma_start3A_51 : memref<1x2560x16xf32, #tpu.memory_space<hbm>> -> memref<2560x16xf32, #tpu.memory_space<hbm>>
      %dma_start3A_53 = arith.constant 0 : i32
      %dma_start3A_54 = tpu.memref_slice %dma_start3A_52[%mul3A_44, %dma_start3A_53] : memref<2560x16xf32, #tpu.memory_space<hbm>> -> memref<160x16xf32, #tpu.memory_space<hbm>>
      %dma_start3A_55 = arith.constant 0 : i32
      %dma_start3A_56 = tpu.memref_slice %arg19[%mul3A_42, %dma_start3A_55] : memref<2560x16xf32, #tpu.memory_space<vmem_shared>> -> memref<160x16xf32, #tpu.memory_space<vmem_shared>>
      tpu.enqueue_dma source(%dma_start3A_56 : memref<160x16xf32, #tpu.memory_space<vmem_shared>>) target(%dma_start3A_54 : memref<160x16xf32, #tpu.memory_space<hbm>>) target_semaphore(%run_scoped3A : memref<!tpu.dma_semaphore, #tpu.memory_space<semaphore_mem>>)
      %dma_wait3A_57 = arith.constant 0 : i32
      %dma_wait3A_58 = arith.constant 0 : i32
      %dma_wait3A_59 = tpu.memref_slice %arg10[%arg0, %dma_wait3A_57, %dma_wait3A_58] : memref<2x2560x16xf32, #tpu.memory_space<hbm>> -> memref<1x2560x16xf32, #tpu.memory_space<hbm>>
      %dma_wait3A_60 = tpu.memref_squeeze %dma_wait3A_59 : memref<1x2560x16xf32, #tpu.memory_space<hbm>> -> memref<2560x16xf32, #tpu.memory_space<hbm>>
      %dma_wait3A_61 = arith.constant 0 : i32
      %dma_wait3A_62 = tpu.memref_slice %dma_wait3A_60[%mul3A_44, %dma_wait3A_61] : memref<2560x16xf32, #tpu.memory_space<hbm>> -> memref<160x16xf32, #tpu.memory_space<hbm>>
      %dma_wait3A_63 = arith.constant 0 : i32
      %dma_wait3A_64 = tpu.memref_slice %arg19[%mul3A_42, %dma_wait3A_63] : memref<2560x16xf32, #tpu.memory_space<vmem_shared>> -> memref<160x16xf32, #tpu.memory_space<vmem_shared>>
      tpu.wait_dma2 semaphore(%run_scoped3A : memref<!tpu.dma_semaphore, #tpu.memory_space<semaphore_mem>>) src(%dma_wait3A_64 : memref<160x16xf32, #tpu.memory_space<vmem_shared>>) dst(%dma_wait3A_62 : memref<160x16xf32, #tpu.memory_space<hbm>>)
      tpu.yield
    }) : () -> ()
    %mul3A_45 = arith.constant 160 : i32
    %mul3A_46 = arith.muli %arg1, %mul3A_45 : i32
    %mul3A_47 = arith.constant 160 : i32
    %mul3A_48 = arith.muli %arg1, %mul3A_47 : i32
    "tpu.region"() ({
      %run_scoped3A = tpu.sem_alloc : memref<!tpu.dma_semaphore, #tpu.memory_space<semaphore_mem>>
      %dma_start3A_49 = arith.constant 0 : i32
      %dma_start3A_50 = arith.constant 0 : i32
      %dma_start3A_51 = tpu.memref_slice %arg11[%arg0, %dma_start3A_49, %dma_start3A_50] : memref<2x2560x16xf32, #tpu.memory_space<hbm>> -> memref<1x2560x16xf32, #tpu.memory_space<hbm>>
      %dma_start3A_52 = tpu.memref_squeeze %dma_start3A_51 : memref<1x2560x16xf32, #tpu.memory_space<hbm>> -> memref<2560x16xf32, #tpu.memory_space<hbm>>
      %dma_start3A_53 = arith.constant 0 : i32
      %dma_start3A_54 = tpu.memref_slice %dma_start3A_52[%mul3A_48, %dma_start3A_53] : memref<2560x16xf32, #tpu.memory_space<hbm>> -> memref<160x16xf32, #tpu.memory_space<hbm>>
      %dma_start3A_55 = arith.constant 0 : i32
      %dma_start3A_56 = tpu.memref_slice %arg20[%mul3A_46, %dma_start3A_55] : memref<2560x16xf32, #tpu.memory_space<vmem_shared>> -> memref<160x16xf32, #tpu.memory_space<vmem_shared>>
      tpu.enqueue_dma source(%dma_start3A_56 : memref<160x16xf32, #tpu.memory_space<vmem_shared>>) target(%dma_start3A_54 : memref<160x16xf32, #tpu.memory_space<hbm>>) target_semaphore(%run_scoped3A : memref<!tpu.dma_semaphore, #tpu.memory_space<semaphore_mem>>)
      %dma_wait3A_57 = arith.constant 0 : i32
      %dma_wait3A_58 = arith.constant 0 : i32
      %dma_wait3A_59 = tpu.memref_slice %arg11[%arg0, %dma_wait3A_57, %dma_wait3A_58] : memref<2x2560x16xf32, #tpu.memory_space<hbm>> -> memref<1x2560x16xf32, #tpu.memory_space<hbm>>
      %dma_wait3A_60 = tpu.memref_squeeze %dma_wait3A_59 : memref<1x2560x16xf32, #tpu.memory_space<hbm>> -> memref<2560x16xf32, #tpu.memory_space<hbm>>
      %dma_wait3A_61 = arith.constant 0 : i32
      %dma_wait3A_62 = tpu.memref_slice %dma_wait3A_60[%mul3A_48, %dma_wait3A_61] : memref<2560x16xf32, #tpu.memory_space<hbm>> -> memref<160x16xf32, #tpu.memory_space<hbm>>
      %dma_wait3A_63 = arith.constant 0 : i32
      %dma_wait3A_64 = tpu.memref_slice %arg20[%mul3A_46, %dma_wait3A_63] : memref<2560x16xf32, #tpu.memory_space<vmem_shared>> -> memref<160x16xf32, #tpu.memory_space<vmem_shared>>
      tpu.wait_dma2 semaphore(%run_scoped3A : memref<!tpu.dma_semaphore, #tpu.memory_space<semaphore_mem>>) src(%dma_wait3A_64 : memref<160x16xf32, #tpu.memory_space<vmem_shared>>) dst(%dma_wait3A_62 : memref<160x16xf32, #tpu.memory_space<hbm>>)
      tpu.yield
    }) : () -> ()
    return
  }
}

module attributes {stable_mosaic.version = 14 : i64} {
  func.func @_h0_body(%arg0: i32, %arg1: memref<400x128xf32, #tpu.memory_space<vmem>>, %arg2: memref<2x400x128xbf16, #tpu.memory_space<vmem>>, %arg3: memref<2x400x8xf32, #tpu.memory_space<vmem>>, %arg4: memref<128x128xf32, #tpu.memory_space<vmem>>, %arg5: memref<128x128xf32, #tpu.memory_space<vmem>>, %arg6: memref<400x128xf32, #tpu.memory_space<vmem>>) attributes {dimension_semantics = [#tpu.dimension_semantics<arbitrary>], iteration_bounds = array<i64: 25>, scalar_prefetch = 0 : i64, scratch_operands = 0 : i64, tpu.core_type = #tpu.core_type<tc>, window_params = [{transform_indices = @transform_0, window_bounds = array<i64: 400, 128>}, {transform_indices = @transform_1, window_bounds = array<i64: 2, 400, 128>}, {transform_indices = @transform_2, window_bounds = array<i64: 2, 400, 8>}, {pipeline_mode = #tpu.pipeline_mode<synchronous>, transform_indices = @transform_3, window_bounds = array<i64: 128, 128>}, {pipeline_mode = #tpu.pipeline_mode<synchronous>, transform_indices = @transform_4, window_bounds = array<i64: 128, 128>}, {transform_indices = @transform_5, window_bounds = array<i64: 400, 128>}]} {
    %get3A = arith.constant 0 : index
    %get3A_0 = arith.constant 0 : index
    %get3A_1 = arith.constant 0 : index
    %get3A_2 = vector.load %arg3[%get3A, %get3A_0, %get3A_1] : memref<2x400x8xf32, #tpu.memory_space<vmem>>, vector<1x400x8xf32>
    %get3A_3 = vector.shape_cast %get3A_2 : vector<1x400x8xf32> to vector<400x8xf32>
    %get3A_4 = arith.constant 1 : index
    %get3A_5 = arith.constant 0 : index
    %get3A_6 = arith.constant 0 : index
    %get3A_7 = vector.load %arg3[%get3A_4, %get3A_5, %get3A_6] : memref<2x400x8xf32, #tpu.memory_space<vmem>>, vector<1x400x8xf32>
    %get3A_8 = vector.shape_cast %get3A_7 : vector<1x400x8xf32> to vector<400x8xf32>
    %add3A = arith.addf %get3A_3, %get3A_8 : vector<400x8xf32>
    %get3A_9 = arith.constant 0 : index
    %get3A_10 = arith.constant 0 : index
    %get3A_11 = arith.constant 0 : index
    %get3A_12 = vector.load %arg2[%get3A_9, %get3A_10, %get3A_11] : memref<2x400x128xbf16, #tpu.memory_space<vmem>>, vector<1x400x128xbf16>
    %get3A_13 = vector.shape_cast %get3A_12 : vector<1x400x128xbf16> to vector<400x128xbf16>
    %convert_element_type3A = arith.extf %get3A_13 : vector<400x128xbf16> to vector<400x128xf32>
    %get3A_14 = arith.constant 1 : index
    %get3A_15 = arith.constant 0 : index
    %get3A_16 = arith.constant 0 : index
    %get3A_17 = vector.load %arg2[%get3A_14, %get3A_15, %get3A_16] : memref<2x400x128xbf16, #tpu.memory_space<vmem>>, vector<1x400x128xbf16>
    %get3A_18 = vector.shape_cast %get3A_17 : vector<1x400x128xbf16> to vector<400x128xbf16>
    %convert_element_type3A_19 = arith.extf %get3A_18 : vector<400x128xbf16> to vector<400x128xf32>
    %add3A_20 = arith.addf %convert_element_type3A, %convert_element_type3A_19 : vector<400x128xf32>
    %slice3A = vector.extract_strided_slice %add3A {offsets = [0, 0], sizes = [400, 1], strides = [1, 1]} : vector<400x8xf32> to vector<400x1xf32>
    %max3A = arith.constant 1.000000e+00 : f32
    %max3A_21 = vector.broadcast %max3A : f32 to vector<400x1xf32>
    %max3A_22 = arith.maximumf %slice3A, %max3A_21 : vector<400x1xf32>
    %div3A = arith.constant 1.000000e+00 : f32
    %div3A_23 = vector.broadcast %div3A : f32 to vector<400x1xf32>
    %div3A_24 = arith.divf %div3A_23, %max3A_22 : vector<400x1xf32>
    %mul3A = vector.broadcast %div3A_24 : vector<400x1xf32> to vector<400x128xf32>
    %mul3A_25 = arith.mulf %add3A_20, %mul3A : vector<400x128xf32>
    %get3A_26 = arith.constant 0 : index
    %get3A_27 = arith.constant 0 : index
    %get3A_28 = vector.load %arg1[%get3A_26, %get3A_27] : memref<400x128xf32, #tpu.memory_space<vmem>>, vector<400x128xf32>
    %get3A_29 = arith.constant 0 : index
    %get3A_30 = arith.constant 0 : index
    %get3A_31 = vector.load %arg4[%get3A_29, %get3A_30] : memref<128x128xf32, #tpu.memory_space<vmem>>, vector<128x128xf32>
    %dot_general3A = arith.constant dense<0.000000e+00> : vector<400x128xf32>
    %dot_general3A_32 = tpu.matmul %get3A_28, %get3A_31, %dot_general3A {dimension_numbers = #tpu.dot_dimension_numbers<[1], [0], [0], [1], [0, 0, 1, 1], [], []>, transpose_lhs_hint = false} : vector<400x128xf32>, vector<128x128xf32>, vector<400x128xf32> -> vector<400x128xf32>
    %get3A_33 = arith.constant 0 : index
    %get3A_34 = arith.constant 0 : index
    %get3A_35 = vector.load %arg5[%get3A_33, %get3A_34] : memref<128x128xf32, #tpu.memory_space<vmem>>, vector<128x128xf32>
    %dot_general3A_36 = arith.constant dense<0.000000e+00> : vector<400x128xf32>
    %dot_general3A_37 = tpu.matmul %mul3A_25, %get3A_35, %dot_general3A_36 {dimension_numbers = #tpu.dot_dimension_numbers<[1], [0], [0], [1], [0, 0, 1, 1], [], []>, transpose_lhs_hint = false} : vector<400x128xf32>, vector<128x128xf32>, vector<400x128xf32> -> vector<400x128xf32>
    %add3A_38 = arith.addf %dot_general3A_32, %dot_general3A_37 : vector<400x128xf32>
    %max3A_39 = arith.constant 0.000000e+00 : f32
    %max3A_40 = vector.broadcast %max3A_39 : f32 to vector<400x128xf32>
    %max3A_41 = arith.maximumf %add3A_38, %max3A_40 : vector<400x128xf32>
    %swap3A = arith.constant 0 : index
    %swap3A_42 = arith.constant 0 : index
    %swap3A_43 = vector.load %arg6[%swap3A, %swap3A_42] : memref<400x128xf32, #tpu.memory_space<vmem>>, vector<400x128xf32>
    tpu.vector_store %arg6[%swap3A, %swap3A_42], %max3A_41 {strides = array<i32>} : memref<400x128xf32, #tpu.memory_space<vmem>>, vector<400x128xf32>,
    return
  }
  func.func @transform_0(%arg0: i32) -> (i32, i32) {
    %c0_i32 = arith.constant 0 : i32
    %c0_i32_0 = arith.constant 0 : i32
    return %arg0, %c0_i32 : i32, i32
  }
  func.func @transform_1(%arg0: i32) -> (i32, i32, i32) {
    %c0_i32 = arith.constant 0 : i32
    %c0_i32_0 = arith.constant 0 : i32
    %c0_i32_1 = arith.constant 0 : i32
    return %c0_i32, %arg0, %c0_i32_0 : i32, i32, i32
  }
  func.func @transform_2(%arg0: i32) -> (i32, i32, i32) {
    %c0_i32 = arith.constant 0 : i32
    %c0_i32_0 = arith.constant 0 : i32
    %c0_i32_1 = arith.constant 0 : i32
    return %c0_i32, %arg0, %c0_i32_0 : i32, i32, i32
  }
  func.func @transform_3(%arg0: i32) -> (i32, i32) {
    %c0_i32 = arith.constant 0 : i32
    %c0_i32_0 = arith.constant 0 : i32
    %c0_i32_1 = arith.constant 0 : i32
    return %c0_i32, %c0_i32_0 : i32, i32
  }
  func.func @transform_4(%arg0: i32) -> (i32, i32) {
    %c0_i32 = arith.constant 0 : i32
    %c0_i32_0 = arith.constant 0 : i32
    %c0_i32_1 = arith.constant 0 : i32
    return %c0_i32, %c0_i32_0 : i32, i32
  }
  func.func @transform_5(%arg0: i32) -> (i32, i32) {
    %c0_i32 = arith.constant 0 : i32
    %c0_i32_0 = arith.constant 0 : i32
    return %arg0, %c0_i32 : i32, i32
  }
}

module attributes {stable_mosaic.version = 14 : i64} {
  func.func @_h0_body(%arg0: i32, %arg1: memref<256x128xf32, #tpu.memory_space<vmem>>, %arg2: memref<2x256x128xbf16, #tpu.memory_space<vmem>>, %arg3: memref<2x256x16xf32, #tpu.memory_space<vmem>>, %arg4: memref<128x128xf32, #tpu.memory_space<vmem>>, %arg5: memref<128x128xf32, #tpu.memory_space<vmem>>, %arg6: memref<256x128xf32, #tpu.memory_space<vmem>>) attributes {dimension_semantics = [#tpu.dimension_semantics<arbitrary>], iteration_bounds = array<i64: 10>, scalar_prefetch = 0 : i64, scratch_operands = 0 : i64, tpu.core_type = #tpu.core_type<tc>, window_params = [{transform_indices = @transform_0, window_bounds = array<i64: 256, 128>}, {transform_indices = @transform_1, window_bounds = array<i64: 2, 256, 128>}, {transform_indices = @transform_2, window_bounds = array<i64: 2, 256, 16>}, {pipeline_mode = #tpu.pipeline_mode<synchronous>, transform_indices = @transform_3, window_bounds = array<i64: 128, 128>}, {pipeline_mode = #tpu.pipeline_mode<synchronous>, transform_indices = @transform_4, window_bounds = array<i64: 128, 128>}, {transform_indices = @transform_5, window_bounds = array<i64: 256, 128>}]} {
    %get3A = arith.constant 0 : index
    %get3A_0 = arith.constant 0 : index
    %get3A_1 = arith.constant 0 : index
    %get3A_2 = vector.load %arg3[%get3A, %get3A_0, %get3A_1] : memref<2x256x16xf32, #tpu.memory_space<vmem>>, vector<1x256x16xf32>
    %get3A_3 = vector.shape_cast %get3A_2 : vector<1x256x16xf32> to vector<256x16xf32>
    %get3A_4 = arith.constant 1 : index
    %get3A_5 = arith.constant 0 : index
    %get3A_6 = arith.constant 0 : index
    %get3A_7 = vector.load %arg3[%get3A_4, %get3A_5, %get3A_6] : memref<2x256x16xf32, #tpu.memory_space<vmem>>, vector<1x256x16xf32>
    %get3A_8 = vector.shape_cast %get3A_7 : vector<1x256x16xf32> to vector<256x16xf32>
    %add3A = arith.addf %get3A_3, %get3A_8 : vector<256x16xf32>
    %get3A_9 = arith.constant 0 : index
    %get3A_10 = arith.constant 0 : index
    %get3A_11 = arith.constant 0 : index
    %get3A_12 = vector.load %arg2[%get3A_9, %get3A_10, %get3A_11] : memref<2x256x128xbf16, #tpu.memory_space<vmem>>, vector<1x256x128xbf16>
    %get3A_13 = vector.shape_cast %get3A_12 : vector<1x256x128xbf16> to vector<256x128xbf16>
    %convert_element_type3A = arith.extf %get3A_13 : vector<256x128xbf16> to vector<256x128xf32>
    %get3A_14 = arith.constant 1 : index
    %get3A_15 = arith.constant 0 : index
    %get3A_16 = arith.constant 0 : index
    %get3A_17 = vector.load %arg2[%get3A_14, %get3A_15, %get3A_16] : memref<2x256x128xbf16, #tpu.memory_space<vmem>>, vector<1x256x128xbf16>
    %get3A_18 = vector.shape_cast %get3A_17 : vector<1x256x128xbf16> to vector<256x128xbf16>
    %convert_element_type3A_19 = arith.extf %get3A_18 : vector<256x128xbf16> to vector<256x128xf32>
    %add3A_20 = arith.addf %convert_element_type3A, %convert_element_type3A_19 : vector<256x128xf32>
    %slice3A = vector.extract_strided_slice %add3A {offsets = [0, 0], sizes = [256, 1], strides = [1, 1]} : vector<256x16xf32> to vector<256x1xf32>
    %max3A = arith.constant 1.000000e+00 : f32
    %max3A_21 = vector.broadcast %max3A : f32 to vector<256x1xf32>
    %max3A_22 = arith.maximumf %slice3A, %max3A_21 : vector<256x1xf32>
    %div3A = arith.constant 1.000000e+00 : f32
    %div3A_23 = vector.broadcast %div3A : f32 to vector<256x1xf32>
    %div3A_24 = arith.divf %div3A_23, %max3A_22 : vector<256x1xf32>
    %mul3A = vector.broadcast %div3A_24 : vector<256x1xf32> to vector<256x128xf32>
    %mul3A_25 = arith.mulf %add3A_20, %mul3A : vector<256x128xf32>
    %get3A_26 = arith.constant 0 : index
    %get3A_27 = arith.constant 0 : index
    %get3A_28 = vector.load %arg1[%get3A_26, %get3A_27] : memref<256x128xf32, #tpu.memory_space<vmem>>, vector<256x128xf32>
    %get3A_29 = arith.constant 0 : index
    %get3A_30 = arith.constant 0 : index
    %get3A_31 = vector.load %arg4[%get3A_29, %get3A_30] : memref<128x128xf32, #tpu.memory_space<vmem>>, vector<128x128xf32>
    %dot_general3A = arith.constant dense<0.000000e+00> : vector<256x128xf32>
    %dot_general3A_32 = tpu.matmul %get3A_28, %get3A_31, %dot_general3A {dimension_numbers = #tpu.dot_dimension_numbers<[1], [0], [0], [1], [0, 0, 1, 1], [], []>, transpose_lhs_hint = false} : vector<256x128xf32>, vector<128x128xf32>, vector<256x128xf32> -> vector<256x128xf32>
    %get3A_33 = arith.constant 0 : index
    %get3A_34 = arith.constant 0 : index
    %get3A_35 = vector.load %arg5[%get3A_33, %get3A_34] : memref<128x128xf32, #tpu.memory_space<vmem>>, vector<128x128xf32>
    %dot_general3A_36 = arith.constant dense<0.000000e+00> : vector<256x128xf32>
    %dot_general3A_37 = tpu.matmul %mul3A_25, %get3A_35, %dot_general3A_36 {dimension_numbers = #tpu.dot_dimension_numbers<[1], [0], [0], [1], [0, 0, 1, 1], [], []>, transpose_lhs_hint = false} : vector<256x128xf32>, vector<128x128xf32>, vector<256x128xf32> -> vector<256x128xf32>
    %add3A_38 = arith.addf %dot_general3A_32, %dot_general3A_37 : vector<256x128xf32>
    %max3A_39 = arith.constant 0.000000e+00 : f32
    %max3A_40 = vector.broadcast %max3A_39 : f32 to vector<256x128xf32>
    %max3A_41 = arith.maximumf %add3A_38, %max3A_40 : vector<256x128xf32>
    %swap3A = arith.constant 0 : index
    %swap3A_42 = arith.constant 0 : index
    %swap3A_43 = vector.load %arg6[%swap3A, %swap3A_42] : memref<256x128xf32, #tpu.memory_space<vmem>>, vector<256x128xf32>
    tpu.vector_store %arg6[%swap3A, %swap3A_42], %max3A_41 {strides = array<i32>} : memref<256x128xf32, #tpu.memory_space<vmem>>, vector<256x128xf32>,
    return
  }
  func.func @transform_0(%arg0: i32) -> (i32, i32) {
    %c0_i32 = arith.constant 0 : i32
    %c0_i32_0 = arith.constant 0 : i32
    return %arg0, %c0_i32 : i32, i32
  }
  func.func @transform_1(%arg0: i32) -> (i32, i32, i32) {
    %c0_i32 = arith.constant 0 : i32
    %c0_i32_0 = arith.constant 0 : i32
    %c0_i32_1 = arith.constant 0 : i32
    return %c0_i32, %arg0, %c0_i32_0 : i32, i32, i32
  }
  func.func @transform_2(%arg0: i32) -> (i32, i32, i32) {
    %c0_i32 = arith.constant 0 : i32
    %c0_i32_0 = arith.constant 0 : i32
    %c0_i32_1 = arith.constant 0 : i32
    return %c0_i32, %arg0, %c0_i32_0 : i32, i32, i32
  }
  func.func @transform_3(%arg0: i32) -> (i32, i32) {
    %c0_i32 = arith.constant 0 : i32
    %c0_i32_0 = arith.constant 0 : i32
    %c0_i32_1 = arith.constant 0 : i32
    return %c0_i32, %c0_i32_0 : i32, i32
  }
  func.func @transform_4(%arg0: i32) -> (i32, i32) {
    %c0_i32 = arith.constant 0 : i32
    %c0_i32_0 = arith.constant 0 : i32
    %c0_i32_1 = arith.constant 0 : i32
    return %c0_i32, %c0_i32_0 : i32, i32
  }
  func.func @transform_5(%arg0: i32) -> (i32, i32) {
    %c0_i32 = arith.constant 0 : i32
    %c0_i32_0 = arith.constant 0 : i32
    return %arg0, %c0_i32 : i32, i32
  }
}

module attributes {stable_mosaic.version = 14 : i64} {
  func.func @_comb0_body(%arg0: i32, %arg1: memref<400x128xf32, #tpu.memory_space<vmem>>, %arg2: memref<400x128xf32, #tpu.memory_space<vmem>>, %arg3: memref<400x128xf32, #tpu.memory_space<vmem>>, %arg4: memref<128x128xf32, #tpu.memory_space<vmem>>, %arg5: memref<128x128xf32, #tpu.memory_space<vmem>>, %arg6: memref<400x128xf32, #tpu.memory_space<vmem>>) attributes {dimension_semantics = [#tpu.dimension_semantics<arbitrary>], iteration_bounds = array<i64: 25>, scalar_prefetch = 0 : i64, scratch_operands = 0 : i64, tpu.core_type = #tpu.core_type<tc>, window_params = [{transform_indices = @transform_0, window_bounds = array<i64: 400, 128>}, {transform_indices = @transform_1, window_bounds = array<i64: 400, 128>}, {transform_indices = @transform_2, window_bounds = array<i64: 400, 128>}, {pipeline_mode = #tpu.pipeline_mode<synchronous>, transform_indices = @transform_3, window_bounds = array<i64: 128, 128>}, {pipeline_mode = #tpu.pipeline_mode<synchronous>, transform_indices = @transform_4, window_bounds = array<i64: 128, 128>}, {transform_indices = @transform_5, window_bounds = array<i64: 400, 128>}]} {
    %get3A = arith.constant 0 : index
    %get3A_0 = arith.constant 0 : index
    %get3A_1 = vector.load %arg2[%get3A, %get3A_0] : memref<400x128xf32, #tpu.memory_space<vmem>>, vector<400x128xf32>
    %get3A_2 = arith.constant 0 : index
    %get3A_3 = arith.constant 0 : index
    %get3A_4 = vector.load %arg4[%get3A_2, %get3A_3] : memref<128x128xf32, #tpu.memory_space<vmem>>, vector<128x128xf32>
    %dot_general3A = arith.constant dense<0.000000e+00> : vector<400x128xf32>
    %dot_general3A_5 = tpu.matmul %get3A_1, %get3A_4, %dot_general3A {dimension_numbers = #tpu.dot_dimension_numbers<[1], [0], [0], [1], [0, 0, 1, 1], [], []>, transpose_lhs_hint = false} : vector<400x128xf32>, vector<128x128xf32>, vector<400x128xf32> -> vector<400x128xf32>
    %get3A_6 = arith.constant 0 : index
    %get3A_7 = arith.constant 0 : index
    %get3A_8 = vector.load %arg3[%get3A_6, %get3A_7] : memref<400x128xf32, #tpu.memory_space<vmem>>, vector<400x128xf32>
    %get3A_9 = arith.constant 0 : index
    %get3A_10 = arith.constant 0 : index
    %get3A_11 = vector.load %arg5[%get3A_9, %get3A_10] : memref<128x128xf32, #tpu.memory_space<vmem>>, vector<128x128xf32>
    %dot_general3A_12 = arith.constant dense<0.000000e+00> : vector<400x128xf32>
    %dot_general3A_13 = tpu.matmul %get3A_8, %get3A_11, %dot_general3A_12 {dimension_numbers = #tpu.dot_dimension_numbers<[1], [0], [0], [1], [0, 0, 1, 1], [], []>, transpose_lhs_hint = false} : vector<400x128xf32>, vector<128x128xf32>, vector<400x128xf32> -> vector<400x128xf32>
    %add3A = arith.addf %dot_general3A_5, %dot_general3A_13 : vector<400x128xf32>
    %max3A = arith.constant 0.000000e+00 : f32
    %max3A_14 = vector.broadcast %max3A : f32 to vector<400x128xf32>
    %max3A_15 = arith.maximumf %add3A, %max3A_14 : vector<400x128xf32>
    %get3A_16 = arith.constant 0 : index
    %get3A_17 = arith.constant 0 : index
    %get3A_18 = vector.load %arg1[%get3A_16, %get3A_17] : memref<400x128xf32, #tpu.memory_space<vmem>>, vector<400x128xf32>
    %mul3A = arith.constant 5.000000e-01 : f32
    %mul3A_19 = vector.broadcast %mul3A : f32 to vector<400x128xf32>
    %mul3A_20 = arith.mulf %mul3A_19, %get3A_1 : vector<400x128xf32>
    %add3A_21 = arith.addf %get3A_18, %mul3A_20 : vector<400x128xf32>
    %mul3A_22 = arith.constant 5.000000e-01 : f32
    %mul3A_23 = vector.broadcast %mul3A_22 : f32 to vector<400x128xf32>
    %mul3A_24 = arith.mulf %mul3A_23, %max3A_15 : vector<400x128xf32>
    %add3A_25 = arith.addf %add3A_21, %mul3A_24 : vector<400x128xf32>
    %swap3A = arith.constant 0 : index
    %swap3A_26 = arith.constant 0 : index
    %swap3A_27 = vector.load %arg6[%swap3A, %swap3A_26] : memref<400x128xf32, #tpu.memory_space<vmem>>, vector<400x128xf32>
    tpu.vector_store %arg6[%swap3A, %swap3A_26], %add3A_25 {strides = array<i32>} : memref<400x128xf32, #tpu.memory_space<vmem>>, vector<400x128xf32>,
    return
  }
  func.func @transform_0(%arg0: i32) -> (i32, i32) {
    %c0_i32 = arith.constant 0 : i32
    %c0_i32_0 = arith.constant 0 : i32
    return %arg0, %c0_i32 : i32, i32
  }
  func.func @transform_1(%arg0: i32) -> (i32, i32) {
    %c0_i32 = arith.constant 0 : i32
    %c0_i32_0 = arith.constant 0 : i32
    return %arg0, %c0_i32 : i32, i32
  }
  func.func @transform_2(%arg0: i32) -> (i32, i32) {
    %c0_i32 = arith.constant 0 : i32
    %c0_i32_0 = arith.constant 0 : i32
    return %arg0, %c0_i32 : i32, i32
  }
  func.func @transform_3(%arg0: i32) -> (i32, i32) {
    %c0_i32 = arith.constant 0 : i32
    %c0_i32_0 = arith.constant 0 : i32
    %c0_i32_1 = arith.constant 0 : i32
    return %c0_i32, %c0_i32_0 : i32, i32
  }
  func.func @transform_4(%arg0: i32) -> (i32, i32) {
    %c0_i32 = arith.constant 0 : i32
    %c0_i32_0 = arith.constant 0 : i32
    %c0_i32_1 = arith.constant 0 : i32
    return %c0_i32, %c0_i32_0 : i32, i32
  }
  func.func @transform_5(%arg0: i32) -> (i32, i32) {
    %c0_i32 = arith.constant 0 : i32
    %c0_i32_0 = arith.constant 0 : i32
    return %arg0, %c0_i32 : i32, i32
  }
}

module attributes {stable_mosaic.version = 14 : i64} {
  func.func @_comb1_body(%arg0: i32, %arg1: memref<256x128xf32, #tpu.memory_space<vmem>>, %arg2: memref<256x128xf32, #tpu.memory_space<vmem>>, %arg3: memref<2x256x128xf32, #tpu.memory_space<vmem>>, %arg4: memref<2x256x16xf32, #tpu.memory_space<vmem>>, %arg5: memref<128x128xf32, #tpu.memory_space<vmem>>, %arg6: memref<128x128xf32, #tpu.memory_space<vmem>>, %arg7: memref<256x128xf32, #tpu.memory_space<vmem>>) attributes {dimension_semantics = [#tpu.dimension_semantics<arbitrary>], iteration_bounds = array<i64: 10>, scalar_prefetch = 0 : i64, scratch_operands = 0 : i64, tpu.core_type = #tpu.core_type<tc>, window_params = [{transform_indices = @transform_0, window_bounds = array<i64: 256, 128>}, {transform_indices = @transform_1, window_bounds = array<i64: 256, 128>}, {transform_indices = @transform_2, window_bounds = array<i64: 2, 256, 128>}, {transform_indices = @transform_3, window_bounds = array<i64: 2, 256, 16>}, {pipeline_mode = #tpu.pipeline_mode<synchronous>, transform_indices = @transform_4, window_bounds = array<i64: 128, 128>}, {pipeline_mode = #tpu.pipeline_mode<synchronous>, transform_indices = @transform_5, window_bounds = array<i64: 128, 128>}, {transform_indices = @transform_6, window_bounds = array<i64: 256, 128>}]} {
    %get3A = arith.constant 0 : index
    %get3A_0 = arith.constant 0 : index
    %get3A_1 = arith.constant 0 : index
    %get3A_2 = vector.load %arg4[%get3A, %get3A_0, %get3A_1] : memref<2x256x16xf32, #tpu.memory_space<vmem>>, vector<1x256x16xf32>
    %get3A_3 = vector.shape_cast %get3A_2 : vector<1x256x16xf32> to vector<256x16xf32>
    %get3A_4 = arith.constant 1 : index
    %get3A_5 = arith.constant 0 : index
    %get3A_6 = arith.constant 0 : index
    %get3A_7 = vector.load %arg4[%get3A_4, %get3A_5, %get3A_6] : memref<2x256x16xf32, #tpu.memory_space<vmem>>, vector<1x256x16xf32>
    %get3A_8 = vector.shape_cast %get3A_7 : vector<1x256x16xf32> to vector<256x16xf32>
    %add3A = arith.addf %get3A_3, %get3A_8 : vector<256x16xf32>
    %get3A_9 = arith.constant 0 : index
    %get3A_10 = arith.constant 0 : index
    %get3A_11 = arith.constant 0 : index
    %get3A_12 = vector.load %arg3[%get3A_9, %get3A_10, %get3A_11] : memref<2x256x128xf32, #tpu.memory_space<vmem>>, vector<1x256x128xf32>
    %get3A_13 = vector.shape_cast %get3A_12 : vector<1x256x128xf32> to vector<256x128xf32>
    %get3A_14 = arith.constant 1 : index
    %get3A_15 = arith.constant 0 : index
    %get3A_16 = arith.constant 0 : index
    %get3A_17 = vector.load %arg3[%get3A_14, %get3A_15, %get3A_16] : memref<2x256x128xf32, #tpu.memory_space<vmem>>, vector<1x256x128xf32>
    %get3A_18 = vector.shape_cast %get3A_17 : vector<1x256x128xf32> to vector<256x128xf32>
    %add3A_19 = arith.addf %get3A_13, %get3A_18 : vector<256x128xf32>
    %slice3A = vector.extract_strided_slice %add3A {offsets = [0, 0], sizes = [256, 1], strides = [1, 1]} : vector<256x16xf32> to vector<256x1xf32>
    %max3A = arith.constant 1.000000e+00 : f32
    %max3A_20 = vector.broadcast %max3A : f32 to vector<256x1xf32>
    %max3A_21 = arith.maximumf %slice3A, %max3A_20 : vector<256x1xf32>
    %div3A = arith.constant 1.000000e+00 : f32
    %div3A_22 = vector.broadcast %div3A : f32 to vector<256x1xf32>
    %div3A_23 = arith.divf %div3A_22, %max3A_21 : vector<256x1xf32>
    %mul3A = vector.broadcast %div3A_23 : vector<256x1xf32> to vector<256x128xf32>
    %mul3A_24 = arith.mulf %add3A_19, %mul3A : vector<256x128xf32>
    %get3A_25 = arith.constant 0 : index
    %get3A_26 = arith.constant 0 : index
    %get3A_27 = vector.load %arg2[%get3A_25, %get3A_26] : memref<256x128xf32, #tpu.memory_space<vmem>>, vector<256x128xf32>
    %get3A_28 = arith.constant 0 : index
    %get3A_29 = arith.constant 0 : index
    %get3A_30 = vector.load %arg5[%get3A_28, %get3A_29] : memref<128x128xf32, #tpu.memory_space<vmem>>, vector<128x128xf32>
    %dot_general3A = arith.constant dense<0.000000e+00> : vector<256x128xf32>
    %dot_general3A_31 = tpu.matmul %get3A_27, %get3A_30, %dot_general3A {dimension_numbers = #tpu.dot_dimension_numbers<[1], [0], [0], [1], [0, 0, 1, 1], [], []>, transpose_lhs_hint = false} : vector<256x128xf32>, vector<128x128xf32>, vector<256x128xf32> -> vector<256x128xf32>
    %get3A_32 = arith.constant 0 : index
    %get3A_33 = arith.constant 0 : index
    %get3A_34 = vector.load %arg6[%get3A_32, %get3A_33] : memref<128x128xf32, #tpu.memory_space<vmem>>, vector<128x128xf32>
    %dot_general3A_35 = arith.constant dense<0.000000e+00> : vector<256x128xf32>
    %dot_general3A_36 = tpu.matmul %mul3A_24, %get3A_34, %dot_general3A_35 {dimension_numbers = #tpu.dot_dimension_numbers<[1], [0], [0], [1], [0, 0, 1, 1], [], []>, transpose_lhs_hint = false} : vector<256x128xf32>, vector<128x128xf32>, vector<256x128xf32> -> vector<256x128xf32>
    %add3A_37 = arith.addf %dot_general3A_31, %dot_general3A_36 : vector<256x128xf32>
    %max3A_38 = arith.constant 0.000000e+00 : f32
    %max3A_39 = vector.broadcast %max3A_38 : f32 to vector<256x128xf32>
    %max3A_40 = arith.maximumf %add3A_37, %max3A_39 : vector<256x128xf32>
    %get3A_41 = arith.constant 0 : index
    %get3A_42 = arith.constant 0 : index
    %get3A_43 = vector.load %arg1[%get3A_41, %get3A_42] : memref<256x128xf32, #tpu.memory_space<vmem>>, vector<256x128xf32>
    %mul3A_44 = arith.constant 5.000000e-01 : f32
    %mul3A_45 = vector.broadcast %mul3A_44 : f32 to vector<256x128xf32>
    %mul3A_46 = arith.mulf %mul3A_45, %get3A_27 : vector<256x128xf32>
    %add3A_47 = arith.addf %get3A_43, %mul3A_46 : vector<256x128xf32>
    %mul3A_48 = arith.constant 5.000000e-01 : f32
    %mul3A_49 = vector.broadcast %mul3A_48 : f32 to vector<256x128xf32>
    %mul3A_50 = arith.mulf %mul3A_49, %max3A_40 : vector<256x128xf32>
    %add3A_51 = arith.addf %add3A_47, %mul3A_50 : vector<256x128xf32>
    %swap3A = arith.constant 0 : index
    %swap3A_52 = arith.constant 0 : index
    %swap3A_53 = vector.load %arg7[%swap3A, %swap3A_52] : memref<256x128xf32, #tpu.memory_space<vmem>>, vector<256x128xf32>
    tpu.vector_store %arg7[%swap3A, %swap3A_52], %add3A_51 {strides = array<i32>} : memref<256x128xf32, #tpu.memory_space<vmem>>, vector<256x128xf32>,
    return
  }
  func.func @transform_0(%arg0: i32) -> (i32, i32) {
    %c0_i32 = arith.constant 0 : i32
    %c0_i32_0 = arith.constant 0 : i32
    return %arg0, %c0_i32 : i32, i32
  }
  func.func @transform_1(%arg0: i32) -> (i32, i32) {
    %c0_i32 = arith.constant 0 : i32
    %c0_i32_0 = arith.constant 0 : i32
    return %arg0, %c0_i32 : i32, i32
  }
  func.func @transform_2(%arg0: i32) -> (i32, i32, i32) {
    %c0_i32 = arith.constant 0 : i32
    %c0_i32_0 = arith.constant 0 : i32
    %c0_i32_1 = arith.constant 0 : i32
    return %c0_i32, %arg0, %c0_i32_0 : i32, i32, i32
  }
  func.func @transform_3(%arg0: i32) -> (i32, i32, i32) {
    %c0_i32 = arith.constant 0 : i32
    %c0_i32_0 = arith.constant 0 : i32
    %c0_i32_1 = arith.constant 0 : i32
    return %c0_i32, %arg0, %c0_i32_0 : i32, i32, i32
  }
  func.func @transform_4(%arg0: i32) -> (i32, i32) {
    %c0_i32 = arith.constant 0 : i32
    %c0_i32_0 = arith.constant 0 : i32
    %c0_i32_1 = arith.constant 0 : i32
    return %c0_i32, %c0_i32_0 : i32, i32
  }
  func.func @transform_5(%arg0: i32) -> (i32, i32) {
    %c0_i32 = arith.constant 0 : i32
    %c0_i32_0 = arith.constant 0 : i32
    %c0_i32_1 = arith.constant 0 : i32
    return %c0_i32, %c0_i32_0 : i32, i32
  }
  func.func @transform_6(%arg0: i32) -> (i32, i32) {
    %c0_i32 = arith.constant 0 : i32
    %c0_i32_0 = arith.constant 0 : i32
    return %arg0, %c0_i32 : i32, i32
  }
}

</mosaic_0001>

<sc_bundles>
// kernel: sc_inter.3.cloned.1.call-start
scs
__scs_entry_jumppad:
0x0: {  	(pc) =	sbr.rel $0x88, $3  }
0x1: {  	(tag) =	ssettag $0x0;
	lr =	simm.s32 $0x1  }
0x2: {  	[smem:$0x3F96] =	sst lr;
	_ =	strace $0xD0000000  }
0x3: {  	_ = 	snop  }
0x4: {  	_ = 	snop  }
0x5: {  	_ = 	snop  }
0x6: {  	_ = 	snop  }
0x7: {  	_ = 	snop  }
__scs_overlays_trampoline_lowered:
0x8: {  	[smem:$0x3FA5] =	sst s0  }
0x9: {  	[smem:$0x3FA6] =	sst s1  }
0xa: {  	[smem:$0x3FA7] =	sst s2  }
0xb: {  	[smem:$0x3FA8] =	sst s3  }
0xc: {  	[smem:$0x3FA9] =	sst s4  }
0xd: {  	[smem:$0x3FAA] =	sst s5  }
0xe: {  	[smem:$0x3FAB] =	sst s6  }
0xf: {  	[smem:$0x3FAC] =	sst s7  }
0x10: {  	[smem:$0x3FAD] =	sst s8  }
0x11: {  	[smem:$0x3FAE] =	sst s9;
	s0 =	simm.s32 @!p0 $0x0  }
0x12: {  	s1 =	sld [smem:$0x3F94];
	s0 =	simm.s32 @p0 $0x1  }
0x13: {  	[smem:$0x3FAF] =	sst s0;
	s0 =	simm.s32 @!p1 $0x0  }
0x14: {  	s2 =	sld [smem:$0x3F93];
	s0 =	simm.s32 @p1 $0x1  }
0x15: {  	[smem:$0x3FB0] =	sst s0;
	s0 =	simm.s32 @!p2 $0x0  }
0x16: {  	s3 =	sld [smem:$0x3FDB];
	s0 =	simm.s32 @p2 $0x1  }
0x17: {  	s4 =	simm.s32 $0x1BF5;
	[smem:$0x3FB2] =	sst s0  }
0x18: {  	s0 =	sld [smem:$0x3F95];
	_ =	swait.ge [sflag:s4], $0x0  }
0x19: {  	s7 =	sld [smem:$0x3F96]  }
0x1a: {  	s8 =	sadd.s32 $0xFFFFE003, lr  }
0x1b: {  	s9 =	sadd.s32 $0xFFFFFEF7, lr;
	s5 =	simm.s32 $0xFFFFFFFF;
	p2 =	slt.u32 s8, $0xFFFFF086  }
0x1c: {  	p1 =	slt.u32 s9, $0xF7A;
	s5 =	simm.s32 @!p2 $0x0  }
0x1d: {  	s5 =	simm.s32 @p1 $0x1;
	p0 =	seq.s32 s7, s2  }
0x1e: {  	s7 =	smul.u32 @!p0 $0xF7A, s2;
	p2 =	seq.s32 @!p0 s5, $0x0  }
0x1f: {  	s9 =	smul.u32 $0xF7A, s1;
	s8 =	simm.s32 @!p0 $0x1BF5;
	p2 =	por !p2, p0  }
0x20: {  	[sflag:s8] =	ssyncset.s32 @!p0 $0xFFFFF086;
	s6 =	sadd.s32 @!p0 s3, s7;
	s7 =	simm.s32 @!p0 $0x108  }
0x21: {  	s3 =	sadd.s32 s3, s9;
	s6 =	sadd.s32 @!p0 $0x88, s6;
	s7 =	simm.s32 @p2 $0x1082  }
0x22: {  	[simem:s7], [sflag:s8] =	dma.local @!p0 [hbm:s6], $0xF7A  }
0x23: {  	s9 =	sor.u32 $0xD0000000, s2;
	s6 =	simm.s32 $0x108;
	_ =	swait.ge @!p0 [sflag:s8], $0x0  }
0x24: {  	s3 =	sadd.s32 $0x88, s3;
	s6 =	simm.s32 @!p1 $0x1082;
	[sflag:s4] =	ssyncset.s32 $0xFFFFF086  }
0x25: {  	[simem:s6], [sflag:s4] =	dma.local [hbm:s3], $0xF7A  }
0x26: {  	[smem:$0x3F96] =	sst s1;
	(tag) =	ssettag s2;
	_ =	strace s9  }
0x27: {  	s1 =	sld [smem:$0x3FA6]  }
0x28: {  	s2 =	sld [smem:$0x3FA7]  }
0x29: {  	s4 =	sld [smem:$0x3FA9]  }
0x2a: {  	p0 =	seq.s32 s5, $0x0;
	s5 =	sld [smem:$0x3FAA]  }
0x2b: {  	s6 =	sld [smem:$0x3FAB]  }
0x2c: {  	s7 =	sld [smem:$0x3FAC]  }
0x2d: {  	s3 =	simm.s32 $0x108;
	s8 =	sld [smem:$0x3FAD]  }
0x2e: {  	s3 =	simm.s32 @!p0 $0x1082;
	s9 =	sld [smem:$0x3FAE]  }
0x2f: {  	lr =	sadd.s32 s0, s3;
	s0 =	sld [smem:$0x3FA5]  }
0x30: {  	s3 =	sld [smem:$0x3FA8]  }
0x31: {  	[smem:$0x3FB1] =	sst s10  }
0x32: {  	s10 =	sld [smem:$0x3FAF];
	_ =	sdelay $0x3  }
0x33: {  	p0 =	seq.s32 s10, $0x1;
	s10 =	sld [smem:$0x3FB1];
	_ =	sdelay $0x3  }
0x34: {  	[smem:$0x3FB1] =	sst s10  }
0x35: {  	s10 =	sld [smem:$0x3FB0];
	_ =	sdelay $0x3  }
0x36: {  	p1 =	seq.s32 s10, $0x1;
	s10 =	sld [smem:$0x3FB1];
	_ =	sdelay $0x3  }
0x37: {  	[smem:$0x3FB1] =	sst s10  }
0x38: {  	s10 =	sld [smem:$0x3FB2]  }
0x39: {  	_ = 	snop;
	(pc) =	sbr.ind lr, $3  }
0x3a: {  	_ = 	snop  }
0x3b: {  	_ = 	snop  }
0x3c: {  	p2 =	seq.s32 s10, $0x1;
	s10 =	sld [smem:$0x3FB1]  }
0x3d: {  	_ =	shalt  }
0x3e: {  	_ =	shalt  }
0x3f: {  	_ =	shalt  }
0x40: {  	_ =	shalt  }
0x41: {  	_ =	shalt  }
0x42: {  	_ =	shalt  }
0x43: {  	_ =	shalt  }
0x44: {  	_ =	shalt  }
0x45: {  	_ =	shalt  }
0x46: {  	_ =	shalt  }
0x47: {  	_ =	shalt  }
0x48: {  	_ =	shalt  }
0x49: {  	_ =	shalt  }
0x4a: {  	_ =	shalt  }
0x4b: {  	_ =	shalt  }
0x4c: {  	_ =	shalt  }
0x4d: {  	_ =	shalt  }
0x4e: {  	_ =	shalt  }
0x4f: {  	_ =	shalt  }
0x50: {  	_ =	shalt  }
0x51: {  	_ =	shalt  }
0x52: {  	_ =	shalt  }
0x53: {  	_ =	shalt  }
0x54: {  	_ =	shalt  }
0x55: {  	_ =	shalt  }
0x56: {  	_ =	shalt  }
0x57: {  	_ =	shalt  }
0x58: {  	_ =	shalt  }
0x59: {  	_ =	shalt  }
0x5a: {  	_ =	shalt  }
0x5b: {  	_ =	shalt  }
0x5c: {  	_ =	shalt  }
0x5d: {  	_ =	shalt  }
0x5e: {  	_ =	shalt  }
0x5f: {  	_ =	shalt  }
0x60: {  	_ =	shalt  }
0x61: {  	_ =	shalt  }
0x62: {  	_ =	shalt  }
0x63: {  	_ =	shalt  }
0x64: {  	_ =	shalt  }
0x65: {  	_ =	shalt  }
0x66: {  	_ =	shalt  }
0x67: {  	_ =	shalt  }
0x68: {  	_ =	shalt  }
0x69: {  	_ =	shalt  }
0x6a: {  	_ =	shalt  }
0x6b: {  	_ =	shalt  }
0x6c: {  	_ =	shalt  }
0x6d: {  	_ =	shalt  }
0x6e: {  	_ =	shalt  }
0x6f: {  	_ =	shalt  }
0x70: {  	_ =	shalt  }
0x71: {  	_ =	shalt  }
0x72: {  	_ =	shalt  }
0x73: {  	_ =	shalt  }
0x74: {  	_ =	shalt  }
0x75: {  	_ =	shalt  }
0x76: {  	_ =	shalt  }
0x77: {  	_ =	shalt  }
0x78: {  	_ =	shalt  }
0x79: {  	_ =	shalt  }
0x7a: {  	_ =	shalt  }
0x7b: {  	_ =	shalt  }
0x7c: {  	_ =	shalt  }
0x7d: {  	_ =	shalt  }
0x7e: {  	_ =	shalt  }
0x7f: {  	_ =	shalt  }
0x80: {  	_ =	shalt  }
0x81: {  	_ =	shalt  }
0x82: {  	_ =	shalt  }
0x83: {  	_ =	shalt  }
0x84: {  	_ =	shalt  }
0x85: {  	_ =	shalt  }
0x86: {  	_ =	shalt  }
0x87: {  	_ =	shalt  }
.Lfunc_end0:
.L_simem_size_0:
called_computation.2_lowered:
.L_overlay_start_0:
0x88: {  	s2 =	sld [smem:$0x3FD9]  }
0x89: {  	s3 =	sld [smem:$0x3FFE];
	_ =	sdelay $0x1  }
0x8a: {  	s1 =	srdreg.scid  }
0x8b: {  	s0 =	sand.u32 $0x1, s1  }
0x8c: {  	s14 =	sshll.u32 s0, $0xA;
	s2 =	sadd.s32 s3, s2  }
0x8d: {  	s2 =	sadd.s32 s2, s14  }
0x8e: {  	[smem:$0x3FBD] =	sst s2  }
0x8f: {  	_ = 	snop  }
0x90: {  	s2 =	sld [smem:$0x3FD0];
	_ =	sdelay $0x2  }
0x91: {  	s15 =	simm.s32 $0xB;
	s4 =	simm.s32 $0x10  }
0x92: {  	[smem:s4], [sflag:s15] =	dma.local [hbm:s2], $0x1  }
0x93: {  	_ =	swait.eq [sflag:s15], $0x1  }
0x94: {  	[sflag:s15] =	ssyncset.done $0x0  }
0x95: {  	[sflag:s15] =	ssyncadd.s32 $0xFFFFFFFF  }
0x96: {  	s16 =	sld [smem:$0x11];
	(tm) =	ssettm $0x1  }
0x97: {  	s17 =	sld [smem:$0x3FFB];
	_ =	sdelay $0x3  }
0x98: {  	_ =	strace s17  }
0x99: {  	s3 =	sld [smem:$0x3FFC];
	_ =	sdelay $0x3  }
0x9a: {  	_ =	strace s3  }
0x9b: {  	s3 =	sld [smem:$0x3FFD];
	_ =	sdelay $0x3  }
0x9c: {  	_ =	strace s3  }
0x9d: {  	_ =	strace $0x8FFFFFFF  }
0x9e: {  	s18 =	sld [smem:$0x3FDB];
	_ =	sdelay $0x1  }
0x9f: {  	s19 =	simm.s32 $_scs_section_size  }
0xa0: {  	s5 =	simm.s32 $_size__tile_overlayer_lowered;
	s6 =	simm.s32 $_tile_overlayer_lowered  }
0xa1: {  	s22 =	simm.s32 $0x1BFF;
	s21 =	sshll.u32 s6, $0x1;
	s3 =	sadd.s32 s19, s18  }
0xa2: {  	s7 =	simm.s32 $0x0;
	s20 =	sshll.u32 s5, $0x1;
	s5 =	sadd.s32 s21, s3  }
0xa3: {  	[timem:s7], [sflag:s22] =	dma.local [hbm:s5], s20  }
0xa4: {  	_ =	swait.ge [sflag:s22], s20  }
0xa5: {  	s4 =	ssub.s32 $0x0, s20;
	[sflag:s22] =	ssyncset.done $0x0  }
0xa6: {  	[sflag:s22] =	ssyncadd.s32 s4;
	_ =	sdelay $0x1  }
0xa7: {  	s23 =	simm.s32 $0x1B8B  }
0xa8: {  	_ =	swait.ge [sflag:s23], $0x1  }
0xa9: {  	[sflag:s23] =	ssyncset.done $0x0  }
0xaa: {  	s25 =	simm.s32 $0x1B8E;
	s24 =	sld [smem:$0x3FFE];
	[sflag:s23] =	ssyncadd.s32 $0xFFFFFFFF  }
0xab: {  	s26 =	simm.s32 $execute0_lowered;
	[smem:$0x3FD2] =	sst s25  }
0xac: {  	s5 =	sshll.u32 s26, $0x1;
	_ =	strace $0x8000004C;
	[dreg:$0x1] =	wrdreg $0xFFFFFFFF  }
0xad: {  	s28 =	simm.s32 $_size_execute0_lowered;
	s3 =	sadd.s32 s3, s5;
	[dreg:$0x0] =	wrdreg $0x0  }
0xae: {  	s5 =	sshll.u32 s28, $0x1;
	[dreg:$0x2] =	wrdreg s3  }
0xaf: {  	[dreg:$0x3] =	wrdreg s5  }
0xb0: {  	[dreg:$0x4] =	wrdreg $0xC0  }
0xb1: {  	_ =	task [dreg:s7], $0x5FFFF  }
0xb2: {  	[dreg:$0x1] =	wrdreg $0xFFFFFFFF  }
0xb3: {  	[dreg:$0x0] =	wrdreg $0x60  }
0xb4: {  	[dreg:$0x2] =	wrdreg s24  }
0xb5: {  	[dreg:$0x3] =	wrdreg s16  }
0xb6: {  	[dreg:$0x4] =	wrdreg $0xA1400  }
0xb7: {  	[dreg:$0x5] =	wrdreg $0x9  }
0xb8: {  	_ =	task.clear_ibuf [dreg:s7], $0x6FFFF;
	_ =	strace $0x9000004C  }
0xb9: {  	s29 =	simm.s32 $0x9;
	_ =	strace $0x8000004E  }
0xba: {  	_ =	swait.ge [sflag:s29], $0x1  }
0xbb: {  	[sflag:s29] =	ssyncadd.s32 $0xFFFFFFFF  }
0xbc: {  	_ =	strace $0x9000004E  }
0xbd: {  	_ =	sfence  }
0xbe: {  	s30 =	sld [smem:$0x0];
	_ =	sdelay $0x2  }
0xbf: {  	s31 =	sshll.u32 s1, $0xD;
	s1 =	sshrl.u32 s1, $0x2  }
0xc0: {  	s3 =	sand.u32 $0x4000, s31;
	s1 =	sadd.s32 s1, s30  }
0xc1: {  	s0 =	sor.u32 s3, s0;
	s1 =	sshll.u32 s1, $0x11  }
0xc2: {  	s0 =	sor.u32 s1, s0  }
0xc3: {  	s0 =	sadd.s32 $0x8F2B, s0  }
0xc4: {  	[sflag:s0] =	ssyncadd.remote.s32 $0x1  }
0xc5: {  	_ =	sfence.sel $0xFFFF  }
0xc6: {  	[dreg:$0x0] =	wrdreg $0xFFFFFFFF;
	(pc) =	sbr.abs _section_cstart, $3  }
0xc7: {  	[dreg:$0x1] =	wrdreg $0xFFFFFFFF  }
0xc8: {  	_ =	task.clear_ibuf [dreg:s7], $0x2FFFF;
	_ =	strace $0x9FFFFFFF  }
0xc9: {  	(tm) =	ssettm $0x7FFFFFFF  }
tec
execute0_lowered:
.L_overlay_start_1:
0x0: {  	(tag) =	ssettag $0x1  }
0x1: {  	s28 =	rddreg [dreg:$0x0]  }
0x2: {  	s2 =	rddreg [dreg:$0x1]  }
0x3: {  	s3 =	rddreg [dreg:$0x2]  }
0x4: {  	s5 =	srdreg.scid;
	s4 =	simm.s32 $0x0;
	s1 =	stileid.u32  }
0x5: {  	s30 =	sand.u32 $0x1, s5;
	[smem:$0x7FF] =	sst s4;
	s29 =	smul.u32 $0x5000, s1  }
0x6: {  	s31 =	sshll.u32 s1, $0x6;
	s5 =	sshll.u32 s30, $0x4;
	_ =	strace $0x8000004D  }
0x7: {  	s10 =	sor.u32 s1, s5;
	s6 =	sadd.s32 s29, s3;
	s5 =	sor.u32 $0x1C03, s31  }
0x8: {  	s8 =	smul.u32 $0x28, s10;
	s7 =	sshrl.u32 s6, $0x3;
	s6 =	simm.s32 $0x3  }
0x9: {  	[spmem:s7], [sflag:s5] =	dma.local [hbm:s2], $0xA00  }
0xa: {  	_ =	swait.ge [sflag:s6], $0xA00  }
0xb: {  	s8 =	sadd.s32 s8, s28;
	[sflag:s6] =	ssyncset.done $0x0  }
0xc: {  	s8 =	sadd.s32 $0x2D800, s8;
	[sflag:s6] =	ssyncadd.s32 $0xFFFFF600  }
0xd: {  	[tilespmem:s4], [sflag:$0x3] =	stream.linear.gather [hbm4b:s8+s4], $0x140, $0x38;
	[tilespmem:$0xF140] =	vst v63  }
0xe: {  	_ =	swait.ge [sflag:s6], $0x140  }
0xf: {  	s11 =	simm.s32 $0x140;
	[sflag:s6] =	ssyncset.done $0x0  }
0x10: {  	s9 =	sadd.s32 $0x2DE00, s28;
	s24 =	sadd.s32 $0x3200, s28;
	[sflag:s6] =	ssyncadd.s32 $0xFFFFFEC0  }
0x11: {  	s23 =	smul.u32 $0x1400, s10;
	s10 =	simm.s32 $0x50;
	[bflag:$0x0] =	sbarrier.arrive $0xFFFF  }
0x12: {  	[tilespmem:s11], [sflag:$0x1] =	stream.indirect.gather [hbm4b:s9+s10], $0x80, s4, s10, $0xb8;
	[tilespmem:$0xF140] =	vst v63  }
0x13: {  	s13 =	simm.s32 $0x2940;
	s14 =	simm.s32 $0x1;
	s12 =	sadd.s32 s24, s23  }
0x14: {  	[tilespmem:s13], [sflag:$0x2] =	stream.linear.gather [hbm4b:s12+s4], $0x2800, $0x38;
	[tilespmem:$0xF140] =	vst v63  }
0x15: {  	_ =	swait.ge [sflag:s14], $0x2800  }
0x16: {  	[sflag:s14] =	ssyncset.done $0x0  }
0x17: {  	s15 =	simm.s32 $0x2;
	[sflag:s14] =	ssyncadd.s32 $0xFFFFD800  }
0x18: {  	_ =	swait.ge [sflag:s15], $0x2800  }
0x19: {  	[sflag:s15] =	ssyncset.done $0x0  }
0x1a: {  	s16 =	simm.s32 $0x5140;
	s22 =	sadd.s32 $0x500, s23;
	[sflag:s15] =	ssyncadd.s32 $0xFFFFD800  }
0x1b: {  	[tilespmem:s16], [sflag:$0x1] =	stream.indirect.gather [hbm4b:s9+s10], $0x80, s10, s10, $0xb8;
	[tilespmem:$0xF140] =	vst v63  }
0x1c: {  	s18 =	simm.s32 $0x7940;
	s26 =	sadd.s32 $0x3E600, s28;
	s17 =	sadd.s32 s24, s22  }
0x1d: {  	[tilespmem:s18], [sflag:$0x2] =	stream.linear.gather [hbm4b:s17+s4], $0x2800, $0x38;
	[tilespmem:$0xF140] =	vst v63  }
0x1e: {  	s19 =	sadd.s32 s26, s23  }
0x1f: {  	[hbm4b:s19+s4] =	stream.linear.scatter [tilespmem:s11], [sflag:$0x3], $0x2800, $0x38;
	[tilespmem:$0xF140] =	vst v63  }
0x20: {  	_ =	swait.ge [sflag:s6], $0x2800  }
0x21: {  	[sflag:s6] =	ssyncset.done $0x0  }
0x22: {  	[sflag:s6] =	ssyncadd.s32 $0xFFFFD800  }
0x23: {  	[spmem:s3] =	stream.indirect.scatter.add.f32 [tilespmem:s13], [sflag:$0x3], $0x80, s4, s10, $0xb8;
	[tilespmem:$0xF140] =	vst v63  }
0x24: {  	_ =	swait.ge [sflag:s6], $0x2800  }
0x25: {  	[sflag:s6] =	ssyncset.done $0x0  }
0x26: {  	[sflag:s6] =	ssyncadd.s32 $0xFFFFD800  }
0x27: {  	_ =	swait.ge [sflag:s14], $0x2800  }
0x28: {  	[sflag:s14] =	ssyncset.done $0x0  }
0x29: {  	[sflag:s14] =	ssyncadd.s32 $0xFFFFD800  }
0x2a: {  	_ =	swait.ge [sflag:s15], $0x2800  }
0x2b: {  	[sflag:s15] =	ssyncset.done $0x0  }
0x2c: {  	s20 =	simm.s32 $0xA0;
	s25 =	sadd.s32 $0xA00, s23;
	[sflag:s15] =	ssyncadd.s32 $0xFFFFD800  }
0x2d: {  	[tilespmem:s11], [sflag:$0x1] =	stream.indirect.gather [hbm4b:s9+s10], $0x80, s20, s10, $0xb8;
	[tilespmem:$0xF140] =	vst v63  }
0x2e: {  	s21 =	sadd.s32 s24, s25  }
0x2f: {  	[tilespmem:s13], [sflag:$0x2] =	stream.linear.gather [hbm4b:s21+s4], $0x2800, $0x38;
	[tilespmem:$0xF140] =	vst v63  }
0x30: {  	s22 =	sadd.s32 s26, s22  }
0x31: {  	[hbm4b:s22+s4] =	stream.linear.scatter [tilespmem:s16], [sflag:$0x3], $0x2800, $0x38;
	[tilespmem:$0xF140] =	vst v63  }
0x32: {  	_ =	swait.ge [sflag:s6], $0x2800  }
0x33: {  	[sflag:s6] =	ssyncset.done $0x0  }
0x34: {  	[sflag:s6] =	ssyncadd.s32 $0xFFFFD800  }
0x35: {  	[spmem:s3] =	stream.indirect.scatter.add.f32 [tilespmem:s18], [sflag:$0x3], $0x80, s10, s10, $0xb8;
	[tilespmem:$0xF140] =	vst v63  }
0x36: {  	_ =	swait.ge [sflag:s6], $0x2800  }
0x37: {  	[sflag:s6] =	ssyncset.done $0x0  }
0x38: {  	[sflag:s6] =	ssyncadd.s32 $0xFFFFD800  }
0x39: {  	_ =	swait.ge [sflag:s14], $0x2800  }
0x3a: {  	[sflag:s14] =	ssyncset.done $0x0  }
0x3b: {  	[sflag:s14] =	ssyncadd.s32 $0xFFFFD800  }
0x3c: {  	_ =	swait.ge [sflag:s15], $0x2800  }
0x3d: {  	[sflag:s15] =	ssyncset.done $0x0  }
0x3e: {  	s31 =	sadd.s32 $0xF00, s23;
	s23 =	simm.s32 $0xF0;
	[sflag:s15] =	ssyncadd.s32 $0xFFFFD800  }
0x3f: {  	[tilespmem:s16], [sflag:$0x1] =	stream.indirect.gather [hbm4b:s9+s10], $0x80, s23, s10, $0xb8;
	[tilespmem:$0xF140] =	vst v63  }
0x40: {  	s24 =	sadd.s32 s24, s31  }
0x41: {  	[tilespmem:s18], [sflag:$0x2] =	stream.linear.gather [hbm4b:s24+s4], $0x2800, $0x38;
	[tilespmem:$0xF140] =	vst v63  }
0x42: {  	s25 =	sadd.s32 s26, s25  }
0x43: {  	[hbm4b:s25+s4] =	stream.linear.scatter [tilespmem:s11], [sflag:$0x3], $0x2800, $0x38;
	[tilespmem:$0xF140] =	vst v63  }
0x44: {  	_ =	swait.ge [sflag:s6], $0x2800  }
0x45: {  	[sflag:s6] =	ssyncset.done $0x0  }
0x46: {  	[sflag:s6] =	ssyncadd.s32 $0xFFFFD800  }
0x47: {  	[spmem:s3] =	stream.indirect.scatter.add.f32 [tilespmem:s13], [sflag:$0x3], $0x80, s20, s10, $0xb8;
	[tilespmem:$0xF140] =	vst v63  }
0x48: {  	_ =	swait.ge [sflag:s6], $0x2800  }
0x49: {  	[sflag:s6] =	ssyncset.done $0x0  }
0x4a: {  	[sflag:s6] =	ssyncadd.s32 $0xFFFFD800  }
0x4b: {  	_ =	swait.ge [sflag:s14], $0x2800  }
0x4c: {  	[sflag:s14] =	ssyncset.done $0x0  }
0x4d: {  	[sflag:s14] =	ssyncadd.s32 $0xFFFFD800  }
0x4e: {  	_ =	swait.ge [sflag:s15], $0x2800  }
0x4f: {  	[sflag:s15] =	ssyncset.done $0x0  }
0x50: {  	[sflag:s15] =	ssyncadd.s32 $0xFFFFD800  }
0x51: {  	[tilespmem:s11], [sflag:$0x1] =	stream.indirect.gather [hbm4b:s9+s10], $0x80, s23, s10, $0xb8;
	[tilespmem:$0xF140] =	vst v63  }
0x52: {  	_ = 	snop  }
0x53: {  	[tilespmem:s13], [sflag:$0x2] =	stream.linear.gather [hbm4b:s24+s4], $0x2800, $0x38;
	[tilespmem:$0xF140] =	vst v63  }
0x54: {  	s26 =	sadd.s32 s26, s31  }
0x55: {  	[hbm4b:s26+s4] =	stream.linear.scatter [tilespmem:s16], [sflag:$0x3], $0x2800, $0x38;
	[tilespmem:$0xF140] =	vst v63  }
0x56: {  	_ =	swait.ge [sflag:s6], $0x2800  }
0x57: {  	[sflag:s6] =	ssyncset.done $0x0  }
0x58: {  	[sflag:s6] =	ssyncadd.s32 $0xFFFFD800  }
0x59: {  	[spmem:s3] =	stream.indirect.scatter.add.f32 [tilespmem:s18], [sflag:$0x3], $0x80, s23, s10, $0xb8;
	[tilespmem:$0xF140] =	vst v63  }
0x5a: {  	_ =	swait.ge [sflag:s6], $0x2800  }
0x5b: {  	[sflag:s6] =	ssyncset.done $0x0  }
0x5c: {  	[sflag:s6] =	ssyncadd.s32 $0xFFFFD800  }
0x5d: {  	s31 =	smul.u32 $0xA000, s30;
	s30 =	ssub.s32 $0x2, s30;
	_ =	swait.ge [sflag:s14], $0x2800  }
0x5e: {  	s0 =	sshrl.u32 s30, $0x1;
	[sflag:s14] =	ssyncset.done $0x0  }
0x5f: {  	s0 =	ssub.s32 s30, s0;
	[sflag:s14] =	ssyncadd.s32 $0xFFFFD800  }
0x60: {  	s29 =	sshrl.u32 s29, $0x3;
	s0 =	smax.u32 s0, $0x1;
	_ =	swait.ge [sflag:s15], $0x2800  }
0x61: {  	s28 =	sadd.s32 s31, s28;
	p0 =	sne.s32 s0, $0x1;
	[sflag:s15] =	ssyncset.done $0x0  }
.Ltmp0:
0x62: {  	s28 =	sadd.s32 $0x66600, s28;
	[sflag:s15] =	ssyncadd.s32 $0xFFFFD800;
	(pc) =	sbr.rel @!p0 .LBB2_2-.Ltmp0, $4  }
0x63: {  	s28 =	sadd.s32 s29, s28;
	[bflag:$0x0] =	sbarrier.arrive $0xFFFF  }
0x64: {  	[hbm:s28], [sflag:s5] =	dma.local [spmem:s7], $0xA00  }
0x65: {  	_ =	swait.ge [sflag:s6], $0xA00  }
0x66: {  	s29 =	sadd.s32 $0xFFFFFFFF, s0;
	[sflag:s6] =	ssyncset.done $0x0  }
.LBB2_1:
0x67: {  	p0 =	sne.s32 s29, $0x1;
	s29 =	sadd.s32 $0xFFFFFFFF, s29;
	[sflag:s6] =	ssyncadd.s32 $0xFFFFF600  }
0x68: {  	[spmem:s7], [sflag:s5] =	dma.local [hbm:s2], $0xA00  }
0x69: {  	_ =	swait.ge [sflag:s6], $0xA00  }
0x6a: {  	[sflag:s6] =	ssyncset.done $0x0  }
0x6b: {  	[sflag:s6] =	ssyncadd.s32 $0xFFFFF600  }
0x6c: {  	[tilespmem:s4], [sflag:$0x3] =	stream.linear.gather [hbm4b:s8+s4], $0x140, $0x38;
	[tilespmem:$0xF140] =	vst v63  }
0x6d: {  	_ =	swait.ge [sflag:s6], $0x140  }
0x6e: {  	[sflag:s6] =	ssyncset.done $0x0  }
0x6f: {  	[sflag:s6] =	ssyncadd.s32 $0xFFFFFEC0  }
0x70: {  	[bflag:$0x0] =	sbarrier.arrive $0xFFFF  }
0x71: {  	[tilespmem:s11], [sflag:$0x1] =	stream.indirect.gather [hbm4b:s9+s10], $0x80, s4, s10, $0xb8;
	[tilespmem:$0xF140] =	vst v63  }
0x72: {  	_ = 	snop  }
0x73: {  	[tilespmem:s13], [sflag:$0x2] =	stream.linear.gather [hbm4b:s12+s4], $0x2800, $0x38;
	[tilespmem:$0xF140] =	vst v63  }
0x74: {  	_ =	swait.ge [sflag:s14], $0x2800  }
0x75: {  	[sflag:s14] =	ssyncset.done $0x0  }
0x76: {  	[sflag:s14] =	ssyncadd.s32 $0xFFFFD800  }
0x77: {  	_ =	swait.ge [sflag:s15], $0x2800  }
0x78: {  	[sflag:s15] =	ssyncset.done $0x0  }
0x79: {  	[sflag:s15] =	ssyncadd.s32 $0xFFFFD800  }
0x7a: {  	[tilespmem:s16], [sflag:$0x1] =	stream.indirect.gather [hbm4b:s9+s10], $0x80, s10, s10, $0xb8;
	[tilespmem:$0xF140] =	vst v63  }
0x7b: {  	_ = 	snop  }
0x7c: {  	[tilespmem:s18], [sflag:$0x2] =	stream.linear.gather [hbm4b:s17+s4], $0x2800, $0x38;
	[tilespmem:$0xF140] =	vst v63  }
0x7d: {  	_ = 	snop  }
0x7e: {  	[hbm4b:s19+s4] =	stream.linear.scatter [tilespmem:s11], [sflag:$0x3], $0x2800, $0x38;
	[tilespmem:$0xF140] =	vst v63  }
0x7f: {  	_ =	swait.ge [sflag:s6], $0x2800  }
0x80: {  	[sflag:s6] =	ssyncset.done $0x0  }
0x81: {  	[sflag:s6] =	ssyncadd.s32 $0xFFFFD800  }
0x82: {  	[spmem:s3] =	stream.indirect.scatter.add.f32 [tilespmem:s13], [sflag:$0x3], $0x80, s4, s10, $0xb8;
	[tilespmem:$0xF140] =	vst v63  }
0x83: {  	_ =	swait.ge [sflag:s6], $0x2800  }
0x84: {  	[sflag:s6] =	ssyncset.done $0x0  }
0x85: {  	[sflag:s6] =	ssyncadd.s32 $0xFFFFD800  }
0x86: {  	_ =	swait.ge [sflag:s14], $0x2800  }
0x87: {  	[sflag:s14] =	ssyncset.done $0x0  }
0x88: {  	[sflag:s14] =	ssyncadd.s32 $0xFFFFD800  }
0x89: {  	_ =	swait.ge [sflag:s15], $0x2800  }
0x8a: {  	[sflag:s15] =	ssyncset.done $0x0  }
0x8b: {  	[sflag:s15] =	ssyncadd.s32 $0xFFFFD800  }
0x8c: {  	[tilespmem:s11], [sflag:$0x1] =	stream.indirect.gather [hbm4b:s9+s10], $0x80, s20, s10, $0xb8;
	[tilespmem:$0xF140] =	vst v63  }
0x8d: {  	_ = 	snop  }
0x8e: {  	[tilespmem:s13], [sflag:$0x2] =	stream.linear.gather [hbm4b:s21+s4], $0x2800, $0x38;
	[tilespmem:$0xF140] =	vst v63  }
0x8f: {  	_ = 	snop  }
0x90: {  	[hbm4b:s22+s4] =	stream.linear.scatter [tilespmem:s16], [sflag:$0x3], $0x2800, $0x38;
	[tilespmem:$0xF140] =	vst v63  }
0x91: {  	_ =	swait.ge [sflag:s6], $0x2800  }
0x92: {  	[sflag:s6] =	ssyncset.done $0x0  }
0x93: {  	[sflag:s6] =	ssyncadd.s32 $0xFFFFD800  }
0x94: {  	[spmem:s3] =	stream.indirect.scatter.add.f32 [tilespmem:s18], [sflag:$0x3], $0x80, s10, s10, $0xb8;
	[tilespmem:$0xF140] =	vst v63  }
0x95: {  	_ =	swait.ge [sflag:s6], $0x2800  }
0x96: {  	[sflag:s6] =	ssyncset.done $0x0  }
0x97: {  	[sflag:s6] =	ssyncadd.s32 $0xFFFFD800  }
0x98: {  	_ =	swait.ge [sflag:s14], $0x2800  }
0x99: {  	[sflag:s14] =	ssyncset.done $0x0  }
0x9a: {  	[sflag:s14] =	ssyncadd.s32 $0xFFFFD800  }
0x9b: {  	_ =	swait.ge [sflag:s15], $0x2800  }
0x9c: {  	[sflag:s15] =	ssyncset.done $0x0  }
0x9d: {  	[sflag:s15] =	ssyncadd.s32 $0xFFFFD800  }
0x9e: {  	[tilespmem:s16], [sflag:$0x1] =	stream.indirect.gather [hbm4b:s9+s10], $0x80, s23, s10, $0xb8;
	[tilespmem:$0xF140] =	vst v63  }
0x9f: {  	_ = 	snop  }
0xa0: {  	[tilespmem:s18], [sflag:$0x2] =	stream.linear.gather [hbm4b:s24+s4], $0x2800, $0x38;
	[tilespmem:$0xF140] =	vst v63  }
0xa1: {  	_ = 	snop  }
0xa2: {  	[hbm4b:s25+s4] =	stream.linear.scatter [tilespmem:s11], [sflag:$0x3], $0x2800, $0x38;
	[tilespmem:$0xF140] =	vst v63  }
0xa3: {  	_ =	swait.ge [sflag:s6], $0x2800  }
0xa4: {  	[sflag:s6] =	ssyncset.done $0x0  }
0xa5: {  	[sflag:s6] =	ssyncadd.s32 $0xFFFFD800  }
0xa6: {  	[spmem:s3] =	stream.indirect.scatter.add.f32 [tilespmem:s13], [sflag:$0x3], $0x80, s20, s10, $0xb8;
	[tilespmem:$0xF140] =	vst v63  }
0xa7: {  	_ =	swait.ge [sflag:s6], $0x2800  }
0xa8: {  	[sflag:s6] =	ssyncset.done $0x0  }
0xa9: {  	[sflag:s6] =	ssyncadd.s32 $0xFFFFD800  }
0xaa: {  	_ =	swait.ge [sflag:s14], $0x2800  }
0xab: {  	[sflag:s14] =	ssyncset.done $0x0  }
0xac: {  	[sflag:s14] =	ssyncadd.s32 $0xFFFFD800  }
0xad: {  	_ =	swait.ge [sflag:s15], $0x2800  }
0xae: {  	[sflag:s15] =	ssyncset.done $0x0  }
0xaf: {  	[sflag:s15] =	ssyncadd.s32 $0xFFFFD800  }
0xb0: {  	[tilespmem:s11], [sflag:$0x1] =	stream.indirect.gather [hbm4b:s9+s10], $0x80, s23, s10, $0xb8;
	[tilespmem:$0xF140] =	vst v63  }
0xb1: {  	_ = 	snop  }
0xb2: {  	[tilespmem:s13], [sflag:$0x2] =	stream.linear.gather [hbm4b:s24+s4], $0x2800, $0x38;
	[tilespmem:$0xF140] =	vst v63  }
0xb3: {  	_ = 	snop  }
0xb4: {  	[hbm4b:s26+s4] =	stream.linear.scatter [tilespmem:s16], [sflag:$0x3], $0x2800, $0x38;
	[tilespmem:$0xF140] =	vst v63  }
0xb5: {  	_ =	swait.ge [sflag:s6], $0x2800  }
0xb6: {  	[sflag:s6] =	ssyncset.done $0x0  }
0xb7: {  	[sflag:s6] =	ssyncadd.s32 $0xFFFFD800  }
0xb8: {  	[spmem:s3] =	stream.indirect.scatter.add.f32 [tilespmem:s18], [sflag:$0x3], $0x80, s23, s10, $0xb8;
	[tilespmem:$0xF140] =	vst v63  }
0xb9: {  	_ =	swait.ge [sflag:s6], $0x2800  }
0xba: {  	[sflag:s6] =	ssyncset.done $0x0  }
0xbb: {  	[sflag:s6] =	ssyncadd.s32 $0xFFFFD800  }
0xbc: {  	_ =	swait.ge [sflag:s14], $0x2800  }
0xbd: {  	[sflag:s14] =	ssyncset.done $0x0  }
0xbe: {  	[sflag:s14] =	ssyncadd.s32 $0xFFFFD800  }
0xbf: {  	_ =	swait.ge [sflag:s15], $0x2800  }
0xc0: {  	[sflag:s15] =	ssyncset.done $0x0  }
.Ltmp1:
0xc1: {  	[sflag:s15] =	ssyncadd.s32 $0xFFFFD800;
	(pc) =	sbr.rel @p0 .LBB2_1-.Ltmp1, $4  }
0xc2: {  	[bflag:$0x0] =	sbarrier.arrive $0xFFFF  }
0xc3: {  	[hbm:s28], [sflag:s5] =	dma.local [spmem:s7], $0xA00  }
0xc4: {  	_ =	swait.ge [sflag:s6], $0xA00  }
0xc5: {  	[sflag:s6] =	ssyncset.done $0x0  }
.LBB2_2:
0xc6: {  	[sflag:s6] =	ssyncadd.s32 $0xFFFFF600  }
0xc7: {  	_ =	sfence.sel $0x180000  }
0xc8: {  	[bflag:$0x0] =	sbarrier.arrive $0xFFFF  }
0xc9: {  	_ =	strace $0x9000004D  }
0xca: {  	[bflag:$0x2] =	sbarrier.arrive $0xFFFF  }
0xcb: {  	p0 =	sne.s32 s1, $0x0;
	s0 =	rddreg [dreg:$0x3]  }
0xcc: {  	s0 =	sadd.s32 @!p0 $0x100000, s0  }
0xcd: {  	[sflag:s0] =	ssyncadd.tile.s32 @!p0 $0x1;
	_ =	shalt  }
.Lfunc_end2:
_tile_overlayer_lowered:
.L_overlay_start_2:
0xce: {  	(tag) =	ssettag $0x2  }
0xcf: {  	s0 =	rddreg [dreg:$0x0];
	s2 =	stileid.u32  }
0xd0: {  	s1 =	rddreg [dreg:$0x1];
	p0 =	sne.s32 s2, $0x0  }
0xd1: {  	s3 =	rddreg [dreg:$0x2];
	[bflag:$0x3] =	sbarrier.arrive $0xFFFF;
	s2 =	simm.s32 @!p0 $0x1C03  }
0xd2: {  	[timem:s3], [sflag:s2] =	dma.local @!p0 [hbm:s0], s1  }
0xd3: {  	s0 =	simm.s32 @!p0 $0x3  }
0xd4: {  	_ =	swait.ge @!p0 [sflag:s0], s1  }
0xd5: {  	s1 =	ssub.s32 @!p0 $0x0, s1;
	[sflag:s0] =	ssyncset.done @!p0 $0x0  }
0xd6: {  	[sflag:s0] =	ssyncadd.s32 @!p0 s1  }
0xd7: {  	[bflag:$0x3] =	sbarrier.arrive $0xFFFF  }
0xd8: {  	_ =	shalt  }

// kernel: sc_seg_g0.3.cloned.1.call-start
scs
__scs_entry_jumppad:
0x0: {  	(pc) =	sbr.rel $0x88, $3  }
0x1: {  	(tag) =	ssettag $0x0;
	lr =	simm.s32 $0x1  }
0x2: {  	[smem:$0x3F96] =	sst lr;
	_ =	strace $0xD0000000  }
0x3: {  	_ = 	snop  }
0x4: {  	_ = 	snop  }
0x5: {  	_ = 	snop  }
0x6: {  	_ = 	snop  }
0x7: {  	_ = 	snop  }
__scs_overlays_trampoline_lowered:
0x8: {  	[smem:$0x3FA5] =	sst s0  }
0x9: {  	[smem:$0x3FA6] =	sst s1  }
0xa: {  	[smem:$0x3FA7] =	sst s2  }
0xb: {  	[smem:$0x3FA8] =	sst s3  }
0xc: {  	[smem:$0x3FA9] =	sst s4  }
0xd: {  	[smem:$0x3FAA] =	sst s5  }
0xe: {  	[smem:$0x3FAB] =	sst s6  }
0xf: {  	[smem:$0x3FAC] =	sst s7  }
0x10: {  	[smem:$0x3FAD] =	sst s8  }
0x11: {  	[smem:$0x3FAE] =	sst s9;
	s0 =	simm.s32 @!p0 $0x0  }
0x12: {  	s1 =	sld [smem:$0x3F94];
	s0 =	simm.s32 @p0 $0x1  }
0x13: {  	[smem:$0x3FAF] =	sst s0;
	s0 =	simm.s32 @!p1 $0x0  }
0x14: {  	s2 =	sld [smem:$0x3F93];
	s0 =	simm.s32 @p1 $0x1  }
0x15: {  	[smem:$0x3FB0] =	sst s0;
	s0 =	simm.s32 @!p2 $0x0  }
0x16: {  	s3 =	sld [smem:$0x3FDB];
	s0 =	simm.s32 @p2 $0x1  }
0x17: {  	s4 =	simm.s32 $0x1BF5;
	[smem:$0x3FB2] =	sst s0  }
0x18: {  	s0 =	sld [smem:$0x3F95];
	_ =	swait.ge [sflag:s4], $0x0  }
0x19: {  	s7 =	sld [smem:$0x3F96]  }
0x1a: {  	s8 =	sadd.s32 $0xFFFFE003, lr  }
0x1b: {  	s9 =	sadd.s32 $0xFFFFFEF7, lr;
	s5 =	simm.s32 $0xFFFFFFFF;
	p2 =	slt.u32 s8, $0xFFFFF086  }
0x1c: {  	p1 =	slt.u32 s9, $0xF7A;
	s5 =	simm.s32 @!p2 $0x0  }
0x1d: {  	s5 =	simm.s32 @p1 $0x1;
	p0 =	seq.s32 s7, s2  }
0x1e: {  	s7 =	smul.u32 @!p0 $0xF7A, s2;
	p2 =	seq.s32 @!p0 s5, $0x0  }
0x1f: {  	s9 =	smul.u32 $0xF7A, s1;
	s8 =	simm.s32 @!p0 $0x1BF5;
	p2 =	por !p2, p0  }
0x20: {  	[sflag:s8] =	ssyncset.s32 @!p0 $0xFFFFF086;
	s6 =	sadd.s32 @!p0 s3, s7;
	s7 =	simm.s32 @!p0 $0x108  }
0x21: {  	s3 =	sadd.s32 s3, s9;
	s6 =	sadd.s32 @!p0 $0x88, s6;
	s7 =	simm.s32 @p2 $0x1082  }
0x22: {  	[simem:s7], [sflag:s8] =	dma.local @!p0 [hbm:s6], $0xF7A  }
0x23: {  	s9 =	sor.u32 $0xD0000000, s2;
	s6 =	simm.s32 $0x108;
	_ =	swait.ge @!p0 [sflag:s8], $0x0  }
0x24: {  	s3 =	sadd.s32 $0x88, s3;
	s6 =	simm.s32 @!p1 $0x1082;
	[sflag:s4] =	ssyncset.s32 $0xFFFFF086  }
0x25: {  	[simem:s6], [sflag:s4] =	dma.local [hbm:s3], $0xF7A  }
0x26: {  	[smem:$0x3F96] =	sst s1;
	(tag) =	ssettag s2;
	_ =	strace s9  }
0x27: {  	s1 =	sld [smem:$0x3FA6]  }
0x28: {  	s2 =	sld [smem:$0x3FA7]  }
0x29: {  	s4 =	sld [smem:$0x3FA9]  }
0x2a: {  	p0 =	seq.s32 s5, $0x0;
	s5 =	sld [smem:$0x3FAA]  }
0x2b: {  	s6 =	sld [smem:$0x3FAB]  }
0x2c: {  	s7 =	sld [smem:$0x3FAC]  }
0x2d: {  	s3 =	simm.s32 $0x108;
	s8 =	sld [smem:$0x3FAD]  }
0x2e: {  	s3 =	simm.s32 @!p0 $0x1082;
	s9 =	sld [smem:$0x3FAE]  }
0x2f: {  	lr =	sadd.s32 s0, s3;
	s0 =	sld [smem:$0x3FA5]  }
0x30: {  	s3 =	sld [smem:$0x3FA8]  }
0x31: {  	[smem:$0x3FB1] =	sst s10  }
0x32: {  	s10 =	sld [smem:$0x3FAF];
	_ =	sdelay $0x3  }
0x33: {  	p0 =	seq.s32 s10, $0x1;
	s10 =	sld [smem:$0x3FB1];
	_ =	sdelay $0x3  }
0x34: {  	[smem:$0x3FB1] =	sst s10  }
0x35: {  	s10 =	sld [smem:$0x3FB0];
	_ =	sdelay $0x3  }
0x36: {  	p1 =	seq.s32 s10, $0x1;
	s10 =	sld [smem:$0x3FB1];
	_ =	sdelay $0x3  }
0x37: {  	[smem:$0x3FB1] =	sst s10  }
0x38: {  	s10 =	sld [smem:$0x3FB2]  }
0x39: {  	_ = 	snop;
	(pc) =	sbr.ind lr, $3  }
0x3a: {  	_ = 	snop  }
0x3b: {  	_ = 	snop  }
0x3c: {  	p2 =	seq.s32 s10, $0x1;
	s10 =	sld [smem:$0x3FB1]  }
0x3d: {  	_ =	shalt  }
0x3e: {  	_ =	shalt  }
0x3f: {  	_ =	shalt  }
0x40: {  	_ =	shalt  }
0x41: {  	_ =	shalt  }
0x42: {  	_ =	shalt  }
0x43: {  	_ =	shalt  }
0x44: {  	_ =	shalt  }
0x45: {  	_ =	shalt  }
0x46: {  	_ =	shalt  }
0x47: {  	_ =	shalt  }
0x48: {  	_ =	shalt  }
0x49: {  	_ =	shalt  }
0x4a: {  	_ =	shalt  }
0x4b: {  	_ =	shalt  }
0x4c: {  	_ =	shalt  }
0x4d: {  	_ =	shalt  }
0x4e: {  	_ =	shalt  }
0x4f: {  	_ =	shalt  }
0x50: {  	_ =	shalt  }
0x51: {  	_ =	shalt  }
0x52: {  	_ =	shalt  }
0x53: {  	_ =	shalt  }
0x54: {  	_ =	shalt  }
0x55: {  	_ =	shalt  }
0x56: {  	_ =	shalt  }
0x57: {  	_ =	shalt  }
0x58: {  	_ =	shalt  }
0x59: {  	_ =	shalt  }
0x5a: {  	_ =	shalt  }
0x5b: {  	_ =	shalt  }
0x5c: {  	_ =	shalt  }
0x5d: {  	_ =	shalt  }
0x5e: {  	_ =	shalt  }
0x5f: {  	_ =	shalt  }
0x60: {  	_ =	shalt  }
0x61: {  	_ =	shalt  }
0x62: {  	_ =	shalt  }
0x63: {  	_ =	shalt  }
0x64: {  	_ =	shalt  }
0x65: {  	_ =	shalt  }
0x66: {  	_ =	shalt  }
0x67: {  	_ =	shalt  }
0x68: {  	_ =	shalt  }
0x69: {  	_ =	shalt  }
0x6a: {  	_ =	shalt  }
0x6b: {  	_ =	shalt  }
0x6c: {  	_ =	shalt  }
0x6d: {  	_ =	shalt  }
0x6e: {  	_ =	shalt  }
0x6f: {  	_ =	shalt  }
0x70: {  	_ =	shalt  }
0x71: {  	_ =	shalt  }
0x72: {  	_ =	shalt  }
0x73: {  	_ =	shalt  }
0x74: {  	_ =	shalt  }
0x75: {  	_ =	shalt  }
0x76: {  	_ =	shalt  }
0x77: {  	_ =	shalt  }
0x78: {  	_ =	shalt  }
0x79: {  	_ =	shalt  }
0x7a: {  	_ =	shalt  }
0x7b: {  	_ =	shalt  }
0x7c: {  	_ =	shalt  }
0x7d: {  	_ =	shalt  }
0x7e: {  	_ =	shalt  }
0x7f: {  	_ =	shalt  }
0x80: {  	_ =	shalt  }
0x81: {  	_ =	shalt  }
0x82: {  	_ =	shalt  }
0x83: {  	_ =	shalt  }
0x84: {  	_ =	shalt  }
0x85: {  	_ =	shalt  }
0x86: {  	_ =	shalt  }
0x87: {  	_ =	shalt  }
.Lfunc_end0:
.L_simem_size_0:
called_computation_lowered:
.L_overlay_start_0:
0x88: {  	s2 =	sld [smem:$0x3FD9]  }
0x89: {  	s3 =	sld [smem:$0x3FFE];
	_ =	sdelay $0x1  }
0x8a: {  	s1 =	srdreg.scid  }
0x8b: {  	s0 =	sand.u32 $0x1, s1  }
0x8c: {  	s14 =	sshll.u32 s0, $0xA;
	s2 =	sadd.s32 s3, s2  }
0x8d: {  	s2 =	sadd.s32 s2, s14  }
0x8e: {  	[smem:$0x3FBD] =	sst s2  }
0x8f: {  	_ = 	snop  }
0x90: {  	s2 =	sld [smem:$0x3FD0];
	_ =	sdelay $0x2  }
0x91: {  	s15 =	simm.s32 $0xB;
	s4 =	simm.s32 $0x10  }
0x92: {  	[smem:s4], [sflag:s15] =	dma.local [hbm:s2], $0x1  }
0x93: {  	_ =	swait.eq [sflag:s15], $0x1  }
0x94: {  	[sflag:s15] =	ssyncset.done $0x0  }
0x95: {  	s16 =	sld [smem:$0x10];
	[sflag:s15] =	ssyncadd.s32 $0xFFFFFFFF  }
0x96: {  	s17 =	sld [smem:$0x11];
	(tm) =	ssettm $0x1  }
0x97: {  	s18 =	sld [smem:$0x3FFB];
	_ =	sdelay $0x3  }
0x98: {  	_ =	strace s18  }
0x99: {  	s4 =	sld [smem:$0x3FFC];
	_ =	sdelay $0x3  }
0x9a: {  	_ =	strace s4  }
0x9b: {  	s4 =	sld [smem:$0x3FFD];
	_ =	sdelay $0x3  }
0x9c: {  	_ =	strace s4  }
0x9d: {  	_ =	strace $0x8FFFFFFF  }
0x9e: {  	s19 =	sld [smem:$0x3FDB];
	_ =	sdelay $0x1  }
0x9f: {  	s5 =	simm.s32 $_scs_section_size  }
0xa0: {  	s6 =	simm.s32 $_size__tile_overlayer_lowered;
	s7 =	simm.s32 $_tile_overlayer_lowered  }
0xa1: {  	s22 =	simm.s32 $0x1BFF;
	s21 =	sshll.u32 s7, $0x1;
	s4 =	sadd.s32 s5, s19  }
0xa2: {  	s8 =	simm.s32 $0x0;
	s20 =	sshll.u32 s6, $0x1;
	s6 =	sadd.s32 s21, s4  }
0xa3: {  	[timem:s8], [sflag:s22] =	dma.local [hbm:s6], s20  }
0xa4: {  	_ =	swait.ge [sflag:s22], s20  }
0xa5: {  	s5 =	ssub.s32 $0x0, s20;
	[sflag:s22] =	ssyncset.done $0x0  }
0xa6: {  	[sflag:s22] =	ssyncadd.s32 s5;
	_ =	sdelay $0x1  }
0xa7: {  	s23 =	simm.s32 $0x1B8B  }
0xa8: {  	_ =	swait.ge [sflag:s23], $0x1  }
0xa9: {  	[sflag:s23] =	ssyncset.done $0x0  }
0xaa: {  	s25 =	simm.s32 $0x1B8E;
	s24 =	sld [smem:$0x3FFE];
	[sflag:s23] =	ssyncadd.s32 $0xFFFFFFFF  }
0xab: {  	s26 =	simm.s32 $execute0_lowered;
	[smem:$0x3FD2] =	sst s25  }
0xac: {  	s6 =	sshll.u32 s26, $0x1;
	_ =	strace $0x80000046;
	[dreg:$0x1] =	wrdreg $0xFFFFFFFF  }
0xad: {  	s28 =	simm.s32 $_size_execute0_lowered;
	s4 =	sadd.s32 s4, s6;
	[dreg:$0x0] =	wrdreg $0x0  }
0xae: {  	s6 =	sshll.u32 s28, $0x1;
	[dreg:$0x2] =	wrdreg s4  }
0xaf: {  	[dreg:$0x3] =	wrdreg s6  }
0xb0: {  	[dreg:$0x4] =	wrdreg $0xC0  }
0xb1: {  	_ =	task [dreg:s8], $0x5FFFF  }
0xb2: {  	[dreg:$0x1] =	wrdreg $0xFFFFFFFF  }
0xb3: {  	[dreg:$0x0] =	wrdreg $0x60  }
0xb4: {  	[dreg:$0x2] =	wrdreg s24  }
0xb5: {  	[dreg:$0x3] =	wrdreg s17  }
0xb6: {  	[dreg:$0x4] =	wrdreg s16  }
0xb7: {  	[dreg:$0x5] =	wrdreg $0x78A00  }
0xb8: {  	[dreg:$0x6] =	wrdreg $0x114E00  }
0xb9: {  	[dreg:$0x7] =	wrdreg $0x9  }
0xba: {  	_ =	task.clear_ibuf [dreg:s8], $0x8FFFF;
	_ =	strace $0x90000046  }
0xbb: {  	s29 =	simm.s32 $0x9;
	_ =	strace $0x80000048  }
0xbc: {  	_ =	swait.ge [sflag:s29], $0x1  }
0xbd: {  	[sflag:s29] =	ssyncadd.s32 $0xFFFFFFFF  }
0xbe: {  	_ =	strace $0x90000048  }
0xbf: {  	_ =	sfence  }
0xc0: {  	s30 =	sld [smem:$0x0];
	_ =	sdelay $0x2  }
0xc1: {  	s31 =	sshll.u32 s1, $0xD;
	s1 =	sshrl.u32 s1, $0x2  }
0xc2: {  	s3 =	sand.u32 $0x4000, s31;
	s1 =	sadd.s32 s1, s30  }
0xc3: {  	s0 =	sor.u32 s3, s0;
	s1 =	sshll.u32 s1, $0x11  }
0xc4: {  	s0 =	sor.u32 s1, s0  }
0xc5: {  	s0 =	sadd.s32 $0x8F2B, s0  }
0xc6: {  	[sflag:s0] =	ssyncadd.remote.s32 $0x1  }
0xc7: {  	_ =	sfence.sel $0xFFFF  }
0xc8: {  	[dreg:$0x0] =	wrdreg $0xFFFFFFFF;
	(pc) =	sbr.abs _section_cstart, $3  }
0xc9: {  	[dreg:$0x1] =	wrdreg $0xFFFFFFFF  }
0xca: {  	_ =	task.clear_ibuf [dreg:s8], $0x2FFFF;
	_ =	strace $0x9FFFFFFF  }
0xcb: {  	(tm) =	ssettm $0x7FFFFFFF  }
tec
execute0_lowered:
.L_overlay_start_1:
0x0: {  	(tag) =	ssettag $0x1  }
0x1: {  	s9 =	rddreg [dreg:$0x0]  }
0x2: {  	s11 =	rddreg [dreg:$0x1]  }
0x3: {  	s12 =	rddreg [dreg:$0x2]  }
0x4: {  	s2 =	rddreg [dreg:$0x3]  }
0x5: {  	s0 =	srdreg.scid;
	s3 =	rddreg [dreg:$0x4]  }
0x6: {  	s4 =	simm.s32 $0x0;
	s10 =	sand.u32 $0x1, s0;
	s0 =	stileid.u32  }
0x7: {  	[smem:$0x7FF] =	sst s4;
	s15 =	smul.u32 $0x2710, s10  }
0x8: {  	s6 =	sadd.s32 $0x20A00, s9;
	s7 =	sadd.s32 $0x21E00, s9;
	s18 =	smul.u32 $0x13880, s0  }
0x9: {  	s8 =	sadd.s32 $0x22200, s9;
	s1 =	sshll.u32 s10, $0x4;
	s19 =	smul.u32 $0x1388, s0  }
0xa: {  	s16 =	ssub.s32 $0x2, s10;
	s30 =	sshll.u32 s0, $0x6;
	s31 =	smul.u32 $0x13880, s10  }
0xb: {  	s5 =	sor.u32 s0, s1;
	s1 =	rddreg [dreg:$0x5];
	_ =	strace $0x80000047  }
0xc: {  	s17 =	sshrl.u32 s16, $0x1;
	s13 =	smul.u32 $0x4E2, s5;
	s5 =	sadd.s32 $0x3200, s9  }
0xd: {  	s15 =	sadd.s32 s15, s9;
	s16 =	ssub.s32 s16, s17;
	s29 =	sshrl.u32 s18, $0x1  }
0xe: {  	s21 =	sadd.s32 s19, s3;
	s22 =	sadd.s32 s12, s31;
	s23 =	sshrl.u32 s18, $0x4  }
0xf: {  	s25 =	sshrl.u32 s19, $0x3;
	s17 =	simm.s32 $0x2710;
	s18 =	simm.s32 $0x50  }
0x10: {  	s19 =	simm.s32 $0x4E20;
	s20 =	sadd.s32 s29, s2;
	s24 =	sadd.s32 $0x22400, s15  }
0x11: {  	s12 =	smax.u32 s16, $0x1;
	s15 =	sshrl.u32 s21, $0x3;
	s16 =	simm.s32 $0x7620  }
0x12: {  	s21 =	simm.s32 $0x6220;
	s22 =	sadd.s32 s23, s22;
	s23 =	simm.s32 $0x4DD0  }
0x13: {  	s14 =	sadd.s32 s13, s9;
	s9 =	sor.u32 $0x1C02, s30;
	s11 =	sadd.s32 s11, s13  }
0x14: {  	s13 =	sshrl.u32 s20, $0x3;
	s20 =	simm.s32 $0x1;
	s24 =	sadd.s32 s25, s24  }
0x15: {  	s25 =	simm.s32 $0x0;
	s10 =	sadd.s32 $0x16C00, s14;
	s14 =	simm.s32 $0x2  }
.LBB2_1:
0x16: {  	[spmem:s13], [sflag:s9] =	dma.local [hbm:s6], $0x1388  }
0x17: {  	_ =	swait.ge [sflag:s14], $0x1388  }
0x18: {  	[sflag:s14] =	ssyncset.done $0x0  }
0x19: {  	[sflag:s14] =	ssyncadd.s32 $0xFFFFEC78  }
0x1a: {  	[spmem:s15], [sflag:s9] =	dma.local [hbm:s7], $0x271  }
0x1b: {  	_ =	swait.ge [sflag:s14], $0x271  }
0x1c: {  	[sflag:s14] =	ssyncset.done $0x0  }
0x1d: {  	[sflag:s14] =	ssyncadd.s32 $0xFFFFFD8F  }
0x1e: {  	[tilespmem:s16], [sflag:$0x2] =	stream.linear.gather [hbm4b:s8+s4], $0x280, $0x38;
	[tilespmem:$0x12868] =	vst v63  }
0x1f: {  	_ =	swait.ge [sflag:s14], $0x280  }
0x20: {  	[sflag:s14] =	ssyncset.done $0x0  }
0x21: {  	[sflag:s14] =	ssyncadd.s32 $0xFFFFFD80  }
0x22: {  	[tilespmem:s4], [sflag:$0x2] =	stream.linear.gather [hbm4b:s10+s4], $0x2710, $0x38;
	[tilespmem:$0x12868] =	vst v63  }
0x23: {  	_ =	swait.ge [sflag:s14], $0x2710  }
0x24: {  	[sflag:s14] =	ssyncset.done $0x0  }
0x25: {  	[sflag:s14] =	ssyncadd.s32 $0xFFFFD8F0  }
0x26: {  	[tilespmem:s17], [sflag:$0x2] =	stream.linear.gather [hbm4b:s11+s4], $0x2710, $0x38;
	[tilespmem:$0x12868] =	vst v63  }
0x27: {  	_ =	swait.ge [sflag:s14], $0x2710  }
0x28: {  	[sflag:s14] =	ssyncset.done $0x0  }
0x29: {  	[sflag:s14] =	ssyncadd.s32 $0xFFFFD8F0  }
0x2a: {  	[bflag:$0x0] =	sbarrier.arrive $0xFFFF  }
0x2b: {  	[tilespmem:s19], [sflag:$0x1] =	stream.indirect.gather [hbm4b:s5+s18], $0x40, s4, s18, $0xb8;
	[tilespmem:$0x12868] =	vst v63  }
0x2c: {  	_ =	swait.ge [sflag:s20], $0x1400  }
0x2d: {  	[sflag:s20] =	ssyncset.done $0x0  }
0x2e: {  	s26 =	simm.s32 $0x50;
	[sflag:s20] =	ssyncadd.s32 $0xFFFFEC00  }
0x2f: {  	[tilespmem:s21], [sflag:$0x1] =	stream.indirect.gather [hbm4b:s5+s18], $0x40, s26, s18, $0xb8;
	[tilespmem:$0x12868] =	vst v63  }
0x30: {  	s29 =	simm.s32 $0x2710  }
0x31: {  	[spmem:s2] =	stream.indirect.scatter.add.bf16 [tilespmem:s19], [sflag:$0x2], $0x40, s29, s18, $0xb8;
	[tilespmem:$0x12868] =	vst v63  }
0x32: {  	_ =	swait.ge [sflag:s14], $0x1400  }
0x33: {  	[sflag:s14] =	ssyncset.done $0x0  }
0x34: {  	[sflag:s14] =	ssyncadd.s32 $0xFFFFEC00  }
0x35: {  	[spmem:s3] =	stream.indirect.scatter.add.f32 [tilespmem:s16], [sflag:$0x2], $0x8, s29, s18, $0xb8;
	[tilespmem:$0x12868] =	vst v63  }
0x36: {  	_ =	swait.ge [sflag:s14], $0x280  }
0x37: {  	[sflag:s14] =	ssyncset.done $0x0  }
0x38: {  	[sflag:s14] =	ssyncadd.s32 $0xFFFFFD80  }
0x39: {  	_ =	swait.ge [sflag:s20], $0x1400  }
0x3a: {  	[sflag:s20] =	ssyncset.done $0x0  }
0x3b: {  	s30 =	simm.s32 $0xA0;
	[sflag:s20] =	ssyncadd.s32 $0xFFFFEC00  }
0x3c: {  	[tilespmem:s19], [sflag:$0x1] =	stream.indirect.gather [hbm4b:s5+s18], $0x40, s30, s18, $0xb8;
	[tilespmem:$0x12868] =	vst v63  }
0x3d: {  	s31 =	simm.s32 $0x2760  }
0x3e: {  	[spmem:s2] =	stream.indirect.scatter.add.bf16 [tilespmem:s21], [sflag:$0x2], $0x40, s31, s18, $0xb8;
	[tilespmem:$0x12868] =	vst v63  }
0x3f: {  	_ =	swait.ge [sflag:s14], $0x1400  }
0x40: {  	[sflag:s14] =	ssyncset.done $0x0  }
0x41: {  	[sflag:s14] =	ssyncadd.s32 $0xFFFFEC00  }
0x42: {  	[spmem:s3] =	stream.indirect.scatter.add.f32 [tilespmem:s16], [sflag:$0x2], $0x8, s31, s18, $0xb8;
	[tilespmem:$0x12868] =	vst v63  }
0x43: {  	_ =	swait.ge [sflag:s14], $0x280  }
0x44: {  	[sflag:s14] =	ssyncset.done $0x0  }
0x45: {  	[sflag:s14] =	ssyncadd.s32 $0xFFFFFD80  }
0x46: {  	_ =	swait.ge [sflag:s20], $0x1400  }
0x47: {  	s28 =	simm.s32 $0x500;
	s26 =	simm.s32 $0xA0;
	[sflag:s20] =	ssyncset.done $0x0  }
.LBB2_2:
0x48: {  	s29 =	sadd.s32 $0x50, s26  }
0x49: {  	[sflag:s20] =	ssyncadd.s32 $0xFFFFEC00;
	s30 =	smov.u32 s28;
	s31 =	sadd.s32 $0x280, s28  }
0x4a: {  	[tilespmem:s21], [sflag:$0x1] =	stream.indirect.gather [hbm4b:s5+s18], $0x40, s29, s18, $0xb8;
	[tilespmem:$0x12868] =	vst v63  }
0x4b: {  	p0 =	sne.s32 s28, $0x9880;
	s28 =	sadd.s32 $0x2710, s26  }
0x4c: {  	[spmem:s2] =	stream.indirect.scatter.add.bf16 [tilespmem:s19], [sflag:$0x2], $0x40, s28, s18, $0xb8;
	[tilespmem:$0x12868] =	vst v63  }
0x4d: {  	_ =	swait.ge [sflag:s14], $0x1400  }
0x4e: {  	[sflag:s14] =	ssyncset.done $0x0  }
0x4f: {  	[sflag:s14] =	ssyncadd.s32 $0xFFFFEC00  }
0x50: {  	[spmem:s3] =	stream.indirect.scatter.add.f32 [tilespmem:s16], [sflag:$0x2], $0x8, s28, s18, $0xb8;
	[tilespmem:$0x12868] =	vst v63  }
0x51: {  	_ =	swait.ge [sflag:s14], $0x280  }
0x52: {  	[sflag:s14] =	ssyncset.done $0x0  }
0x53: {  	[sflag:s14] =	ssyncadd.s32 $0xFFFFFD80  }
0x54: {  	_ =	swait.ge [sflag:s20], $0x1400  }
0x55: {  	[sflag:s20] =	ssyncset.done $0x0  }
0x56: {  	s28 =	sadd.s32 $0xA0, s26;
	[sflag:s20] =	ssyncadd.s32 $0xFFFFEC00  }
0x57: {  	[tilespmem:s19], [sflag:$0x1] =	stream.indirect.gather [hbm4b:s5+s18], $0x40, s28, s18, $0xb8;
	[tilespmem:$0x12868] =	vst v63  }
0x58: {  	s26 =	sadd.s32 $0x2760, s26  }
0x59: {  	[spmem:s2] =	stream.indirect.scatter.add.bf16 [tilespmem:s21], [sflag:$0x2], $0x40, s26, s18, $0xb8;
	[tilespmem:$0x12868] =	vst v63  }
0x5a: {  	_ =	swait.ge [sflag:s14], $0x1400  }
0x5b: {  	[sflag:s14] =	ssyncset.done $0x0  }
0x5c: {  	[sflag:s14] =	ssyncadd.s32 $0xFFFFEC00  }
0x5d: {  	[spmem:s3] =	stream.indirect.scatter.add.f32 [tilespmem:s16], [sflag:$0x2], $0x8, s26, s18, $0xb8;
	[tilespmem:$0x12868] =	vst v63  }
.Ltmp0:
0x5e: {  	_ =	swait.ge [sflag:s14], $0x280;
	(pc) =	sbr.rel @p0 .LBB2_2-.Ltmp0, $4  }
0x5f: {  	[sflag:s14] =	ssyncset.done $0x0  }
0x60: {  	[sflag:s14] =	ssyncadd.s32 $0xFFFFFD80  }
0x61: {  	_ =	swait.ge [sflag:s20], $0x1400  }
0x62: {  	s28 =	smov.u32 s31;
	s26 =	sshra.s32 s30, $0x2;
	[sflag:s20] =	ssyncset.done $0x0  }
0x63: {  	s28 =	sadd.s32 $0x50, s26;
	[sflag:s20] =	ssyncadd.s32 $0xFFFFEC00  }
0x64: {  	[tilespmem:s21], [sflag:$0x1] =	stream.indirect.gather [hbm4b:s5+s18], $0x40, s28, s18, $0xb8;
	[tilespmem:$0x12868] =	vst v63  }
0x65: {  	s29 =	sadd.s32 $0x2710, s26  }
0x66: {  	[spmem:s2] =	stream.indirect.scatter.add.bf16 [tilespmem:s19], [sflag:$0x2], $0x40, s29, s18, $0xb8;
	[tilespmem:$0x12868] =	vst v63  }
0x67: {  	_ =	swait.ge [sflag:s14], $0x1400  }
0x68: {  	[sflag:s14] =	ssyncset.done $0x0  }
0x69: {  	[sflag:s14] =	ssyncadd.s32 $0xFFFFEC00  }
0x6a: {  	[spmem:s3] =	stream.indirect.scatter.add.f32 [tilespmem:s16], [sflag:$0x2], $0x8, s29, s18, $0xb8;
	[tilespmem:$0x12868] =	vst v63  }
0x6b: {  	_ =	swait.ge [sflag:s14], $0x280  }
0x6c: {  	[sflag:s14] =	ssyncset.done $0x0  }
0x6d: {  	[sflag:s14] =	ssyncadd.s32 $0xFFFFFD80  }
0x6e: {  	_ =	swait.ge [sflag:s20], $0x1400  }
0x6f: {  	[sflag:s20] =	ssyncset.done $0x0  }
0x70: {  	s30 =	sadd.s32 $0xA0, s26;
	[sflag:s20] =	ssyncadd.s32 $0xFFFFEC00  }
0x71: {  	[tilespmem:s19], [sflag:$0x1] =	stream.indirect.gather [hbm4b:s5+s18], $0x40, s30, s18, $0xb8;
	[tilespmem:$0x12868] =	vst v63  }
0x72: {  	s31 =	sadd.s32 $0x2760, s26  }
0x73: {  	[spmem:s2] =	stream.indirect.scatter.add.bf16 [tilespmem:s21], [sflag:$0x2], $0x40, s31, s18, $0xb8;
	[tilespmem:$0x12868] =	vst v63  }
0x74: {  	_ =	swait.ge [sflag:s14], $0x1400  }
0x75: {  	[sflag:s14] =	ssyncset.done $0x0  }
0x76: {  	[sflag:s14] =	ssyncadd.s32 $0xFFFFEC00  }
0x77: {  	[spmem:s3] =	stream.indirect.scatter.add.f32 [tilespmem:s16], [sflag:$0x2], $0x8, s31, s18, $0xb8;
	[tilespmem:$0x12868] =	vst v63  }
0x78: {  	_ =	swait.ge [sflag:s14], $0x280  }
0x79: {  	[sflag:s14] =	ssyncset.done $0x0  }
0x7a: {  	[sflag:s14] =	ssyncadd.s32 $0xFFFFFD80  }
0x7b: {  	_ =	swait.ge [sflag:s20], $0x1400  }
0x7c: {  	[sflag:s20] =	ssyncset.done $0x0  }
0x7d: {  	[sflag:s20] =	ssyncadd.s32 $0xFFFFEC00  }
0x7e: {  	[spmem:s2] =	stream.indirect.scatter.add.bf16 [tilespmem:s19], [sflag:$0x2], $0x40, s23, s18, $0xb8;
	[tilespmem:$0x12868] =	vst v63  }
0x7f: {  	_ =	swait.ge [sflag:s14], $0x1400  }
0x80: {  	[sflag:s14] =	ssyncset.done $0x0  }
0x81: {  	[sflag:s14] =	ssyncadd.s32 $0xFFFFEC00  }
0x82: {  	[spmem:s3] =	stream.indirect.scatter.add.f32 [tilespmem:s16], [sflag:$0x2], $0x8, s23, s18, $0xb8;
	[tilespmem:$0x12868] =	vst v63  }
0x83: {  	_ =	swait.ge [sflag:s14], $0x280  }
0x84: {  	[sflag:s14] =	ssyncset.done $0x0  }
0x85: {  	[sflag:s14] =	ssyncadd.s32 $0xFFFFFD80  }
0x86: {  	[bflag:$0x0] =	sbarrier.arrive $0xFFFF  }
0x87: {  	[hbm:s22], [sflag:s9] =	dma.local [spmem:s13], $0x1388  }
0x88: {  	s25 =	sadd.s32 $0x1, s25;
	_ =	swait.ge [sflag:s14], $0x1388  }
0x89: {  	p0 =	sne.s32 s25, s12;
	[sflag:s14] =	ssyncset.done $0x0  }
.Ltmp1:
0x8a: {  	[sflag:s14] =	ssyncadd.s32 $0xFFFFEC78;
	(pc) =	sbr.rel @p0 .LBB2_1-.Ltmp1, $4  }
0x8b: {  	[hbm:s24], [sflag:s9] =	dma.local [spmem:s15], $0x271  }
0x8c: {  	_ =	swait.ge [sflag:s14], $0x271  }
0x8d: {  	[sflag:s14] =	ssyncset.done $0x0  }
0x8e: {  	[sflag:s14] =	ssyncadd.s32 $0xFFFFFD8F  }
0x8f: {  	_ =	sfence.sel $0x180000  }
0x90: {  	[bflag:$0x0] =	sbarrier.arrive $0xFFFF  }
0x91: {  	p0 =	sne.s32 s0, $0x0;
	_ =	strace $0x90000047  }
0x92: {  	s0 =	sadd.s32 @!p0 $0x100000, s1;
	[bflag:$0x2] =	sbarrier.arrive $0xFFFF  }
0x93: {  	[sflag:s0] =	ssyncadd.tile.s32 @!p0 $0x1;
	_ =	shalt  }
.Lfunc_end2:
_tile_overlayer_lowered:
.L_overlay_start_2:
0x94: {  	(tag) =	ssettag $0x2  }
0x95: {  	s0 =	rddreg [dreg:$0x0];
	s2 =	stileid.u32  }
0x96: {  	s1 =	rddreg [dreg:$0x1];
	p0 =	sne.s32 s2, $0x0  }
0x97: {  	s3 =	rddreg [dreg:$0x2];
	[bflag:$0x3] =	sbarrier.arrive $0xFFFF;
	s2 =	simm.s32 @!p0 $0x1C02  }
0x98: {  	[timem:s3], [sflag:s2] =	dma.local @!p0 [hbm:s0], s1  }
0x99: {  	s0 =	simm.s32 @!p0 $0x2  }
0x9a: {  	_ =	swait.ge @!p0 [sflag:s0], s1  }
0x9b: {  	s1 =	ssub.s32 @!p0 $0x0, s1;
	[sflag:s0] =	ssyncset.done @!p0 $0x0  }
0x9c: {  	[sflag:s0] =	ssyncadd.s32 @!p0 s1  }
0x9d: {  	[bflag:$0x3] =	sbarrier.arrive $0xFFFF  }
0x9e: {  	_ =	shalt  }

// kernel: sc_seg_g1.3.cloned.1.call-start
scs
__scs_entry_jumppad:
0x0: {  	(pc) =	sbr.rel $0x88, $3  }
0x1: {  	(tag) =	ssettag $0x0;
	lr =	simm.s32 $0x1  }
0x2: {  	[smem:$0x3F96] =	sst lr;
	_ =	strace $0xD0000000  }
0x3: {  	_ = 	snop  }
0x4: {  	_ = 	snop  }
0x5: {  	_ = 	snop  }
0x6: {  	_ = 	snop  }
0x7: {  	_ = 	snop  }
__scs_overlays_trampoline_lowered:
0x8: {  	[smem:$0x3FA5] =	sst s0  }
0x9: {  	[smem:$0x3FA6] =	sst s1  }
0xa: {  	[smem:$0x3FA7] =	sst s2  }
0xb: {  	[smem:$0x3FA8] =	sst s3  }
0xc: {  	[smem:$0x3FA9] =	sst s4  }
0xd: {  	[smem:$0x3FAA] =	sst s5  }
0xe: {  	[smem:$0x3FAB] =	sst s6  }
0xf: {  	[smem:$0x3FAC] =	sst s7  }
0x10: {  	[smem:$0x3FAD] =	sst s8  }
0x11: {  	[smem:$0x3FAE] =	sst s9;
	s0 =	simm.s32 @!p0 $0x0  }
0x12: {  	s1 =	sld [smem:$0x3F94];
	s0 =	simm.s32 @p0 $0x1  }
0x13: {  	[smem:$0x3FAF] =	sst s0;
	s0 =	simm.s32 @!p1 $0x0  }
0x14: {  	s2 =	sld [smem:$0x3F93];
	s0 =	simm.s32 @p1 $0x1  }
0x15: {  	[smem:$0x3FB0] =	sst s0;
	s0 =	simm.s32 @!p2 $0x0  }
0x16: {  	s3 =	sld [smem:$0x3FDB];
	s0 =	simm.s32 @p2 $0x1  }
0x17: {  	s4 =	simm.s32 $0x1BF5;
	[smem:$0x3FB2] =	sst s0  }
0x18: {  	s0 =	sld [smem:$0x3F95];
	_ =	swait.ge [sflag:s4], $0x0  }
0x19: {  	s7 =	sld [smem:$0x3F96]  }
0x1a: {  	s8 =	sadd.s32 $0xFFFFE003, lr  }
0x1b: {  	s9 =	sadd.s32 $0xFFFFFEF7, lr;
	s5 =	simm.s32 $0xFFFFFFFF;
	p2 =	slt.u32 s8, $0xFFFFF086  }
0x1c: {  	p1 =	slt.u32 s9, $0xF7A;
	s5 =	simm.s32 @!p2 $0x0  }
0x1d: {  	s5 =	simm.s32 @p1 $0x1;
	p0 =	seq.s32 s7, s2  }
0x1e: {  	s7 =	smul.u32 @!p0 $0xF7A, s2;
	p2 =	seq.s32 @!p0 s5, $0x0  }
0x1f: {  	s9 =	smul.u32 $0xF7A, s1;
	s8 =	simm.s32 @!p0 $0x1BF5;
	p2 =	por !p2, p0  }
0x20: {  	[sflag:s8] =	ssyncset.s32 @!p0 $0xFFFFF086;
	s6 =	sadd.s32 @!p0 s3, s7;
	s7 =	simm.s32 @!p0 $0x108  }
0x21: {  	s3 =	sadd.s32 s3, s9;
	s6 =	sadd.s32 @!p0 $0x88, s6;
	s7 =	simm.s32 @p2 $0x1082  }
0x22: {  	[simem:s7], [sflag:s8] =	dma.local @!p0 [hbm:s6], $0xF7A  }
0x23: {  	s9 =	sor.u32 $0xD0000000, s2;
	s6 =	simm.s32 $0x108;
	_ =	swait.ge @!p0 [sflag:s8], $0x0  }
0x24: {  	s3 =	sadd.s32 $0x88, s3;
	s6 =	simm.s32 @!p1 $0x1082;
	[sflag:s4] =	ssyncset.s32 $0xFFFFF086  }
0x25: {  	[simem:s6], [sflag:s4] =	dma.local [hbm:s3], $0xF7A  }
0x26: {  	[smem:$0x3F96] =	sst s1;
	(tag) =	ssettag s2;
	_ =	strace s9  }
0x27: {  	s1 =	sld [smem:$0x3FA6]  }
0x28: {  	s2 =	sld [smem:$0x3FA7]  }
0x29: {  	s4 =	sld [smem:$0x3FA9]  }
0x2a: {  	p0 =	seq.s32 s5, $0x0;
	s5 =	sld [smem:$0x3FAA]  }
0x2b: {  	s6 =	sld [smem:$0x3FAB]  }
0x2c: {  	s7 =	sld [smem:$0x3FAC]  }
0x2d: {  	s3 =	simm.s32 $0x108;
	s8 =	sld [smem:$0x3FAD]  }
0x2e: {  	s3 =	simm.s32 @!p0 $0x1082;
	s9 =	sld [smem:$0x3FAE]  }
0x2f: {  	lr =	sadd.s32 s0, s3;
	s0 =	sld [smem:$0x3FA5]  }
0x30: {  	s3 =	sld [smem:$0x3FA8]  }
0x31: {  	[smem:$0x3FB1] =	sst s10  }
0x32: {  	s10 =	sld [smem:$0x3FAF];
	_ =	sdelay $0x3  }
0x33: {  	p0 =	seq.s32 s10, $0x1;
	s10 =	sld [smem:$0x3FB1];
	_ =	sdelay $0x3  }
0x34: {  	[smem:$0x3FB1] =	sst s10  }
0x35: {  	s10 =	sld [smem:$0x3FB0];
	_ =	sdelay $0x3  }
0x36: {  	p1 =	seq.s32 s10, $0x1;
	s10 =	sld [smem:$0x3FB1];
	_ =	sdelay $0x3  }
0x37: {  	[smem:$0x3FB1] =	sst s10  }
0x38: {  	s10 =	sld [smem:$0x3FB2]  }
0x39: {  	_ = 	snop;
	(pc) =	sbr.ind lr, $3  }
0x3a: {  	_ = 	snop  }
0x3b: {  	_ = 	snop  }
0x3c: {  	p2 =	seq.s32 s10, $0x1;
	s10 =	sld [smem:$0x3FB1]  }
0x3d: {  	_ =	shalt  }
0x3e: {  	_ =	shalt  }
0x3f: {  	_ =	shalt  }
0x40: {  	_ =	shalt  }
0x41: {  	_ =	shalt  }
0x42: {  	_ =	shalt  }
0x43: {  	_ =	shalt  }
0x44: {  	_ =	shalt  }
0x45: {  	_ =	shalt  }
0x46: {  	_ =	shalt  }
0x47: {  	_ =	shalt  }
0x48: {  	_ =	shalt  }
0x49: {  	_ =	shalt  }
0x4a: {  	_ =	shalt  }
0x4b: {  	_ =	shalt  }
0x4c: {  	_ =	shalt  }
0x4d: {  	_ =	shalt  }
0x4e: {  	_ =	shalt  }
0x4f: {  	_ =	shalt  }
0x50: {  	_ =	shalt  }
0x51: {  	_ =	shalt  }
0x52: {  	_ =	shalt  }
0x53: {  	_ =	shalt  }
0x54: {  	_ =	shalt  }
0x55: {  	_ =	shalt  }
0x56: {  	_ =	shalt  }
0x57: {  	_ =	shalt  }
0x58: {  	_ =	shalt  }
0x59: {  	_ =	shalt  }
0x5a: {  	_ =	shalt  }
0x5b: {  	_ =	shalt  }
0x5c: {  	_ =	shalt  }
0x5d: {  	_ =	shalt  }
0x5e: {  	_ =	shalt  }
0x5f: {  	_ =	shalt  }
0x60: {  	_ =	shalt  }
0x61: {  	_ =	shalt  }
0x62: {  	_ =	shalt  }
0x63: {  	_ =	shalt  }
0x64: {  	_ =	shalt  }
0x65: {  	_ =	shalt  }
0x66: {  	_ =	shalt  }
0x67: {  	_ =	shalt  }
0x68: {  	_ =	shalt  }
0x69: {  	_ =	shalt  }
0x6a: {  	_ =	shalt  }
0x6b: {  	_ =	shalt  }
0x6c: {  	_ =	shalt  }
0x6d: {  	_ =	shalt  }
0x6e: {  	_ =	shalt  }
0x6f: {  	_ =	shalt  }
0x70: {  	_ =	shalt  }
0x71: {  	_ =	shalt  }
0x72: {  	_ =	shalt  }
0x73: {  	_ =	shalt  }
0x74: {  	_ =	shalt  }
0x75: {  	_ =	shalt  }
0x76: {  	_ =	shalt  }
0x77: {  	_ =	shalt  }
0x78: {  	_ =	shalt  }
0x79: {  	_ =	shalt  }
0x7a: {  	_ =	shalt  }
0x7b: {  	_ =	shalt  }
0x7c: {  	_ =	shalt  }
0x7d: {  	_ =	shalt  }
0x7e: {  	_ =	shalt  }
0x7f: {  	_ =	shalt  }
0x80: {  	_ =	shalt  }
0x81: {  	_ =	shalt  }
0x82: {  	_ =	shalt  }
0x83: {  	_ =	shalt  }
0x84: {  	_ =	shalt  }
0x85: {  	_ =	shalt  }
0x86: {  	_ =	shalt  }
0x87: {  	_ =	shalt  }
.Lfunc_end0:
.L_simem_size_0:
called_computation.1_lowered:
.L_overlay_start_0:
0x88: {  	s2 =	sld [smem:$0x3FD9]  }
0x89: {  	s3 =	sld [smem:$0x3FFE];
	_ =	sdelay $0x1  }
0x8a: {  	s1 =	srdreg.scid  }
0x8b: {  	s0 =	sand.u32 $0x1, s1  }
0x8c: {  	s17 =	sshll.u32 s0, $0xA;
	s2 =	sadd.s32 s3, s2  }
0x8d: {  	s2 =	sadd.s32 s2, s17  }
0x8e: {  	[smem:$0x3FBD] =	sst s2  }
0x8f: {  	_ = 	snop  }
0x90: {  	(tm) =	ssettm $0x1  }
0x91: {  	s18 =	sld [smem:$0x3FFB];
	_ =	sdelay $0x3  }
0x92: {  	_ =	strace s18  }
0x93: {  	s2 =	sld [smem:$0x3FFC];
	_ =	sdelay $0x3  }
0x94: {  	_ =	strace s2  }
0x95: {  	s2 =	sld [smem:$0x3FFD];
	_ =	sdelay $0x3  }
0x96: {  	_ =	strace s2  }
0x97: {  	_ =	strace $0x8FFFFFFF  }
0x98: {  	s19 =	sld [smem:$0x3FDB];
	_ =	sdelay $0x1  }
0x99: {  	s20 =	simm.s32 $_scs_section_size  }
0x9a: {  	s4 =	simm.s32 $_size__tile_overlayer_lowered;
	s5 =	simm.s32 $_tile_overlayer_lowered  }
0x9b: {  	s6 =	simm.s32 $0x1BFF;
	s21 =	sshll.u32 s5, $0x1;
	s3 =	sadd.s32 s20, s19  }
0x9c: {  	s22 =	simm.s32 $0x0;
	s4 =	sshll.u32 s4, $0x1;
	s5 =	sadd.s32 s21, s3  }
0x9d: {  	[timem:s22], [sflag:s6] =	dma.local [hbm:s5], s4  }
0x9e: {  	_ =	swait.ge [sflag:s6], s4  }
0x9f: {  	s4 =	ssub.s32 $0x0, s4;
	[sflag:s6] =	ssyncset.done $0x0  }
0xa0: {  	[sflag:s6] =	ssyncadd.s32 s4;
	_ =	sdelay $0x1  }
0xa1: {  	s23 =	simm.s32 $0x1B8B  }
0xa2: {  	_ =	swait.ge [sflag:s23], $0x1  }
0xa3: {  	[sflag:s23] =	ssyncset.done $0x0  }
0xa4: {  	[sflag:s23] =	ssyncadd.s32 $0xFFFFFFFF  }
0xa5: {  	s4 =	sld [smem:$0x0]  }
0xa6: {  	s5 =	sand.u32 $0xFFFFFFFE, s1  }
0xa7: {  	p0 =	sne.s32 s1, s5  }
0xa8: {  	s5 =	sshll.u32 @p0 s5, $0xE  }
0xa9: {  	s5 =	sadd.s32 @p0 $0x11B8D, s5;
	s6 =	sshll.u32 @p0 s4, $0x11  }
0xaa: {  	s5 =	sor.u32 @p0 s6, s5  }
0xab: {  	[sflag:s5] =	ssyncadd.remote.s32 @p0 $0x1;
	_ =	sdelay $0x1  }
0xac: {  	s5 =	simm.s32 @p0 $0x1B8D  }
0xad: {  	_ =	swait.eq @p0 [sflag:s5], $0x1  }
0xae: {  	[sflag:s5] =	ssyncadd.s32 @p0 $0xFFFFFFFF  }
0xaf: {  	s6 =	sshll.u32 @!p0 s1, $0xE  }
0xb0: {  	s6 =	sor.u32 @!p0 $0x4000, s6;
	s5 =	simm.s32 @!p0 $0x1B8D  }
0xb1: {  	s4 =	sshll.u32 @!p0 s4, $0x11;
	s6 =	sadd.s32 @!p0 $0x11B8D, s6;
	_ =	swait.eq @!p0 [sflag:s5], $0x1  }
0xb2: {  	s4 =	sor.u32 @!p0 s4, s6;
	[sflag:s5] =	ssyncadd.s32 @!p0 $0xFFFFFFFF  }
0xb3: {  	s25 =	simm.s32 $0x1B8E;
	s24 =	sld [smem:$0x3FFE];
	[sflag:s4] =	ssyncadd.remote.s32 @!p0 $0x1  }
0xb4: {  	s26 =	simm.s32 $execute0_lowered;
	[smem:$0x3FD2] =	sst s25  }
0xb5: {  	s5 =	sshll.u32 s26, $0x1;
	_ =	strace $0x80000049;
	[dreg:$0x1] =	wrdreg $0xFFFFFFFF  }
0xb6: {  	s28 =	simm.s32 $_size_execute0_lowered;
	s3 =	sadd.s32 s3, s5;
	[dreg:$0x0] =	wrdreg $0x0  }
0xb7: {  	s5 =	sshll.u32 s28, $0x1;
	[dreg:$0x2] =	wrdreg s3  }
0xb8: {  	[dreg:$0x3] =	wrdreg s5  }
0xb9: {  	[dreg:$0x4] =	wrdreg $0xC0  }
0xba: {  	_ =	task [dreg:s22], $0x5FFFF  }
0xbb: {  	[dreg:$0x1] =	wrdreg $0xFFFFFFFF  }
0xbc: {  	[dreg:$0x0] =	wrdreg $0x60  }
0xbd: {  	[dreg:$0x2] =	wrdreg s24  }
0xbe: {  	[dreg:$0x3] =	wrdreg $0x53400  }
0xbf: {  	[dreg:$0x4] =	wrdreg $0x7B400  }
0xc0: {  	[dreg:$0x5] =	wrdreg $0x85400  }
0xc1: {  	[dreg:$0x6] =	wrdreg $0xA  }
0xc2: {  	_ =	task.clear_ibuf [dreg:s22], $0x7FFFF;
	_ =	strace $0x90000049  }
0xc3: {  	s29 =	simm.s32 $0xA;
	_ =	strace $0x8000004B  }
0xc4: {  	_ =	swait.ge [sflag:s29], $0x1  }
0xc5: {  	[sflag:s29] =	ssyncadd.s32 $0xFFFFFFFF  }
0xc6: {  	_ =	strace $0x9000004B  }
0xc7: {  	_ =	sfence  }
0xc8: {  	s30 =	sld [smem:$0x0];
	_ =	sdelay $0x2  }
0xc9: {  	s31 =	sshll.u32 s1, $0xD;
	s1 =	sshrl.u32 s1, $0x2  }
0xca: {  	s4 =	sand.u32 $0x4000, s31;
	s1 =	sadd.s32 s1, s30  }
0xcb: {  	s0 =	sor.u32 s4, s0;
	s1 =	sshll.u32 s1, $0x11  }
0xcc: {  	s0 =	sor.u32 s1, s0  }
0xcd: {  	s0 =	sadd.s32 $0x8F2B, s0  }
0xce: {  	[sflag:s0] =	ssyncadd.remote.s32 $0x1  }
0xcf: {  	_ =	sfence.sel $0xFFFF  }
0xd0: {  	[dreg:$0x0] =	wrdreg $0xFFFFFFFF;
	(pc) =	sbr.abs _section_cstart, $3  }
0xd1: {  	[dreg:$0x1] =	wrdreg $0xFFFFFFFF  }
0xd2: {  	_ =	task.clear_ibuf [dreg:s22], $0x2FFFF;
	_ =	strace $0x9FFFFFFF  }
0xd3: {  	(tm) =	ssettm $0x7FFFFFFF  }
tec
execute0_lowered:
.L_overlay_start_1:
0x0: {  	(tag) =	ssettag $0x1  }
0x1: {  	s0 =	rddreg [dreg:$0x0]  }
0x2: {  	s5 =	rddreg [dreg:$0x1]  }
0x3: {  	s1 =	srdreg.scid;
	s4 =	rddreg [dreg:$0x2]  }
0x4: {  	s2 =	rddreg [dreg:$0x3];
	s13 =	stileid.u32  }
0x5: {  	s23 =	simm.s32 $0x0;
	s30 =	simm.s32 $0x500;
	s31 =	simm.s32 $0x580  }
0x6: {  	s29 =	simm.s32 $0x600;
	p0 =	por $0x0, $0x0;
	s1 =	sand.u32 $0x1, s1  }
0x7: {  	[smem:$0x7FF] =	sst s23;
	s7 =	sadd.s32 $0x27400, s0;
	s8 =	sadd.s32 $0x2F200, s0  }
0x8: {  	s12 =	sadd.s32 $0x20A00, s0;
	s14 =	smul.u32 $0x5000, s13;
	s28 =	sadd.s32 $0x2F400, s0  }
0x9: {  	s20 =	sshll.u32 s13, $0x6;
	s21 =	smul.u32 $0xA00, s13;
	s3 =	sshll.u32 s1, $0x4  }
0xa: {  	_ =	strace $0x8000004A;
	[dreg:$0x5] =	wrdreg s8;
	s9 =	smul.u32 $0x5000, s1  }
0xb: {  	[dreg:$0x6] =	wrdreg s12;
	s10 =	smul.u32 $0x1400, s1;
	s1 =	ssub.s32 $0x2, s1  }
0xc: {  	s3 =	sor.u32 s13, s3;
	s11 =	sshrl.u32 s1, $0x1;
	s12 =	sshrl.u32 s14, $0x1  }
0xd: {  	s25 =	sadd.s32 s21, s4;
	s26 =	sadd.s32 s21, s2;
	s17 =	sshrl.u32 s14, $0x4  }
0xe: {  	s19 =	sshrl.u32 s21, $0x3;
	s14 =	simm.s32 $0x180;
	s6 =	smul.u32 $0xA0, s3  }
0xf: {  	s21 =	simm.s32 $0x300;
	s13 =	simm.s32 $0x80;
	s3 =	smul.u32 $0x28, s3  }
0x10: {  	s9 =	sadd.s32 s9, s0;
	s1 =	ssub.s32 s1, s11;
	s16 =	sadd.s32 s12, s5  }
0x11: {  	s12 =	simm.s32 $0x100;
	[dreg:$0xb] =	wrdreg s14;
	s8 =	sshrl.u32 s26, $0x3  }
0x12: {  	[dreg:$0xe] =	wrdreg s21;
	s11 =	simm.s32 $0x4B40;
	s14 =	simm.s32 $0xA50  }
0x13: {  	s21 =	simm.s32 $0x880;
	s15 =	sadd.s32 $0x2F600, s9;
	s1 =	smax.u32 s1, $0x1  }
0x14: {  	s9 =	sshrl.u32 s16, $0x3;
	[dreg:$0xa] =	wrdreg s12;
	s16 =	simm.s32 $0x200  }
0x15: {  	s12 =	simm.s32 $0xA00;
	[dreg:$0x11] =	wrdreg s14;
	s14 =	simm.s32 $0x1  }
0x16: {  	s6 =	sadd.s32 s6, s0;
	s3 =	sadd.s32 s3, s0;
	s0 =	sadd.s32 s10, s0  }
0x17: {  	s10 =	sshrl.u32 s25, $0x3;
	[dreg:$0xc] =	wrdreg s16;
	s25 =	simm.s32 $0xAA0  }
0x18: {  	s16 =	simm.s32 $0xB40;
	s15 =	sadd.s32 s17, s15;
	s17 =	simm.s32 $0x2B40  }
0x19: {  	p1 =	sne.s32 s1, $0x1;
	s22 =	sadd.s32 $0x2D800, s3;
	[dreg:$0x12] =	wrdreg s25  }
0x1a: {  	s3 =	sor.u32 $0x1C02, s20;
	s24 =	sadd.s32 $0x2C400, s6;
	[dreg:$0x14] =	wrdreg s15  }
0x1b: {  	s6 =	sadd.s32 $0x2DE00, s6;
	s18 =	sadd.s32 $0x39600, s0;
	[dreg:$0x7] =	wrdreg s22  }
0x1c: {  	s0 =	sadd.s32 $0x3BE00, s0;
	s20 =	simm.s32 $0x280;
	[dreg:$0x8] =	wrdreg s24  }
0x1d: {  	s25 =	simm.s32 $0x700;
	s15 =	simm.s32 $0x50;
	[dreg:$0x9] =	wrdreg s6  }
0x1e: {  	s6 =	simm.s32 $0x2;
	[dreg:$0xd] =	wrdreg s20;
	s22 =	simm.s32 $0x380  }
0x1f: {  	s24 =	simm.s32 $0x400;
	s20 =	simm.s32 $0xAF0;
	[dreg:$0xf] =	wrdreg s22  }
.Ltmp0:
0x20: {  	s26 =	sadd.s32 s19, s18;
	[dreg:$0x10] =	wrdreg s24;
	(pc) =	sbr.rel @!p1 .LBB2_3-.Ltmp0, $4  }
0x21: {  	s0 =	sadd.s32 s19, s0;
	s19 =	simm.s32 $0x480;
	[dreg:$0x13] =	wrdreg s20  }
0x22: {  	s18 =	simm.s32 $0x980;
	[dreg:$0x15] =	wrdreg s26;
	s26 =	simm.s32 $0x680  }
0x23: {  	[dreg:$0x16] =	wrdreg s0;
	s24 =	simm.s32 $0x780;
	s0 =	sadd.s32 $0xFFFFFFFF, s1  }
0x24: {  	s22 =	simm.s32 $0x800;
	s20 =	simm.s32 $0x900;
	s1 =	rddreg [dreg:$0x6]  }
0x25: {  	[spmem:s9], [sflag:s3] =	dma.local [hbm:s1], $0x500  }
0x26: {  	_ =	swait.ge [sflag:s6], $0x500  }
0x27: {  	[sflag:s6] =	ssyncset.done $0x0  }
0x28: {  	[sflag:s6] =	ssyncadd.s32 $0xFFFFFB00  }
0x29: {  	[spmem:s10], [sflag:s3] =	dma.local [hbm:s28], $0x140  }
0x2a: {  	_ =	swait.ge [sflag:s6], $0x140  }
0x2b: {  	[sflag:s6] =	ssyncset.done $0x0  }
0x2c: {  	[sflag:s6] =	ssyncadd.s32 $0xFFFFFEC0  }
0x2d: {  	[spmem:s8], [sflag:s3] =	dma.local [hbm:s28], $0x140  }
0x2e: {  	_ =	swait.ge [sflag:s6], $0x140  }
0x2f: {  	[sflag:s6] =	ssyncset.done $0x0  }
0x30: {  	s1 =	rddreg [dreg:$0x7];
	[sflag:s6] =	ssyncadd.s32 $0xFFFFFEC0  }
0x31: {  	[tilespmem:s12], [sflag:$0x2] =	stream.linear.gather [hbm4b:s1+s23], $0x140, $0x38;
	[tilespmem:$0x8F40] =	vst v63  }
0x32: {  	_ =	swait.ge [sflag:s6], $0x140  }
0x33: {  	[sflag:s6] =	ssyncset.done $0x0  }
0x34: {  	s1 =	rddreg [dreg:$0x5];
	[sflag:s6] =	ssyncadd.s32 $0xFFFFFEC0  }
0x35: {  	[tilespmem:s11], [sflag:$0x2] =	stream.linear.gather [hbm4b:s1+s23], $0x800, $0x38;
	[tilespmem:$0x8F40] =	vst v63  }
0x36: {  	_ =	swait.ge [sflag:s6], $0x800  }
0x37: {  	[sflag:s6] =	ssyncset.done $0x0  }
0x38: {  	s1 =	rddreg [dreg:$0x8];
	[sflag:s6] =	ssyncadd.s32 $0xFFFFF800  }
0x39: {  	[tilespmem:s23], [sflag:$0x2] =	stream.linear.gather [hbm4b:s1+s23], $0x500, $0x38;
	[tilespmem:$0x8F40] =	vst v63  }
0x3a: {  	_ =	swait.ge [sflag:s6], $0x500  }
0x3b: {  	[sflag:s6] =	ssyncset.done $0x0  }
0x3c: {  	s1 =	rddreg [dreg:$0x9];
	[sflag:s6] =	ssyncadd.s32 $0xFFFFFB00  }
0x3d: {  	[tilespmem:s30], [sflag:$0x2] =	stream.linear.gather [hbm4b:s1+s23], $0x500, $0x38;
	[tilespmem:$0x8F40] =	vst v63  }
0x3e: {  	_ =	swait.ge [sflag:s6], $0x500  }
0x3f: {  	[sflag:s6] =	ssyncset.done $0x0  }
0x40: {  	[sflag:s6] =	ssyncadd.s32 $0xFFFFFB00  }
0x41: {  	[bflag:$0x0] =	sbarrier.arrive $0xFFFF  }
0x42: {  	[tilespmem:s16], [sflag:$0x1] =	stream.indirect.gather [hbm4b:s7+s13], $0x40, s23, s13, $0xb8;
	[tilespmem:$0x8F40] =	vst v63  }
0x43: {  	_ =	swait.ge [sflag:s14], $0x2000  }
0x44: {  	[sflag:s14] =	ssyncset.done $0x0  }
0x45: {  	[sflag:s14] =	ssyncadd.s32 $0xFFFFE000  }
0x46: {  	[tilespmem:s17], [sflag:$0x1] =	stream.indirect.gather [hbm4b:s7+s13], $0x40, s13, s13, $0xb8;
	[tilespmem:$0x8F40] =	vst v63  }
0x47: {  	_ = 	snop  }
0x48: {  	[spmem:s5] =	stream.indirect.scatter.add.bf16 [tilespmem:s16], [sflag:$0x2], $0x40, s30, s13, $0xb8;
	[tilespmem:$0x8F40] =	vst v63  }
0x49: {  	_ =	swait.ge [sflag:s6], $0x2000  }
0x4a: {  	[sflag:s6] =	ssyncset.done $0x0  }
0x4b: {  	[sflag:s6] =	ssyncadd.s32 $0xFFFFE000  }
0x4c: {  	[spmem:s4] =	stream.indirect.scatter.add.f32 [tilespmem:s11], [sflag:$0x2], $0x10, s30, s13, $0xb8;
	[tilespmem:$0x8F40] =	vst v63  }
0x4d: {  	_ =	swait.ge [sflag:s6], $0x800  }
0x4e: {  	[sflag:s6] =	ssyncset.done $0x0  }
0x4f: {  	[sflag:s6] =	ssyncadd.s32 $0xFFFFF800  }
0x50: {  	_ =	swait.ge [sflag:s14], $0x2000  }
0x51: {  	[sflag:s14] =	ssyncset.done $0x0  }
0x52: {  	s1 =	rddreg [dreg:$0xa];
	[sflag:s14] =	ssyncadd.s32 $0xFFFFE000  }
0x53: {  	[tilespmem:s16], [sflag:$0x1] =	stream.indirect.gather [hbm4b:s7+s13], $0x40, s1, s13, $0xb8;
	[tilespmem:$0x8F40] =	vst v63  }
0x54: {  	_ = 	snop  }
0x55: {  	[spmem:s5] =	stream.indirect.scatter.add.bf16 [tilespmem:s17], [sflag:$0x2], $0x40, s31, s13, $0xb8;
	[tilespmem:$0x8F40] =	vst v63  }
0x56: {  	_ =	swait.ge [sflag:s6], $0x2000  }
0x57: {  	[sflag:s6] =	ssyncset.done $0x0  }
0x58: {  	[sflag:s6] =	ssyncadd.s32 $0xFFFFE000  }
0x59: {  	[spmem:s4] =	stream.indirect.scatter.add.f32 [tilespmem:s11], [sflag:$0x2], $0x10, s31, s13, $0xb8;
	[tilespmem:$0x8F40] =	vst v63  }
0x5a: {  	_ =	swait.ge [sflag:s6], $0x800  }
0x5b: {  	[sflag:s6] =	ssyncset.done $0x0  }
0x5c: {  	[sflag:s6] =	ssyncadd.s32 $0xFFFFF800  }
0x5d: {  	_ =	swait.ge [sflag:s14], $0x2000  }
0x5e: {  	[sflag:s14] =	ssyncset.done $0x0  }
0x5f: {  	s1 =	rddreg [dreg:$0xb];
	[sflag:s14] =	ssyncadd.s32 $0xFFFFE000  }
0x60: {  	[tilespmem:s17], [sflag:$0x1] =	stream.indirect.gather [hbm4b:s7+s13], $0x40, s1, s13, $0xb8;
	[tilespmem:$0x8F40] =	vst v63  }
0x61: {  	_ = 	snop  }
0x62: {  	[spmem:s5] =	stream.indirect.scatter.add.bf16 [tilespmem:s16], [sflag:$0x2], $0x40, s29, s13, $0xb8;
	[tilespmem:$0x8F40] =	vst v63  }
0x63: {  	_ =	swait.ge [sflag:s6], $0x2000  }
0x64: {  	[sflag:s6] =	ssyncset.done $0x0  }
0x65: {  	[sflag:s6] =	ssyncadd.s32 $0xFFFFE000  }
0x66: {  	[spmem:s4] =	stream.indirect.scatter.add.f32 [tilespmem:s11], [sflag:$0x2], $0x10, s29, s13, $0xb8;
	[tilespmem:$0x8F40] =	vst v63  }
0x67: {  	_ =	swait.ge [sflag:s6], $0x800  }
0x68: {  	[sflag:s6] =	ssyncset.done $0x0  }
0x69: {  	[sflag:s6] =	ssyncadd.s32 $0xFFFFF800  }
0x6a: {  	_ =	swait.ge [sflag:s14], $0x2000  }
0x6b: {  	[sflag:s14] =	ssyncset.done $0x0  }
0x6c: {  	s1 =	rddreg [dreg:$0xc];
	[sflag:s14] =	ssyncadd.s32 $0xFFFFE000  }
0x6d: {  	[tilespmem:s16], [sflag:$0x1] =	stream.indirect.gather [hbm4b:s7+s13], $0x40, s1, s13, $0xb8;
	[tilespmem:$0x8F40] =	vst v63  }
0x6e: {  	_ = 	snop  }
0x6f: {  	[spmem:s5] =	stream.indirect.scatter.add.bf16 [tilespmem:s17], [sflag:$0x2], $0x40, s26, s13, $0xb8;
	[tilespmem:$0x8F40] =	vst v63  }
0x70: {  	_ =	swait.ge [sflag:s6], $0x2000  }
0x71: {  	[sflag:s6] =	ssyncset.done $0x0  }
0x72: {  	[sflag:s6] =	ssyncadd.s32 $0xFFFFE000  }
0x73: {  	[spmem:s4] =	stream.indirect.scatter.add.f32 [tilespmem:s11], [sflag:$0x2], $0x10, s26, s13, $0xb8;
	[tilespmem:$0x8F40] =	vst v63  }
0x74: {  	_ =	swait.ge [sflag:s6], $0x800  }
0x75: {  	[sflag:s6] =	ssyncset.done $0x0  }
0x76: {  	[sflag:s6] =	ssyncadd.s32 $0xFFFFF800  }
0x77: {  	_ =	swait.ge [sflag:s14], $0x2000  }
0x78: {  	[sflag:s14] =	ssyncset.done $0x0  }
0x79: {  	s1 =	rddreg [dreg:$0xd];
	[sflag:s14] =	ssyncadd.s32 $0xFFFFE000  }
0x7a: {  	[tilespmem:s17], [sflag:$0x1] =	stream.indirect.gather [hbm4b:s7+s13], $0x40, s1, s13, $0xb8;
	[tilespmem:$0x8F40] =	vst v63  }
0x7b: {  	_ = 	snop  }
0x7c: {  	[spmem:s5] =	stream.indirect.scatter.add.bf16 [tilespmem:s16], [sflag:$0x2], $0x40, s25, s13, $0xb8;
	[tilespmem:$0x8F40] =	vst v63  }
0x7d: {  	_ =	swait.ge [sflag:s6], $0x2000  }
0x7e: {  	[sflag:s6] =	ssyncset.done $0x0  }
0x7f: {  	[sflag:s6] =	ssyncadd.s32 $0xFFFFE000  }
0x80: {  	[spmem:s4] =	stream.indirect.scatter.add.f32 [tilespmem:s11], [sflag:$0x2], $0x10, s25, s13, $0xb8;
	[tilespmem:$0x8F40] =	vst v63  }
0x81: {  	_ =	swait.ge [sflag:s6], $0x800  }
0x82: {  	[sflag:s6] =	ssyncset.done $0x0  }
0x83: {  	[sflag:s6] =	ssyncadd.s32 $0xFFFFF800  }
0x84: {  	_ =	swait.ge [sflag:s14], $0x2000  }
0x85: {  	[sflag:s14] =	ssyncset.done $0x0  }
0x86: {  	s1 =	rddreg [dreg:$0xe];
	[sflag:s14] =	ssyncadd.s32 $0xFFFFE000  }
0x87: {  	[tilespmem:s16], [sflag:$0x1] =	stream.indirect.gather [hbm4b:s7+s13], $0x40, s1, s13, $0xb8;
	[tilespmem:$0x8F40] =	vst v63  }
0x88: {  	_ = 	snop  }
0x89: {  	[spmem:s5] =	stream.indirect.scatter.add.bf16 [tilespmem:s17], [sflag:$0x2], $0x40, s24, s13, $0xb8;
	[tilespmem:$0x8F40] =	vst v63  }
0x8a: {  	_ =	swait.ge [sflag:s6], $0x2000  }
0x8b: {  	[sflag:s6] =	ssyncset.done $0x0  }
0x8c: {  	[sflag:s6] =	ssyncadd.s32 $0xFFFFE000  }
0x8d: {  	[spmem:s4] =	stream.indirect.scatter.add.f32 [tilespmem:s11], [sflag:$0x2], $0x10, s24, s13, $0xb8;
	[tilespmem:$0x8F40] =	vst v63  }
0x8e: {  	_ =	swait.ge [sflag:s6], $0x800  }
0x8f: {  	[sflag:s6] =	ssyncset.done $0x0  }
0x90: {  	[sflag:s6] =	ssyncadd.s32 $0xFFFFF800  }
0x91: {  	_ =	swait.ge [sflag:s14], $0x2000  }
0x92: {  	[sflag:s14] =	ssyncset.done $0x0  }
0x93: {  	s1 =	rddreg [dreg:$0xf];
	[sflag:s14] =	ssyncadd.s32 $0xFFFFE000  }
0x94: {  	[tilespmem:s17], [sflag:$0x1] =	stream.indirect.gather [hbm4b:s7+s13], $0x40, s1, s13, $0xb8;
	[tilespmem:$0x8F40] =	vst v63  }
0x95: {  	_ = 	snop  }
0x96: {  	[spmem:s5] =	stream.indirect.scatter.add.bf16 [tilespmem:s16], [sflag:$0x2], $0x40, s22, s13, $0xb8;
	[tilespmem:$0x8F40] =	vst v63  }
0x97: {  	_ =	swait.ge [sflag:s6], $0x2000  }
0x98: {  	[sflag:s6] =	ssyncset.done $0x0  }
0x99: {  	[sflag:s6] =	ssyncadd.s32 $0xFFFFE000  }
0x9a: {  	[spmem:s4] =	stream.indirect.scatter.add.f32 [tilespmem:s11], [sflag:$0x2], $0x10, s22, s13, $0xb8;
	[tilespmem:$0x8F40] =	vst v63  }
0x9b: {  	_ =	swait.ge [sflag:s6], $0x800  }
0x9c: {  	[sflag:s6] =	ssyncset.done $0x0  }
0x9d: {  	[sflag:s6] =	ssyncadd.s32 $0xFFFFF800  }
0x9e: {  	_ =	swait.ge [sflag:s14], $0x2000  }
0x9f: {  	[sflag:s14] =	ssyncset.done $0x0  }
0xa0: {  	s1 =	rddreg [dreg:$0x10];
	[sflag:s14] =	ssyncadd.s32 $0xFFFFE000  }
0xa1: {  	[tilespmem:s16], [sflag:$0x1] =	stream.indirect.gather [hbm4b:s7+s13], $0x40, s1, s13, $0xb8;
	[tilespmem:$0x8F40] =	vst v63  }
0xa2: {  	_ = 	snop  }
0xa3: {  	[spmem:s5] =	stream.indirect.scatter.add.bf16 [tilespmem:s17], [sflag:$0x2], $0x40, s21, s13, $0xb8;
	[tilespmem:$0x8F40] =	vst v63  }
0xa4: {  	_ =	swait.ge [sflag:s6], $0x2000  }
0xa5: {  	[sflag:s6] =	ssyncset.done $0x0  }
0xa6: {  	[sflag:s6] =	ssyncadd.s32 $0xFFFFE000  }
0xa7: {  	[spmem:s4] =	stream.indirect.scatter.add.f32 [tilespmem:s11], [sflag:$0x2], $0x10, s21, s13, $0xb8;
	[tilespmem:$0x8F40] =	vst v63  }
0xa8: {  	_ =	swait.ge [sflag:s6], $0x800  }
0xa9: {  	[sflag:s6] =	ssyncset.done $0x0  }
0xaa: {  	[sflag:s6] =	ssyncadd.s32 $0xFFFFF800  }
0xab: {  	_ =	swait.ge [sflag:s14], $0x2000  }
0xac: {  	[sflag:s14] =	ssyncset.done $0x0  }
0xad: {  	[sflag:s14] =	ssyncadd.s32 $0xFFFFE000  }
0xae: {  	[tilespmem:s17], [sflag:$0x1] =	stream.indirect.gather [hbm4b:s7+s13], $0x40, s19, s13, $0xb8;
	[tilespmem:$0x8F40] =	vst v63  }
0xaf: {  	_ = 	snop  }
0xb0: {  	[spmem:s5] =	stream.indirect.scatter.add.bf16 [tilespmem:s16], [sflag:$0x2], $0x40, s20, s13, $0xb8;
	[tilespmem:$0x8F40] =	vst v63  }
0xb1: {  	_ =	swait.ge [sflag:s6], $0x2000  }
0xb2: {  	[sflag:s6] =	ssyncset.done $0x0  }
0xb3: {  	[sflag:s6] =	ssyncadd.s32 $0xFFFFE000  }
0xb4: {  	[spmem:s4] =	stream.indirect.scatter.add.f32 [tilespmem:s11], [sflag:$0x2], $0x10, s20, s13, $0xb8;
	[tilespmem:$0x8F40] =	vst v63  }
0xb5: {  	_ =	swait.ge [sflag:s6], $0x800  }
0xb6: {  	[sflag:s6] =	ssyncset.done $0x0  }
0xb7: {  	[sflag:s6] =	ssyncadd.s32 $0xFFFFF800  }
0xb8: {  	_ =	swait.ge [sflag:s14], $0x2000  }
0xb9: {  	[sflag:s14] =	ssyncset.done $0x0  }
0xba: {  	[sflag:s14] =	ssyncadd.s32 $0xFFFFE000  }
0xbb: {  	[tilespmem:s16], [sflag:$0x1] =	stream.indirect.gather [hbm4b:s7+s13], $0x40, s19, s13, $0xb8;
	[tilespmem:$0x8F40] =	vst v63  }
0xbc: {  	_ = 	snop  }
0xbd: {  	[spmem:s5] =	stream.indirect.scatter.add.bf16 [tilespmem:s17], [sflag:$0x2], $0x40, s18, s13, $0xb8;
	[tilespmem:$0x8F40] =	vst v63  }
0xbe: {  	_ =	swait.ge [sflag:s6], $0x2000  }
0xbf: {  	[sflag:s6] =	ssyncset.done $0x0  }
0xc0: {  	[sflag:s6] =	ssyncadd.s32 $0xFFFFE000  }
0xc1: {  	[spmem:s4] =	stream.indirect.scatter.add.f32 [tilespmem:s11], [sflag:$0x2], $0x10, s18, s13, $0xb8;
	[tilespmem:$0x8F40] =	vst v63  }
0xc2: {  	_ =	swait.ge [sflag:s6], $0x800  }
0xc3: {  	[sflag:s6] =	ssyncset.done $0x0  }
0xc4: {  	[sflag:s6] =	ssyncadd.s32 $0xFFFFF800  }
0xc5: {  	_ =	swait.ge [sflag:s14], $0x2000  }
0xc6: {  	[sflag:s14] =	ssyncset.done $0x0  }
0xc7: {  	[sflag:s14] =	ssyncadd.s32 $0xFFFFE000  }
0xc8: {  	[spmem:s2] =	stream.indirect.scatter.add.f32 [tilespmem:s11], [sflag:$0x2], $0x10, s12, s15, $0xb8;
	[tilespmem:$0x8F40] =	vst v63  }
0xc9: {  	_ =	swait.ge [sflag:s6], $0x500  }
0xca: {  	[sflag:s6] =	ssyncset.done $0x0  }
0xcb: {  	s1 =	rddreg [dreg:$0x11];
	[sflag:s6] =	ssyncadd.s32 $0xFFFFFB00  }
0xcc: {  	[spmem:s2] =	stream.indirect.scatter.add.f32 [tilespmem:s11], [sflag:$0x2], $0x10, s1, s15, $0xb8;
	[tilespmem:$0x8F40] =	vst v63  }
0xcd: {  	_ =	swait.ge [sflag:s6], $0x500  }
0xce: {  	[sflag:s6] =	ssyncset.done $0x0  }
0xcf: {  	s1 =	rddreg [dreg:$0x12];
	[sflag:s6] =	ssyncadd.s32 $0xFFFFFB00  }
0xd0: {  	[spmem:s2] =	stream.indirect.scatter.add.f32 [tilespmem:s11], [sflag:$0x2], $0x10, s1, s15, $0xb8;
	[tilespmem:$0x8F40] =	vst v63  }
0xd1: {  	_ =	swait.ge [sflag:s6], $0x500  }
0xd2: {  	[sflag:s6] =	ssyncset.done $0x0  }
0xd3: {  	s1 =	rddreg [dreg:$0x13];
	[sflag:s6] =	ssyncadd.s32 $0xFFFFFB00  }
0xd4: {  	[spmem:s2] =	stream.indirect.scatter.add.f32 [tilespmem:s11], [sflag:$0x2], $0x10, s1, s15, $0xb8;
	[tilespmem:$0x8F40] =	vst v63  }
0xd5: {  	_ =	swait.ge [sflag:s6], $0x500  }
0xd6: {  	[sflag:s6] =	ssyncset.done $0x0  }
0xd7: {  	[sflag:s6] =	ssyncadd.s32 $0xFFFFFB00  }
0xd8: {  	[bflag:$0x0] =	sbarrier.arrive $0xFFFF  }
0xd9: {  	s1 =	rddreg [dreg:$0x14]  }
0xda: {  	[hbm:s1], [sflag:s3] =	dma.local [spmem:s9], $0x500  }
0xdb: {  	_ =	swait.ge [sflag:s6], $0x500  }
0xdc: {  	[sflag:s6] =	ssyncset.done $0x0  }
0xdd: {  	s1 =	rddreg [dreg:$0x15];
	[sflag:s6] =	ssyncadd.s32 $0xFFFFFB00  }
0xde: {  	[hbm:s1], [sflag:s3] =	dma.local [spmem:s10], $0x140  }
0xdf: {  	p1 =	sne.s32 s0, $0x1;
	_ =	swait.ge [sflag:s6], $0x140  }
.Ltmp1:
0xe0: {  	[sflag:s6] =	ssyncset.done $0x0;
	(pc) =	sbr.rel @!p1 .LBB2_3-.Ltmp1, $4  }
0xe1: {  	s1 =	rddreg [dreg:$0x16];
	[sflag:s6] =	ssyncadd.s32 $0xFFFFFEC0  }
0xe2: {  	[hbm:s1], [sflag:s3] =	dma.local [spmem:s8], $0x140  }
0xe3: {  	s0 =	sadd.s32 $0xFFFFFFFF, s0;
	_ =	swait.ge [sflag:s6], $0x140  }
0xe4: {  	p0 =	por $0x1, $0x1;
	s1 =	rddreg [dreg:$0x6];
	[sflag:s6] =	ssyncset.done $0x0  }
.LBB2_2:
0xe5: {  	[sflag:s6] =	ssyncadd.s32 $0xFFFFFEC0  }
0xe6: {  	[spmem:s9], [sflag:s3] =	dma.local [hbm:s1], $0x500  }
0xe7: {  	_ =	swait.ge [sflag:s6], $0x500  }
0xe8: {  	[sflag:s6] =	ssyncset.done $0x0  }
0xe9: {  	[sflag:s6] =	ssyncadd.s32 $0xFFFFFB00  }
0xea: {  	[spmem:s10], [sflag:s3] =	dma.local [hbm:s28], $0x140  }
0xeb: {  	_ =	swait.ge [sflag:s6], $0x140  }
0xec: {  	[sflag:s6] =	ssyncset.done $0x0  }
0xed: {  	[sflag:s6] =	ssyncadd.s32 $0xFFFFFEC0  }
0xee: {  	[spmem:s8], [sflag:s3] =	dma.local [hbm:s28], $0x140  }
0xef: {  	_ =	swait.ge [sflag:s6], $0x140  }
0xf0: {  	[sflag:s6] =	ssyncset.done $0x0  }
0xf1: {  	s1 =	rddreg [dreg:$0x7];
	[sflag:s6] =	ssyncadd.s32 $0xFFFFFEC0  }
0xf2: {  	[tilespmem:s12], [sflag:$0x2] =	stream.linear.gather [hbm4b:s1+s23], $0x140, $0x38;
	[tilespmem:$0x8F40] =	vst v63  }
0xf3: {  	_ =	swait.ge [sflag:s6], $0x140  }
0xf4: {  	[sflag:s6] =	ssyncset.done $0x0  }
0xf5: {  	s1 =	rddreg [dreg:$0x5];
	[sflag:s6] =	ssyncadd.s32 $0xFFFFFEC0  }
0xf6: {  	[tilespmem:s11], [sflag:$0x2] =	stream.linear.gather [hbm4b:s1+s23], $0x800, $0x38;
	[tilespmem:$0x8F40] =	vst v63  }
0xf7: {  	_ =	swait.ge [sflag:s6], $0x800  }
0xf8: {  	[sflag:s6] =	ssyncset.done $0x0  }
0xf9: {  	s1 =	rddreg [dreg:$0x8];
	[sflag:s6] =	ssyncadd.s32 $0xFFFFF800  }
0xfa: {  	[tilespmem:s23], [sflag:$0x2] =	stream.linear.gather [hbm4b:s1+s23], $0x500, $0x38;
	[tilespmem:$0x8F40] =	vst v63  }
0xfb: {  	_ =	swait.ge [sflag:s6], $0x500  }
0xfc: {  	[sflag:s6] =	ssyncset.done $0x0  }
0xfd: {  	s1 =	rddreg [dreg:$0x9];
	[sflag:s6] =	ssyncadd.s32 $0xFFFFFB00  }
0xfe: {  	[tilespmem:s30], [sflag:$0x2] =	stream.linear.gather [hbm4b:s1+s23], $0x500, $0x38;
	[tilespmem:$0x8F40] =	vst v63  }
0xff: {  	_ =	swait.ge [sflag:s6], $0x500  }
0x100: {  	[sflag:s6] =	ssyncset.done $0x0  }
0x101: {  	[sflag:s6] =	ssyncadd.s32 $0xFFFFFB00  }
0x102: {  	[bflag:$0x0] =	sbarrier.arrive $0xFFFF  }
0x103: {  	[tilespmem:s16], [sflag:$0x1] =	stream.indirect.gather [hbm4b:s7+s13], $0x40, s23, s13, $0xb8;
	[tilespmem:$0x8F40] =	vst v63  }
0x104: {  	_ =	swait.ge [sflag:s14], $0x2000  }
0x105: {  	[sflag:s14] =	ssyncset.done $0x0  }
0x106: {  	[sflag:s14] =	ssyncadd.s32 $0xFFFFE000  }
0x107: {  	[tilespmem:s17], [sflag:$0x1] =	stream.indirect.gather [hbm4b:s7+s13], $0x40, s13, s13, $0xb8;
	[tilespmem:$0x8F40] =	vst v63  }
0x108: {  	_ = 	snop  }
0x109: {  	[spmem:s5] =	stream.indirect.scatter.add.bf16 [tilespmem:s16], [sflag:$0x2], $0x40, s30, s13, $0xb8;
	[tilespmem:$0x8F40] =	vst v63  }
0x10a: {  	_ =	swait.ge [sflag:s6], $0x2000  }
0x10b: {  	[sflag:s6] =	ssyncset.done $0x0  }
0x10c: {  	[sflag:s6] =	ssyncadd.s32 $0xFFFFE000  }
0x10d: {  	[spmem:s4] =	stream.indirect.scatter.add.f32 [tilespmem:s11], [sflag:$0x2], $0x10, s30, s13, $0xb8;
	[tilespmem:$0x8F40] =	vst v63  }
0x10e: {  	_ =	swait.ge [sflag:s6], $0x800  }
0x10f: {  	[sflag:s6] =	ssyncset.done $0x0  }
0x110: {  	[sflag:s6] =	ssyncadd.s32 $0xFFFFF800  }
0x111: {  	_ =	swait.ge [sflag:s14], $0x2000  }
0x112: {  	[sflag:s14] =	ssyncset.done $0x0  }
0x113: {  	s1 =	rddreg [dreg:$0xa];
	[sflag:s14] =	ssyncadd.s32 $0xFFFFE000  }
0x114: {  	[tilespmem:s16], [sflag:$0x1] =	stream.indirect.gather [hbm4b:s7+s13], $0x40, s1, s13, $0xb8;
	[tilespmem:$0x8F40] =	vst v63  }
0x115: {  	_ = 	snop  }
0x116: {  	[spmem:s5] =	stream.indirect.scatter.add.bf16 [tilespmem:s17], [sflag:$0x2], $0x40, s31, s13, $0xb8;
	[tilespmem:$0x8F40] =	vst v63  }
0x117: {  	_ =	swait.ge [sflag:s6], $0x2000  }
0x118: {  	[sflag:s6] =	ssyncset.done $0x0  }
0x119: {  	[sflag:s6] =	ssyncadd.s32 $0xFFFFE000  }
0x11a: {  	[spmem:s4] =	stream.indirect.scatter.add.f32 [tilespmem:s11], [sflag:$0x2], $0x10, s31, s13, $0xb8;
	[tilespmem:$0x8F40] =	vst v63  }
0x11b: {  	_ =	swait.ge [sflag:s6], $0x800  }
0x11c: {  	[sflag:s6] =	ssyncset.done $0x0  }
0x11d: {  	[sflag:s6] =	ssyncadd.s32 $0xFFFFF800  }
0x11e: {  	_ =	swait.ge [sflag:s14], $0x2000  }
0x11f: {  	[sflag:s14] =	ssyncset.done $0x0  }
0x120: {  	s1 =	rddreg [dreg:$0xb];
	[sflag:s14] =	ssyncadd.s32 $0xFFFFE000  }
0x121: {  	[tilespmem:s17], [sflag:$0x1] =	stream.indirect.gather [hbm4b:s7+s13], $0x40, s1, s13, $0xb8;
	[tilespmem:$0x8F40] =	vst v63  }
0x122: {  	_ = 	snop  }
0x123: {  	[spmem:s5] =	stream.indirect.scatter.add.bf16 [tilespmem:s16], [sflag:$0x2], $0x40, s29, s13, $0xb8;
	[tilespmem:$0x8F40] =	vst v63  }
0x124: {  	_ =	swait.ge [sflag:s6], $0x2000  }
0x125: {  	[sflag:s6] =	ssyncset.done $0x0  }
0x126: {  	[sflag:s6] =	ssyncadd.s32 $0xFFFFE000  }
0x127: {  	[spmem:s4] =	stream.indirect.scatter.add.f32 [tilespmem:s11], [sflag:$0x2], $0x10, s29, s13, $0xb8;
	[tilespmem:$0x8F40] =	vst v63  }
0x128: {  	_ =	swait.ge [sflag:s6], $0x800  }
0x129: {  	[sflag:s6] =	ssyncset.done $0x0  }
0x12a: {  	[sflag:s6] =	ssyncadd.s32 $0xFFFFF800  }
0x12b: {  	_ =	swait.ge [sflag:s14], $0x2000  }
0x12c: {  	[sflag:s14] =	ssyncset.done $0x0  }
0x12d: {  	s1 =	rddreg [dreg:$0xc];
	[sflag:s14] =	ssyncadd.s32 $0xFFFFE000  }
0x12e: {  	[tilespmem:s16], [sflag:$0x1] =	stream.indirect.gather [hbm4b:s7+s13], $0x40, s1, s13, $0xb8;
	[tilespmem:$0x8F40] =	vst v63  }
0x12f: {  	_ = 	snop  }
0x130: {  	[spmem:s5] =	stream.indirect.scatter.add.bf16 [tilespmem:s17], [sflag:$0x2], $0x40, s26, s13, $0xb8;
	[tilespmem:$0x8F40] =	vst v63  }
0x131: {  	_ =	swait.ge [sflag:s6], $0x2000  }
0x132: {  	[sflag:s6] =	ssyncset.done $0x0  }
0x133: {  	[sflag:s6] =	ssyncadd.s32 $0xFFFFE000  }
0x134: {  	[spmem:s4] =	stream.indirect.scatter.add.f32 [tilespmem:s11], [sflag:$0x2], $0x10, s26, s13, $0xb8;
	[tilespmem:$0x8F40] =	vst v63  }
0x135: {  	_ =	swait.ge [sflag:s6], $0x800  }
0x136: {  	[sflag:s6] =	ssyncset.done $0x0  }
0x137: {  	[sflag:s6] =	ssyncadd.s32 $0xFFFFF800  }
0x138: {  	_ =	swait.ge [sflag:s14], $0x2000  }
0x139: {  	[sflag:s14] =	ssyncset.done $0x0  }
0x13a: {  	s1 =	rddreg [dreg:$0xd];
	[sflag:s14] =	ssyncadd.s32 $0xFFFFE000  }
0x13b: {  	[tilespmem:s17], [sflag:$0x1] =	stream.indirect.gather [hbm4b:s7+s13], $0x40, s1, s13, $0xb8;
	[tilespmem:$0x8F40] =	vst v63  }
0x13c: {  	_ = 	snop  }
0x13d: {  	[spmem:s5] =	stream.indirect.scatter.add.bf16 [tilespmem:s16], [sflag:$0x2], $0x40, s25, s13, $0xb8;
	[tilespmem:$0x8F40] =	vst v63  }
0x13e: {  	_ =	swait.ge [sflag:s6], $0x2000  }
0x13f: {  	[sflag:s6] =	ssyncset.done $0x0  }
0x140: {  	[sflag:s6] =	ssyncadd.s32 $0xFFFFE000  }
0x141: {  	[spmem:s4] =	stream.indirect.scatter.add.f32 [tilespmem:s11], [sflag:$0x2], $0x10, s25, s13, $0xb8;
	[tilespmem:$0x8F40] =	vst v63  }
0x142: {  	_ =	swait.ge [sflag:s6], $0x800  }
0x143: {  	[sflag:s6] =	ssyncset.done $0x0  }
0x144: {  	[sflag:s6] =	ssyncadd.s32 $0xFFFFF800  }
0x145: {  	_ =	swait.ge [sflag:s14], $0x2000  }
0x146: {  	[sflag:s14] =	ssyncset.done $0x0  }
0x147: {  	s1 =	rddreg [dreg:$0xe];
	[sflag:s14] =	ssyncadd.s32 $0xFFFFE000  }
0x148: {  	[tilespmem:s16], [sflag:$0x1] =	stream.indirect.gather [hbm4b:s7+s13], $0x40, s1, s13, $0xb8;
	[tilespmem:$0x8F40] =	vst v63  }
0x149: {  	_ = 	snop  }
0x14a: {  	[spmem:s5] =	stream.indirect.scatter.add.bf16 [tilespmem:s17], [sflag:$0x2], $0x40, s24, s13, $0xb8;
	[tilespmem:$0x8F40] =	vst v63  }
0x14b: {  	_ =	swait.ge [sflag:s6], $0x2000  }
0x14c: {  	[sflag:s6] =	ssyncset.done $0x0  }
0x14d: {  	[sflag:s6] =	ssyncadd.s32 $0xFFFFE000  }
0x14e: {  	[spmem:s4] =	stream.indirect.scatter.add.f32 [tilespmem:s11], [sflag:$0x2], $0x10, s24, s13, $0xb8;
	[tilespmem:$0x8F40] =	vst v63  }
0x14f: {  	_ =	swait.ge [sflag:s6], $0x800  }
0x150: {  	[sflag:s6] =	ssyncset.done $0x0  }
0x151: {  	[sflag:s6] =	ssyncadd.s32 $0xFFFFF800  }
0x152: {  	_ =	swait.ge [sflag:s14], $0x2000  }
0x153: {  	[sflag:s14] =	ssyncset.done $0x0  }
0x154: {  	s1 =	rddreg [dreg:$0xf];
	[sflag:s14] =	ssyncadd.s32 $0xFFFFE000  }
0x155: {  	[tilespmem:s17], [sflag:$0x1] =	stream.indirect.gather [hbm4b:s7+s13], $0x40, s1, s13, $0xb8;
	[tilespmem:$0x8F40] =	vst v63  }
0x156: {  	_ = 	snop  }
0x157: {  	[spmem:s5] =	stream.indirect.scatter.add.bf16 [tilespmem:s16], [sflag:$0x2], $0x40, s22, s13, $0xb8;
	[tilespmem:$0x8F40] =	vst v63  }
0x158: {  	_ =	swait.ge [sflag:s6], $0x2000  }
0x159: {  	[sflag:s6] =	ssyncset.done $0x0  }
0x15a: {  	[sflag:s6] =	ssyncadd.s32 $0xFFFFE000  }
0x15b: {  	[spmem:s4] =	stream.indirect.scatter.add.f32 [tilespmem:s11], [sflag:$0x2], $0x10, s22, s13, $0xb8;
	[tilespmem:$0x8F40] =	vst v63  }
0x15c: {  	_ =	swait.ge [sflag:s6], $0x800  }
0x15d: {  	[sflag:s6] =	ssyncset.done $0x0  }
0x15e: {  	[sflag:s6] =	ssyncadd.s32 $0xFFFFF800  }
0x15f: {  	_ =	swait.ge [sflag:s14], $0x2000  }
0x160: {  	[sflag:s14] =	ssyncset.done $0x0  }
0x161: {  	s1 =	rddreg [dreg:$0x10];
	[sflag:s14] =	ssyncadd.s32 $0xFFFFE000  }
0x162: {  	[tilespmem:s16], [sflag:$0x1] =	stream.indirect.gather [hbm4b:s7+s13], $0x40, s1, s13, $0xb8;
	[tilespmem:$0x8F40] =	vst v63  }
0x163: {  	_ = 	snop  }
0x164: {  	[spmem:s5] =	stream.indirect.scatter.add.bf16 [tilespmem:s17], [sflag:$0x2], $0x40, s21, s13, $0xb8;
	[tilespmem:$0x8F40] =	vst v63  }
0x165: {  	_ =	swait.ge [sflag:s6], $0x2000  }
0x166: {  	[sflag:s6] =	ssyncset.done $0x0  }
0x167: {  	[sflag:s6] =	ssyncadd.s32 $0xFFFFE000  }
0x168: {  	[spmem:s4] =	stream.indirect.scatter.add.f32 [tilespmem:s11], [sflag:$0x2], $0x10, s21, s13, $0xb8;
	[tilespmem:$0x8F40] =	vst v63  }
0x169: {  	_ =	swait.ge [sflag:s6], $0x800  }
0x16a: {  	[sflag:s6] =	ssyncset.done $0x0  }
0x16b: {  	[sflag:s6] =	ssyncadd.s32 $0xFFFFF800  }
0x16c: {  	_ =	swait.ge [sflag:s14], $0x2000  }
0x16d: {  	[sflag:s14] =	ssyncset.done $0x0  }
0x16e: {  	[sflag:s14] =	ssyncadd.s32 $0xFFFFE000  }
0x16f: {  	[tilespmem:s17], [sflag:$0x1] =	stream.indirect.gather [hbm4b:s7+s13], $0x40, s19, s13, $0xb8;
	[tilespmem:$0x8F40] =	vst v63  }
0x170: {  	_ = 	snop  }
0x171: {  	[spmem:s5] =	stream.indirect.scatter.add.bf16 [tilespmem:s16], [sflag:$0x2], $0x40, s20, s13, $0xb8;
	[tilespmem:$0x8F40] =	vst v63  }
0x172: {  	_ =	swait.ge [sflag:s6], $0x2000  }
0x173: {  	[sflag:s6] =	ssyncset.done $0x0  }
0x174: {  	[sflag:s6] =	ssyncadd.s32 $0xFFFFE000  }
0x175: {  	[spmem:s4] =	stream.indirect.scatter.add.f32 [tilespmem:s11], [sflag:$0x2], $0x10, s20, s13, $0xb8;
	[tilespmem:$0x8F40] =	vst v63  }
0x176: {  	_ =	swait.ge [sflag:s6], $0x800  }
0x177: {  	[sflag:s6] =	ssyncset.done $0x0  }
0x178: {  	[sflag:s6] =	ssyncadd.s32 $0xFFFFF800  }
0x179: {  	_ =	swait.ge [sflag:s14], $0x2000  }
0x17a: {  	[sflag:s14] =	ssyncset.done $0x0  }
0x17b: {  	[sflag:s14] =	ssyncadd.s32 $0xFFFFE000  }
0x17c: {  	[tilespmem:s16], [sflag:$0x1] =	stream.indirect.gather [hbm4b:s7+s13], $0x40, s19, s13, $0xb8;
	[tilespmem:$0x8F40] =	vst v63  }
0x17d: {  	_ = 	snop  }
0x17e: {  	[spmem:s5] =	stream.indirect.scatter.add.bf16 [tilespmem:s17], [sflag:$0x2], $0x40, s18, s13, $0xb8;
	[tilespmem:$0x8F40] =	vst v63  }
0x17f: {  	_ =	swait.ge [sflag:s6], $0x2000  }
0x180: {  	[sflag:s6] =	ssyncset.done $0x0  }
0x181: {  	[sflag:s6] =	ssyncadd.s32 $0xFFFFE000  }
0x182: {  	[spmem:s4] =	stream.indirect.scatter.add.f32 [tilespmem:s11], [sflag:$0x2], $0x10, s18, s13, $0xb8;
	[tilespmem:$0x8F40] =	vst v63  }
0x183: {  	_ =	swait.ge [sflag:s6], $0x800  }
0x184: {  	[sflag:s6] =	ssyncset.done $0x0  }
0x185: {  	[sflag:s6] =	ssyncadd.s32 $0xFFFFF800  }
0x186: {  	_ =	swait.ge [sflag:s14], $0x2000  }
0x187: {  	[sflag:s14] =	ssyncset.done $0x0  }
0x188: {  	[sflag:s14] =	ssyncadd.s32 $0xFFFFE000  }
0x189: {  	[spmem:s2] =	stream.indirect.scatter.add.f32 [tilespmem:s11], [sflag:$0x2], $0x10, s12, s15, $0xb8;
	[tilespmem:$0x8F40] =	vst v63  }
0x18a: {  	_ =	swait.ge [sflag:s6], $0x500  }
0x18b: {  	[sflag:s6] =	ssyncset.done $0x0  }
0x18c: {  	s1 =	rddreg [dreg:$0x11];
	[sflag:s6] =	ssyncadd.s32 $0xFFFFFB00  }
0x18d: {  	[spmem:s2] =	stream.indirect.scatter.add.f32 [tilespmem:s11], [sflag:$0x2], $0x10, s1, s15, $0xb8;
	[tilespmem:$0x8F40] =	vst v63  }
0x18e: {  	_ =	swait.ge [sflag:s6], $0x500  }
0x18f: {  	[sflag:s6] =	ssyncset.done $0x0  }
0x190: {  	s1 =	rddreg [dreg:$0x12];
	[sflag:s6] =	ssyncadd.s32 $0xFFFFFB00  }
0x191: {  	[spmem:s2] =	stream.indirect.scatter.add.f32 [tilespmem:s11], [sflag:$0x2], $0x10, s1, s15, $0xb8;
	[tilespmem:$0x8F40] =	vst v63  }
0x192: {  	_ =	swait.ge [sflag:s6], $0x500  }
0x193: {  	[sflag:s6] =	ssyncset.done $0x0  }
0x194: {  	s1 =	rddreg [dreg:$0x13];
	[sflag:s6] =	ssyncadd.s32 $0xFFFFFB00  }
0x195: {  	[spmem:s2] =	stream.indirect.scatter.add.f32 [tilespmem:s11], [sflag:$0x2], $0x10, s1, s15, $0xb8;
	[tilespmem:$0x8F40] =	vst v63  }
0x196: {  	_ =	swait.ge [sflag:s6], $0x500  }
0x197: {  	[sflag:s6] =	ssyncset.done $0x0  }
0x198: {  	[sflag:s6] =	ssyncadd.s32 $0xFFFFFB00  }
0x199: {  	[bflag:$0x0] =	sbarrier.arrive $0xFFFF  }
0x19a: {  	s1 =	rddreg [dreg:$0x14]  }
0x19b: {  	[hbm:s1], [sflag:s3] =	dma.local [spmem:s9], $0x500  }
0x19c: {  	_ =	swait.ge [sflag:s6], $0x500  }
0x19d: {  	[sflag:s6] =	ssyncset.done $0x0  }
0x19e: {  	s1 =	rddreg [dreg:$0x15];
	[sflag:s6] =	ssyncadd.s32 $0xFFFFFB00  }
0x19f: {  	[hbm:s1], [sflag:s3] =	dma.local [spmem:s10], $0x140  }
0x1a0: {  	p1 =	sne.s32 s0, $0x1;
	_ =	swait.ge [sflag:s6], $0x140  }
.Ltmp2:
0x1a1: {  	[sflag:s6] =	ssyncset.done $0x0;
	(pc) =	sbr.rel @p1 .LBB2_2-.Ltmp2, $4  }
0x1a2: {  	s1 =	rddreg [dreg:$0x16];
	[sflag:s6] =	ssyncadd.s32 $0xFFFFFEC0  }
0x1a3: {  	[hbm:s1], [sflag:s3] =	dma.local [spmem:s8], $0x140  }
0x1a4: {  	_ =	swait.ge [sflag:s6], $0x140  }
0x1a5: {  	s0 =	sadd.s32 $0xFFFFFFFF, s0;
	s1 =	rddreg [dreg:$0x6];
	[sflag:s6] =	ssyncset.done $0x0  }
.LBB2_3:
0x1a6: {  	[sflag:s6] =	ssyncadd.s32 @p0 $0xFFFFFEC0  }
0x1a7: {  	[spmem:s9], [sflag:s3] =	dma.local [hbm:s1], $0x500  }
0x1a8: {  	_ =	swait.ge [sflag:s6], $0x500  }
0x1a9: {  	[sflag:s6] =	ssyncset.done $0x0  }
0x1aa: {  	[sflag:s6] =	ssyncadd.s32 $0xFFFFFB00  }
0x1ab: {  	[spmem:s10], [sflag:s3] =	dma.local [hbm:s28], $0x140  }
0x1ac: {  	_ =	swait.ge [sflag:s6], $0x140  }
0x1ad: {  	[sflag:s6] =	ssyncset.done $0x0  }
0x1ae: {  	[sflag:s6] =	ssyncadd.s32 $0xFFFFFEC0  }
0x1af: {  	[spmem:s8], [sflag:s3] =	dma.local [hbm:s28], $0x140  }
0x1b0: {  	_ =	swait.ge [sflag:s6], $0x140  }
0x1b1: {  	[sflag:s6] =	ssyncset.done $0x0  }
0x1b2: {  	s0 =	rddreg [dreg:$0x7];
	[sflag:s6] =	ssyncadd.s32 $0xFFFFFEC0  }
0x1b3: {  	[tilespmem:s12], [sflag:$0x2] =	stream.linear.gather [hbm4b:s0+s23], $0x140, $0x38;
	[tilespmem:$0x8F40] =	vst v63  }
0x1b4: {  	_ =	swait.ge [sflag:s6], $0x140  }
0x1b5: {  	[sflag:s6] =	ssyncset.done $0x0  }
0x1b6: {  	s1 =	rddreg [dreg:$0x5];
	[sflag:s6] =	ssyncadd.s32 $0xFFFFFEC0  }
0x1b7: {  	[tilespmem:s11], [sflag:$0x2] =	stream.linear.gather [hbm4b:s1+s23], $0x800, $0x38;
	[tilespmem:$0x8F40] =	vst v63  }
0x1b8: {  	_ =	swait.ge [sflag:s6], $0x800  }
0x1b9: {  	[sflag:s6] =	ssyncset.done $0x0  }
0x1ba: {  	s28 =	rddreg [dreg:$0x8];
	[sflag:s6] =	ssyncadd.s32 $0xFFFFF800  }
0x1bb: {  	[tilespmem:s23], [sflag:$0x2] =	stream.linear.gather [hbm4b:s28+s23], $0x500, $0x38;
	[tilespmem:$0x8F40] =	vst v63  }
0x1bc: {  	_ =	swait.ge [sflag:s6], $0x500  }
0x1bd: {  	[sflag:s6] =	ssyncset.done $0x0  }
0x1be: {  	s1 =	rddreg [dreg:$0x9];
	[sflag:s6] =	ssyncadd.s32 $0xFFFFFB00  }
0x1bf: {  	[tilespmem:s30], [sflag:$0x2] =	stream.linear.gather [hbm4b:s1+s23], $0x500, $0x38;
	[tilespmem:$0x8F40] =	vst v63  }
0x1c0: {  	_ =	swait.ge [sflag:s6], $0x500  }
0x1c1: {  	[sflag:s6] =	ssyncset.done $0x0  }
0x1c2: {  	[sflag:s6] =	ssyncadd.s32 $0xFFFFFB00  }
0x1c3: {  	[bflag:$0x0] =	sbarrier.arrive $0xFFFF  }
0x1c4: {  	[tilespmem:s16], [sflag:$0x1] =	stream.indirect.gather [hbm4b:s7+s13], $0x40, s23, s13, $0xb8;
	[tilespmem:$0x8F40] =	vst v63  }
0x1c5: {  	_ =	swait.ge [sflag:s14], $0x2000  }
0x1c6: {  	[sflag:s14] =	ssyncset.done $0x0  }
0x1c7: {  	[sflag:s14] =	ssyncadd.s32 $0xFFFFE000  }
0x1c8: {  	[tilespmem:s17], [sflag:$0x1] =	stream.indirect.gather [hbm4b:s7+s13], $0x40, s13, s13, $0xb8;
	[tilespmem:$0x8F40] =	vst v63  }
0x1c9: {  	_ = 	snop  }
0x1ca: {  	[spmem:s5] =	stream.indirect.scatter.add.bf16 [tilespmem:s16], [sflag:$0x2], $0x40, s30, s13, $0xb8;
	[tilespmem:$0x8F40] =	vst v63  }
0x1cb: {  	_ =	swait.ge [sflag:s6], $0x2000  }
0x1cc: {  	[sflag:s6] =	ssyncset.done $0x0  }
0x1cd: {  	[sflag:s6] =	ssyncadd.s32 $0xFFFFE000  }
0x1ce: {  	[spmem:s4] =	stream.indirect.scatter.add.f32 [tilespmem:s11], [sflag:$0x2], $0x10, s30, s13, $0xb8;
	[tilespmem:$0x8F40] =	vst v63  }
0x1cf: {  	_ =	swait.ge [sflag:s6], $0x800  }
0x1d0: {  	[sflag:s6] =	ssyncset.done $0x0  }
0x1d1: {  	[sflag:s6] =	ssyncadd.s32 $0xFFFFF800  }
0x1d2: {  	_ =	swait.ge [sflag:s14], $0x2000  }
0x1d3: {  	[sflag:s14] =	ssyncset.done $0x0  }
0x1d4: {  	s23 =	rddreg [dreg:$0xa];
	[sflag:s14] =	ssyncadd.s32 $0xFFFFE000  }
0x1d5: {  	[tilespmem:s16], [sflag:$0x1] =	stream.indirect.gather [hbm4b:s7+s13], $0x40, s23, s13, $0xb8;
	[tilespmem:$0x8F40] =	vst v63  }
0x1d6: {  	_ = 	snop  }
0x1d7: {  	[spmem:s5] =	stream.indirect.scatter.add.bf16 [tilespmem:s17], [sflag:$0x2], $0x40, s31, s13, $0xb8;
	[tilespmem:$0x8F40] =	vst v63  }
0x1d8: {  	_ =	swait.ge [sflag:s6], $0x2000  }
0x1d9: {  	[sflag:s6] =	ssyncset.done $0x0  }
0x1da: {  	[sflag:s6] =	ssyncadd.s32 $0xFFFFE000  }
0x1db: {  	[spmem:s4] =	stream.indirect.scatter.add.f32 [tilespmem:s11], [sflag:$0x2], $0x10, s31, s13, $0xb8;
	[tilespmem:$0x8F40] =	vst v63  }
0x1dc: {  	_ =	swait.ge [sflag:s6], $0x800  }
0x1dd: {  	[sflag:s6] =	ssyncset.done $0x0  }
0x1de: {  	[sflag:s6] =	ssyncadd.s32 $0xFFFFF800  }
0x1df: {  	_ =	swait.ge [sflag:s14], $0x2000  }
0x1e0: {  	[sflag:s14] =	ssyncset.done $0x0  }
0x1e1: {  	s28 =	rddreg [dreg:$0xb];
	[sflag:s14] =	ssyncadd.s32 $0xFFFFE000  }
0x1e2: {  	[tilespmem:s17], [sflag:$0x1] =	stream.indirect.gather [hbm4b:s7+s13], $0x40, s28, s13, $0xb8;
	[tilespmem:$0x8F40] =	vst v63  }
0x1e3: {  	_ = 	snop  }
0x1e4: {  	[spmem:s5] =	stream.indirect.scatter.add.bf16 [tilespmem:s16], [sflag:$0x2], $0x40, s29, s13, $0xb8;
	[tilespmem:$0x8F40] =	vst v63  }
0x1e5: {  	_ =	swait.ge [sflag:s6], $0x2000  }
0x1e6: {  	[sflag:s6] =	ssyncset.done $0x0  }
0x1e7: {  	[sflag:s6] =	ssyncadd.s32 $0xFFFFE000  }
0x1e8: {  	[spmem:s4] =	stream.indirect.scatter.add.f32 [tilespmem:s11], [sflag:$0x2], $0x10, s29, s13, $0xb8;
	[tilespmem:$0x8F40] =	vst v63  }
0x1e9: {  	_ =	swait.ge [sflag:s6], $0x800  }
0x1ea: {  	[sflag:s6] =	ssyncset.done $0x0  }
0x1eb: {  	[sflag:s6] =	ssyncadd.s32 $0xFFFFF800  }
0x1ec: {  	_ =	swait.ge [sflag:s14], $0x2000  }
0x1ed: {  	[sflag:s14] =	ssyncset.done $0x0  }
0x1ee: {  	s29 =	rddreg [dreg:$0xc];
	[sflag:s14] =	ssyncadd.s32 $0xFFFFE000  }
0x1ef: {  	[tilespmem:s16], [sflag:$0x1] =	stream.indirect.gather [hbm4b:s7+s13], $0x40, s29, s13, $0xb8;
	[tilespmem:$0x8F40] =	vst v63  }
0x1f0: {  	_ = 	snop  }
0x1f1: {  	[spmem:s5] =	stream.indirect.scatter.add.bf16 [tilespmem:s17], [sflag:$0x2], $0x40, s26, s13, $0xb8;
	[tilespmem:$0x8F40] =	vst v63  }
0x1f2: {  	_ =	swait.ge [sflag:s6], $0x2000  }
0x1f3: {  	[sflag:s6] =	ssyncset.done $0x0  }
0x1f4: {  	[sflag:s6] =	ssyncadd.s32 $0xFFFFE000  }
0x1f5: {  	[spmem:s4] =	stream.indirect.scatter.add.f32 [tilespmem:s11], [sflag:$0x2], $0x10, s26, s13, $0xb8;
	[tilespmem:$0x8F40] =	vst v63  }
0x1f6: {  	_ =	swait.ge [sflag:s6], $0x800  }
0x1f7: {  	[sflag:s6] =	ssyncset.done $0x0  }
0x1f8: {  	[sflag:s6] =	ssyncadd.s32 $0xFFFFF800  }
0x1f9: {  	_ =	swait.ge [sflag:s14], $0x2000  }
0x1fa: {  	[sflag:s14] =	ssyncset.done $0x0  }
0x1fb: {  	s30 =	rddreg [dreg:$0xd];
	[sflag:s14] =	ssyncadd.s32 $0xFFFFE000  }
0x1fc: {  	[tilespmem:s17], [sflag:$0x1] =	stream.indirect.gather [hbm4b:s7+s13], $0x40, s30, s13, $0xb8;
	[tilespmem:$0x8F40] =	vst v63  }
0x1fd: {  	_ = 	snop  }
0x1fe: {  	[spmem:s5] =	stream.indirect.scatter.add.bf16 [tilespmem:s16], [sflag:$0x2], $0x40, s25, s13, $0xb8;
	[tilespmem:$0x8F40] =	vst v63  }
0x1ff: {  	_ =	swait.ge [sflag:s6], $0x2000  }
0x200: {  	[sflag:s6] =	ssyncset.done $0x0  }
0x201: {  	[sflag:s6] =	ssyncadd.s32 $0xFFFFE000  }
0x202: {  	[spmem:s4] =	stream.indirect.scatter.add.f32 [tilespmem:s11], [sflag:$0x2], $0x10, s25, s13, $0xb8;
	[tilespmem:$0x8F40] =	vst v63  }
0x203: {  	_ =	swait.ge [sflag:s6], $0x800  }
0x204: {  	[sflag:s6] =	ssyncset.done $0x0  }
0x205: {  	[sflag:s6] =	ssyncadd.s32 $0xFFFFF800  }
0x206: {  	_ =	swait.ge [sflag:s14], $0x2000  }
0x207: {  	[sflag:s14] =	ssyncset.done $0x0  }
0x208: {  	s31 =	rddreg [dreg:$0xe];
	[sflag:s14] =	ssyncadd.s32 $0xFFFFE000  }
0x209: {  	[tilespmem:s16], [sflag:$0x1] =	stream.indirect.gather [hbm4b:s7+s13], $0x40, s31, s13, $0xb8;
	[tilespmem:$0x8F40] =	vst v63  }
0x20a: {  	_ = 	snop  }
0x20b: {  	[spmem:s5] =	stream.indirect.scatter.add.bf16 [tilespmem:s17], [sflag:$0x2], $0x40, s24, s13, $0xb8;
	[tilespmem:$0x8F40] =	vst v63  }
0x20c: {  	_ =	swait.ge [sflag:s6], $0x2000  }
0x20d: {  	[sflag:s6] =	ssyncset.done $0x0  }
0x20e: {  	[sflag:s6] =	ssyncadd.s32 $0xFFFFE000  }
0x20f: {  	[spmem:s4] =	stream.indirect.scatter.add.f32 [tilespmem:s11], [sflag:$0x2], $0x10, s24, s13, $0xb8;
	[tilespmem:$0x8F40] =	vst v63  }
0x210: {  	_ =	swait.ge [sflag:s6], $0x800  }
0x211: {  	[sflag:s6] =	ssyncset.done $0x0  }
0x212: {  	[sflag:s6] =	ssyncadd.s32 $0xFFFFF800  }
0x213: {  	_ =	swait.ge [sflag:s14], $0x2000  }
0x214: {  	[sflag:s14] =	ssyncset.done $0x0  }
0x215: {  	s1 =	rddreg [dreg:$0xf];
	[sflag:s14] =	ssyncadd.s32 $0xFFFFE000  }
0x216: {  	[tilespmem:s17], [sflag:$0x1] =	stream.indirect.gather [hbm4b:s7+s13], $0x40, s1, s13, $0xb8;
	[tilespmem:$0x8F40] =	vst v63  }
0x217: {  	_ = 	snop  }
0x218: {  	[spmem:s5] =	stream.indirect.scatter.add.bf16 [tilespmem:s16], [sflag:$0x2], $0x40, s22, s13, $0xb8;
	[tilespmem:$0x8F40] =	vst v63  }
0x219: {  	_ =	swait.ge [sflag:s6], $0x2000  }
0x21a: {  	[sflag:s6] =	ssyncset.done $0x0  }
0x21b: {  	[sflag:s6] =	ssyncadd.s32 $0xFFFFE000  }
0x21c: {  	[spmem:s4] =	stream.indirect.scatter.add.f32 [tilespmem:s11], [sflag:$0x2], $0x10, s22, s13, $0xb8;
	[tilespmem:$0x8F40] =	vst v63  }
0x21d: {  	_ =	swait.ge [sflag:s6], $0x800  }
0x21e: {  	[sflag:s6] =	ssyncset.done $0x0  }
0x21f: {  	[sflag:s6] =	ssyncadd.s32 $0xFFFFF800  }
0x220: {  	_ =	swait.ge [sflag:s14], $0x2000  }
0x221: {  	[sflag:s14] =	ssyncset.done $0x0  }
0x222: {  	s23 =	rddreg [dreg:$0x10];
	[sflag:s14] =	ssyncadd.s32 $0xFFFFE000  }
0x223: {  	[tilespmem:s16], [sflag:$0x1] =	stream.indirect.gather [hbm4b:s7+s13], $0x40, s23, s13, $0xb8;
	[tilespmem:$0x8F40] =	vst v63  }
0x224: {  	_ = 	snop  }
0x225: {  	[spmem:s5] =	stream.indirect.scatter.add.bf16 [tilespmem:s17], [sflag:$0x2], $0x40, s21, s13, $0xb8;
	[tilespmem:$0x8F40] =	vst v63  }
0x226: {  	_ =	swait.ge [sflag:s6], $0x2000  }
0x227: {  	[sflag:s6] =	ssyncset.done $0x0  }
0x228: {  	[sflag:s6] =	ssyncadd.s32 $0xFFFFE000  }
0x229: {  	[spmem:s4] =	stream.indirect.scatter.add.f32 [tilespmem:s11], [sflag:$0x2], $0x10, s21, s13, $0xb8;
	[tilespmem:$0x8F40] =	vst v63  }
0x22a: {  	_ =	swait.ge [sflag:s6], $0x800  }
0x22b: {  	[sflag:s6] =	ssyncset.done $0x0  }
0x22c: {  	[sflag:s6] =	ssyncadd.s32 $0xFFFFF800  }
0x22d: {  	_ =	swait.ge [sflag:s14], $0x2000  }
0x22e: {  	[sflag:s14] =	ssyncset.done $0x0  }
0x22f: {  	[sflag:s14] =	ssyncadd.s32 $0xFFFFE000  }
0x230: {  	[tilespmem:s17], [sflag:$0x1] =	stream.indirect.gather [hbm4b:s7+s13], $0x40, s19, s13, $0xb8;
	[tilespmem:$0x8F40] =	vst v63  }
0x231: {  	_ = 	snop  }
0x232: {  	[spmem:s5] =	stream.indirect.scatter.add.bf16 [tilespmem:s16], [sflag:$0x2], $0x40, s20, s13, $0xb8;
	[tilespmem:$0x8F40] =	vst v63  }
0x233: {  	_ =	swait.ge [sflag:s6], $0x2000  }
0x234: {  	[sflag:s6] =	ssyncset.done $0x0  }
0x235: {  	[sflag:s6] =	ssyncadd.s32 $0xFFFFE000  }
0x236: {  	[spmem:s4] =	stream.indirect.scatter.add.f32 [tilespmem:s11], [sflag:$0x2], $0x10, s20, s13, $0xb8;
	[tilespmem:$0x8F40] =	vst v63  }
0x237: {  	_ =	swait.ge [sflag:s6], $0x800  }
0x238: {  	[sflag:s6] =	ssyncset.done $0x0  }
0x239: {  	[sflag:s6] =	ssyncadd.s32 $0xFFFFF800  }
0x23a: {  	_ =	swait.ge [sflag:s14], $0x2000  }
0x23b: {  	[sflag:s14] =	ssyncset.done $0x0  }
0x23c: {  	[sflag:s14] =	ssyncadd.s32 $0xFFFFE000  }
0x23d: {  	[tilespmem:s16], [sflag:$0x1] =	stream.indirect.gather [hbm4b:s7+s13], $0x40, s19, s13, $0xb8;
	[tilespmem:$0x8F40] =	vst v63  }
0x23e: {  	_ = 	snop  }
0x23f: {  	[spmem:s5] =	stream.indirect.scatter.add.bf16 [tilespmem:s17], [sflag:$0x2], $0x40, s18, s13, $0xb8;
	[tilespmem:$0x8F40] =	vst v63  }
0x240: {  	_ =	swait.ge [sflag:s6], $0x2000  }
0x241: {  	[sflag:s6] =	ssyncset.done $0x0  }
0x242: {  	[sflag:s6] =	ssyncadd.s32 $0xFFFFE000  }
0x243: {  	[spmem:s4] =	stream.indirect.scatter.add.f32 [tilespmem:s11], [sflag:$0x2], $0x10, s18, s13, $0xb8;
	[tilespmem:$0x8F40] =	vst v63  }
0x244: {  	_ =	swait.ge [sflag:s6], $0x800  }
0x245: {  	[sflag:s6] =	ssyncset.done $0x0  }
0x246: {  	[sflag:s6] =	ssyncadd.s32 $0xFFFFF800  }
0x247: {  	_ =	swait.ge [sflag:s14], $0x2000  }
0x248: {  	[sflag:s14] =	ssyncset.done $0x0  }
0x249: {  	[sflag:s14] =	ssyncadd.s32 $0xFFFFE000  }
0x24a: {  	[spmem:s2] =	stream.indirect.scatter.add.f32 [tilespmem:s11], [sflag:$0x2], $0x10, s12, s15, $0xb8;
	[tilespmem:$0x8F40] =	vst v63  }
0x24b: {  	_ =	swait.ge [sflag:s6], $0x500  }
0x24c: {  	[sflag:s6] =	ssyncset.done $0x0  }
0x24d: {  	s24 =	rddreg [dreg:$0x11];
	[sflag:s6] =	ssyncadd.s32 $0xFFFFFB00  }
0x24e: {  	[spmem:s2] =	stream.indirect.scatter.add.f32 [tilespmem:s11], [sflag:$0x2], $0x10, s24, s15, $0xb8;
	[tilespmem:$0x8F40] =	vst v63  }
0x24f: {  	_ =	swait.ge [sflag:s6], $0x500  }
0x250: {  	[sflag:s6] =	ssyncset.done $0x0  }
0x251: {  	s25 =	rddreg [dreg:$0x12];
	[sflag:s6] =	ssyncadd.s32 $0xFFFFFB00  }
0x252: {  	[spmem:s2] =	stream.indirect.scatter.add.f32 [tilespmem:s11], [sflag:$0x2], $0x10, s25, s15, $0xb8;
	[tilespmem:$0x8F40] =	vst v63  }
0x253: {  	_ =	swait.ge [sflag:s6], $0x500  }
0x254: {  	[sflag:s6] =	ssyncset.done $0x0  }
0x255: {  	s26 =	rddreg [dreg:$0x13];
	[sflag:s6] =	ssyncadd.s32 $0xFFFFFB00  }
0x256: {  	[spmem:s2] =	stream.indirect.scatter.add.f32 [tilespmem:s11], [sflag:$0x2], $0x10, s26, s15, $0xb8;
	[tilespmem:$0x8F40] =	vst v63  }
0x257: {  	_ =	swait.ge [sflag:s6], $0x500  }
0x258: {  	[sflag:s6] =	ssyncset.done $0x0  }
0x259: {  	[sflag:s6] =	ssyncadd.s32 $0xFFFFFB00  }
0x25a: {  	[bflag:$0x0] =	sbarrier.arrive $0xFFFF  }
0x25b: {  	s28 =	rddreg [dreg:$0x14]  }
0x25c: {  	[hbm:s28], [sflag:s3] =	dma.local [spmem:s9], $0x500  }
0x25d: {  	_ =	swait.ge [sflag:s6], $0x500  }
0x25e: {  	[sflag:s6] =	ssyncset.done $0x0  }
0x25f: {  	s29 =	rddreg [dreg:$0x15];
	[sflag:s6] =	ssyncadd.s32 $0xFFFFFB00  }
0x260: {  	[hbm:s29], [sflag:s3] =	dma.local [spmem:s10], $0x140  }
0x261: {  	_ =	swait.ge [sflag:s6], $0x140  }
0x262: {  	[sflag:s6] =	ssyncset.done $0x0  }
0x263: {  	s30 =	rddreg [dreg:$0x16];
	[sflag:s6] =	ssyncadd.s32 $0xFFFFFEC0  }
0x264: {  	[hbm:s30], [sflag:s3] =	dma.local [spmem:s8], $0x140  }
0x265: {  	_ =	swait.ge [sflag:s6], $0x140  }
0x266: {  	[sflag:s6] =	ssyncset.done $0x0  }
0x267: {  	[sflag:s6] =	ssyncadd.s32 $0xFFFFFEC0  }
0x268: {  	_ =	sfence.sel $0x180000  }
0x269: {  	[bflag:$0x0] =	sbarrier.arrive $0xFFFF  }
0x26a: {  	_ =	strace $0x9000004A  }
0x26b: {  	s31 =	stileid.u32;
	[bflag:$0x2] =	sbarrier.arrive $0xFFFF  }
0x26c: {  	p0 =	sne.s32 s31, $0x0;
	s0 =	rddreg [dreg:$0x4]  }
0x26d: {  	s0 =	sadd.s32 @!p0 $0x100000, s0  }
0x26e: {  	[sflag:s0] =	ssyncadd.tile.s32 @!p0 $0x1;
	_ =	shalt  }
.Lfunc_end2:
_tile_overlayer_lowered:
.L_overlay_start_2:
0x26f: {  	(tag) =	ssettag $0x2  }
0x270: {  	s0 =	rddreg [dreg:$0x0];
	s2 =	stileid.u32  }
0x271: {  	s1 =	rddreg [dreg:$0x1];
	p0 =	sne.s32 s2, $0x0  }
0x272: {  	s3 =	rddreg [dreg:$0x2];
	[bflag:$0x3] =	sbarrier.arrive $0xFFFF;
	s2 =	simm.s32 @!p0 $0x1C02  }
0x273: {  	[timem:s3], [sflag:s2] =	dma.local @!p0 [hbm:s0], s1  }
0x274: {  	s0 =	simm.s32 @!p0 $0x2  }
0x275: {  	_ =	swait.ge @!p0 [sflag:s0], s1  }
0x276: {  	s1 =	ssub.s32 @!p0 $0x0, s1;
	[sflag:s0] =	ssyncset.done @!p0 $0x0  }
0x277: {  	[sflag:s0] =	ssyncadd.s32 @!p0 s1  }
0x278: {  	[bflag:$0x3] =	sbarrier.arrive $0xFFFF  }
0x279: {  	_ =	shalt  }

</sc_bundles>
